<compile_context>
chip_gen: v7x
topology: tpu7x:2x2x1
jax: 0.10.2.dev20260603
libtpu: 0.0.44.dev20260713+nightly
codegen_flags: <defaults>
</compile_context>

<pallas_src>
import jax
import jax.numpy as jnp
from jax import lax
from jax.experimental import pallas as pl
from jax.experimental.pallas import tpu as pltpu
from jax.experimental.pallas import tpu_sc as plsc

_NC = 100000
_NI = 1000000
_D = 16
_B = 4096
_L = 200
_BL = _B * _L
_CH = 87040
_NPASS = 6
_CH_ALLOC = 87168
_DUMMY_OFF = 87040
_SLICE = 5448
_TILE_V = 3200
_BLK_V = 320
_NBLK = 10
_W = 256
_ESHIFT = 13
_SPILL = 5200
_STAGE = 5216
_X_ALLOC = _BL + 16
_ZDEG = 608


def _sc_body(cid_hbm, f_hbm, r_hbm, emb_hbm, x_hbm, e_hbm, st_hbm,
             acc_sp, deg_sp, ctab_sp,
             itb, rib,
             stage1, stage2, rowidbuf, idxbuf, idxbuf2, idx16,
             srcw, gbuf, degbuf, zbuf, zdeg, ones, counts, sem1, sem2):
    core = lax.axis_index("c")
    sid = lax.axis_index("s")
    vbase = sid * _TILE_V
    wid32 = core * 16 + sid
    iota = lax.broadcasted_iota(jnp.int32, (_D,), 0)

    zero16 = jnp.zeros((_D,), jnp.float32)
    one16 = jnp.full((_D,), 1.0, jnp.float32)

    def _z1(j, _):
        zbuf[j] = zero16
        return 0
    lax.fori_loop(0, 136, _z1, 0)

    def _z2(j, _):
        zdeg[pl.ds(j * 16, 16)] = zero16
        return 0
    lax.fori_loop(0, _ZDEG // 16 + 1, _z2, 0)

    def _z3(j, _):
        ones[pl.ds(j * 16, 16)] = one16
        return 0
    lax.fori_loop(0, _W // 16, _z3, 0)

    ebase = vbase + core * 1600

    def _eblk(b, _):
        voff = ebase + b * 16
        pltpu.sync_copy(f_hbm.at[pl.ds(voff * 16, _W)], itb.at[pl.ds(0, _W)])

        def _eidx(v, _):
            idxbuf[pl.ds(v * 16, 16)] = itb[pl.ds(v * 16, 16)] + _NC
            return 0
        lax.fori_loop(0, 16, _eidx, 0)
        pltpu.sync_copy(emb_hbm.at[idxbuf], gbuf)
        pltpu.sync_copy(gbuf, e_hbm.at[pl.ds(voff * 16, _W)])
        return 0
    lax.fori_loop(0, 100, _eblk, 0)

    pltpu.sync_copy(cid_hbm.at[pl.ds(sid * _W, _W)], idxbuf)
    pltpu.sync_copy(emb_hbm.at[idxbuf], gbuf)
    pltpu.sync_copy(gbuf, ctab_sp.at[pl.ds(sid * _W, _W)])

    def _zero_slice():
        def _za(k, _):
            pltpu.sync_copy(zbuf,
                            acc_sp.at[pl.ds(sid * _SLICE + k * 136, 136)])
            return 0
        lax.fori_loop(0, 40, _za, 0)
        pltpu.sync_copy(zbuf.at[pl.ds(0, 8)],
                        acc_sp.at[pl.ds(sid * _SLICE + 5440, 8)])

        def _zd(k, _):
            pltpu.sync_copy(zdeg.at[pl.ds(0, _ZDEG)],
                            deg_sp.at[pl.ds(sid * _SLICE + k * _ZDEG, _ZDEG)])
            return 0
        lax.fori_loop(0, 8, _zd, 0)
        pltpu.sync_copy(zdeg.at[pl.ds(0, 584)],
                        deg_sp.at[pl.ds(sid * _SLICE + 4864, 584)])

    _zero_slice()
    plsc.subcore_barrier()

    def _compact(m):
        v = jnp.where(m, 1, 0)
        for k in (1, 2, 4, 8):
            g = v[jnp.maximum(iota - k, 0)]
            v = v + jnp.where(iota >= k, g, 0)
        total = v[15]
        target = iota + 1
        lo = jnp.zeros((_D,), jnp.int32)
        hi = jnp.full((_D,), 15, jnp.int32)
        for _ in range(4):
            mid = (lo + hi) >> 1
            ge = v[mid] >= target
            hi = jnp.where(ge, mid, hi)
            lo = jnp.where(ge, lo, mid + 1)
        return total, lo

    def _pass(p, _):
        lo_item = (2 * p + core) * _CH
        hi_item = lo_item + _CH
        spill_base = ((wid32 * _NPASS + p) * _NBLK) * _SPILL

        def _ablk(b, _):
            voff = vbase + b * _BLK_V
            pltpu.sync_copy(f_hbm.at[pl.ds(voff * 16, _BLK_V * 16)], itb)
            pltpu.sync_copy(r_hbm.at[pl.ds(voff * 16, _BLK_V * 16)], rib)

            def _scan(v, n):
                vit = itb[pl.ds(v * 16, 16)]
                m = (vit >= lo_item) & (vit < hi_item)
                total, perm = _compact(m)
                off = vit - lo_item
                p1 = (off << 12) | rib[pl.ds(v * 16, 16)]
                p2 = (off << _ESHIFT) | (v * 16 + iota)
                stage1[pl.ds(n, 16)] = p1[perm]
                stage2[pl.ds(n, 16)] = p2[perm]
                return n + total
            n = lax.fori_loop(0, _BLK_V, _scan, 0)
            counts[b] = n

            nw = (n + _W - 1) // _W
            dummy1 = jnp.full((16,), _DUMMY_OFF << 12, jnp.int32)
            dummy2 = jnp.full((16,), _DUMMY_OFF << _ESHIFT, jnp.int32)

            def _pad(k, _):
                pos = n + k * 16

                @pl.when(pos < nw * _W)
                def _():
                    stage1[pl.ds(pos, 16)] = dummy1
                    stage2[pl.ds(pos, 16)] = dummy2
                return 0
            lax.fori_loop(0, _W // 16, _pad, 0)

            spill = pltpu.async_copy(
                stage2.at[pl.ds(0, _SPILL)],
                st_hbm.at[pl.ds(spill_base + b * _SPILL, _SPILL)], sem2)

            def _win(s, _):
                def _cp(k, _):
                    p1 = stage1[pl.ds(s * _W + k * 16, 16)]
                    idxbuf[pl.ds(k * 16, 16)] = p1 >> 12
                    rowidbuf[pl.ds(k * 16, 16)] = p1 & 4095
                    return 0
                lax.fori_loop(0, _W // 16, _cp, 0)
                deg = pltpu.async_copy(ones, deg_sp.at[idxbuf], sem1, add=True)
                pltpu.sync_copy(ctab_sp.at[rowidbuf], srcw)
                pltpu.sync_copy(srcw, acc_sp.at[idxbuf], add=True)
                deg.wait()
                return 0
            lax.fori_loop(0, nw, _win, 0)
            spill.wait()
            return 0
        lax.fori_loop(0, _NBLK, _ablk, 0)

        plsc.subcore_barrier()

        def _div(w, _):
            rbase = sid * _SLICE + w * _W
            pltpu.sync_copy(acc_sp.at[pl.ds(rbase, _W)], gbuf)
            pltpu.sync_copy(deg_sp.at[pl.ds(rbase, _W)],
                            degbuf.at[pl.ds(0, _W)])

            def _sc(q, _):
                rv = 1.0 / jnp.maximum(degbuf[pl.ds(q * 16, 16)], 1.0)
                for t in range(16):
                    gbuf[q * 16 + t] = gbuf[q * 16 + t] * rv[t]
                return 0
            lax.fori_loop(0, _W // 16, _sc, 0)
            pltpu.sync_copy(gbuf, acc_sp.at[pl.ds(rbase, _W)])
            return 0
        lax.fori_loop(0, 21, _div, 0)
        rbase = sid * _SLICE + 21 * _W
        pltpu.sync_copy(acc_sp.at[pl.ds(rbase, 72)], gbuf.at[pl.ds(0, 72)])
        pltpu.sync_copy(deg_sp.at[pl.ds(rbase, 72)], degbuf.at[pl.ds(0, 72)])

        def _sct(q, _):
            rv = 1.0 / jnp.maximum(degbuf[pl.ds(q * 16, 16)], 1.0)
            for t in range(16):
                gbuf[q * 16 + t] = gbuf[q * 16 + t] * rv[t]
            return 0
        lax.fori_loop(0, 5, _sct, 0)
        pltpu.sync_copy(gbuf.at[pl.ds(0, 72)], acc_sp.at[pl.ds(rbase, 72)])

        plsc.subcore_barrier()

        def _bblk(b, _):
            n = counts[b]
            voff = vbase + b * _BLK_V
            pltpu.sync_copy(st_hbm.at[pl.ds(spill_base + b * _SPILL, _SPILL)],
                            stage2.at[pl.ds(0, _SPILL)])
            nw = (n + _W - 1) // _W

            def _win(s, _):
                def _cp(k, _):
                    p2 = stage2[pl.ds(s * _W + k * 16, 16)]
                    idxbuf[pl.ds(k * 16, 16)] = p2 >> _ESHIFT
                    idxbuf2[pl.ds(k * 16, 16)] = jnp.where(
                        p2 >= (_DUMMY_OFF << _ESHIFT), _BL,
                        voff * 16 + (p2 & ((1 << _ESHIFT) - 1)))
                    return 0
                lax.fori_loop(0, _W // 16, _cp, 0)
                pltpu.sync_copy(acc_sp.at[idxbuf], gbuf)
                pltpu.sync_copy(gbuf, x_hbm.at[idxbuf2])
                return 0
            lax.fori_loop(0, nw, _win, 0)
            return 0
        lax.fori_loop(0, _NBLK, _bblk, 0)

        plsc.subcore_barrier()

        @pl.when(p < _NPASS - 1)
        def _():
            _zero_slice()
        plsc.subcore_barrier()
        return 0
    lax.fori_loop(0, _NPASS, _pass, 0)


def _transform_body(x_ref, e_ref, wa_ref, ws_ref, o_ref):
    y = jnp.dot(x_ref[...], wa_ref[...], preferred_element_type=jnp.float32)
    y = y + jnp.dot(e_ref[...], ws_ref[...], preferred_element_type=jnp.float32)
    o_ref[...] = jnp.maximum(y, 0.0)


_sc_kernel = pl.kernel(
    _sc_body,
    out_type=(
        jax.ShapeDtypeStruct((_X_ALLOC, _D), jnp.float32),
        jax.ShapeDtypeStruct((_BL, _D), jnp.float32),
        jax.ShapeDtypeStruct((32 * _NPASS * _NBLK * _SPILL,),
                             jnp.int32),
    ),
    mesh=plsc.VectorSubcoreMesh(core_axis_name="c", subcore_axis_name="s"),
    compiler_params=pltpu.CompilerParams(use_tc_tiling_on_sc=False),
    scratch_types=dict(
        acc_sp=pltpu.MemorySpace.VMEM_SHARED((_CH_ALLOC, _D), jnp.float32),
        deg_sp=pltpu.MemorySpace.VMEM_SHARED((_CH_ALLOC,), jnp.float32),
        ctab_sp=pltpu.MemorySpace.VMEM_SHARED((_B, _D), jnp.float32),
        itb=pltpu.MemorySpace.VMEM((_BLK_V * 16,), jnp.int32),
        rib=pltpu.MemorySpace.VMEM((_BLK_V * 16,), jnp.int32),
        stage1=pltpu.MemorySpace.VMEM((_STAGE,), jnp.int32),
        stage2=pltpu.MemorySpace.VMEM((_STAGE,), jnp.int32),
        rowidbuf=pltpu.MemorySpace.VMEM((_W,), jnp.int32),
        idxbuf=pltpu.MemorySpace.VMEM((_W,), jnp.int32),
        idxbuf2=pltpu.MemorySpace.VMEM((_W,), jnp.int32),
        idx16=pltpu.MemorySpace.VMEM((16,), jnp.int32),
        srcw=pltpu.MemorySpace.VMEM((_W, _D), jnp.float32),
        gbuf=pltpu.MemorySpace.VMEM((_W, _D), jnp.float32),
        degbuf=pltpu.MemorySpace.VMEM((_W + 16,), jnp.float32),
        zbuf=pltpu.MemorySpace.VMEM((136, _D), jnp.float32),
        zdeg=pltpu.MemorySpace.VMEM((_ZDEG + 16,), jnp.float32),
        ones=pltpu.MemorySpace.VMEM((_W,), jnp.float32),
        counts=pltpu.MemorySpace.SMEM((_NBLK,), jnp.int32),
        sem1=pltpu.SemaphoreType.DMA,
        sem2=pltpu.SemaphoreType.DMA,
    ),
)


def kernel(client_ids, item_ids, node_emb, W_agg, W_self):
    B, L = item_ids.shape
    f1 = item_ids.reshape(-1)
    rowidx = jnp.arange(_BL, dtype=jnp.int32) // _L
    X, E, _ = _sc_kernel(client_ids, f1, rowidx, node_emb)

    grid = (_BL // 8192,)
    out = pl.pallas_call(
        _transform_body,
        grid=grid,
        in_specs=[
            pl.BlockSpec((8192, _D), lambda i: (i, 0)),
            pl.BlockSpec((8192, _D), lambda i: (i, 0)),
            pl.BlockSpec((_D, _D), lambda i: (0, 0)),
            pl.BlockSpec((_D, _D), lambda i: (0, 0)),
        ],
        out_specs=pl.BlockSpec((8192, _D), lambda i: (i, 0)),
        out_shape=jax.ShapeDtypeStruct((_BL, _D), jnp.float32),
    )(X, E, W_agg, W_self)
    return out.reshape(B, L, _D)

# --- scband reference (transcript-rebuilt; emitter-appended) ---
"""Pipeline reference for scband-static-gnntrainable-client-item-encoder-54116587929920 (READ-ONLY COPY).

The authoritative reference and input builder live on the scoring server;
editing this copy changes nothing except your own understanding.
"""

import jax, jax.numpy as jnp
import numpy as np

NUM_CLIENTS = 100000
NUM_ITEMS = 1000000
EMBED_DIM = 16
BATCH = 4096
SEQ_LEN = 200
NUM_NODES = NUM_CLIENTS + NUM_ITEMS


def setup_inputs(seed: int = 0) -> dict:
    key = jax.random.key(seed)
    k1, k2, k3, k4, k5 = jax.random.split(key, 5)
    client_ids = jax.random.randint(k1, (BATCH,), 0, NUM_CLIENTS, dtype=jnp.int32)
    item_ids = jax.random.randint(k2, (BATCH, SEQ_LEN), 0, NUM_ITEMS, dtype=jnp.int32)
    # learned parameters of the GnnLinkPredictor: a node embedding table over the
    # full static client-item graph plus one message-passing layer's weights
    node_emb = jax.random.normal(k3, (NUM_NODES, EMBED_DIM), dtype=jnp.float32) * 0.02
    W_agg = jax.random.normal(k4, (EMBED_DIM, EMBED_DIM), dtype=jnp.float32) * 0.1
    W_self = jax.random.normal(k5, (EMBED_DIM, EMBED_DIM), dtype=jnp.float32) * 0.1
    return {
        "client_ids": client_ids,
        "item_ids": item_ids,
        "node_emb": node_emb,
        "W_agg": W_agg,
        "W_self": W_self,
    }


def reference(client_ids, item_ids, node_emb, W_agg, W_self):
    B, L = item_ids.shape
    # --- data_adapter: ColesBatchToSubgraphConverter ---
    # Build the bipartite subgraph induced by the batch: client nodes keep
    # their global ids; item nodes are offset by NUM_CLIENTS.
    src = jnp.repeat(client_ids, L)                       # [B*L] client node ids
    dst = (item_ids.reshape(-1) + NUM_CLIENTS)            # [B*L] item node ids
    subgraph_item_ids = dst                               # gather targets

    # --- gnn_link_predictor: one mean-aggregation message-passing layer ---
    ones = jnp.ones((src.shape[0],), dtype=jnp.float32)
    # messages flow in both directions on the bipartite graph
    msg_to_items = jax.ops.segment_sum(node_emb[src], dst, num_segments=NUM_NODES)
    msg_to_clients = jax.ops.segment_sum(node_emb[dst], src, num_segments=NUM_NODES)
    deg_items = jax.ops.segment_sum(ones, dst, num_segments=NUM_NODES)
    deg_clients = jax.ops.segment_sum(ones, src, num_segments=NUM_NODES)
    agg = msg_to_items + msg_to_clients
    deg = jnp.maximum(deg_items + deg_clients, 1.0)[:, None]
    agg = agg / deg
    h = jax.nn.relu(agg @ W_agg + node_emb @ W_self)      # [NUM_NODES, D]

    # --- final gather: subgraph_node_embeddings[subgraph_item_ids] ---
    item_embeddings = h[subgraph_item_ids].reshape(B, L, EMBED_DIM)
    return item_embeddings

if __name__ == "__main__":
    import jax
    _d = setup_inputs()
    print(jax.jit(kernel)(*tuple(_d.values())))

</pallas_src>

<mosaic_0001>
#map = affine_map<(d0, d1) -> (0)>
#map1 = affine_map<(d0, d1) -> (0, 0)>
module attributes {stable_mosaic.version = 14 : i64} {
  func.func @_sc_body(%arg0: i32, %arg1: i32, %arg2: memref<4096xi32, #tpu.memory_space<hbm>>, %arg3: memref<819200xi32, #tpu.memory_space<hbm>>, %arg4: memref<819200xi32, #tpu.memory_space<hbm>>, %arg5: memref<1100000x16xf32, #tpu.memory_space<hbm>>, %arg6: memref<819216x16xf32, #tpu.memory_space<hbm>>, %arg7: memref<819200x16xf32, #tpu.memory_space<hbm>>, %arg8: memref<9984000xi32, #tpu.memory_space<hbm>>, %arg9: memref<87168x16xf32, #tpu.memory_space<vmem_shared>>, %arg10: memref<10xi32, #tpu.memory_space<smem>>, %arg11: memref<4096x16xf32, #tpu.memory_space<vmem_shared>>, %arg12: memref<87168xf32, #tpu.memory_space<vmem_shared>>, %arg13: memref<272xf32, #tpu.memory_space<vmem>>, %arg14: memref<256x16xf32, #tpu.memory_space<vmem>>, %arg15: memref<16xi32, #tpu.memory_space<vmem>>, %arg16: memref<256xi32, #tpu.memory_space<vmem>>, %arg17: memref<256xi32, #tpu.memory_space<vmem>>, %arg18: memref<5120xi32, #tpu.memory_space<vmem>>, %arg19: memref<256xf32, #tpu.memory_space<vmem>>, %arg20: memref<5120xi32, #tpu.memory_space<vmem>>, %arg21: memref<256xi32, #tpu.memory_space<vmem>>, %arg22: memref<!tpu.dma_semaphore, #tpu.memory_space<semaphore_mem>>, %arg23: memref<!tpu.dma_semaphore, #tpu.memory_space<semaphore_mem>>, %arg24: memref<256x16xf32, #tpu.memory_space<vmem>>, %arg25: memref<5216xi32, #tpu.memory_space<vmem>>, %arg26: memref<5216xi32, #tpu.memory_space<vmem>>, %arg27: memref<136x16xf32, #tpu.memory_space<vmem>>, %arg28: memref<624xf32, #tpu.memory_space<vmem>>) attributes {dimension_semantics = [#tpu.dimension_semantics<core_parallel>, #tpu.dimension_semantics<subcore_parallel>], iteration_bounds = array<i64: 2, 16>, scalar_prefetch = 0 : i64, scratch_operands = 20 : i64, tpu.core_type = #tpu.core_type<sc_vector_subcore>, window_params = [{transform_indices = #map}, {transform_indices = #map}, {transform_indices = #map}, {transform_indices = #map1}, {transform_indices = #map1}, {transform_indices = #map1}, {transform_indices = #map}]} {
    %mul3A = arith.constant 3200 : i32
    %mul3A_0 = arith.muli %arg1, %mul3A : i32
    %mul3A_1 = arith.constant 16 : i32
    %mul3A_2 = arith.muli %arg0, %mul3A_1 : i32
    %add3A = arith.addi %mul3A_2, %arg1 : i32
    %iota3A = tpu.iota {dimensions = array<i32: 0>} : vector<16xi32>
    %broadcast_in_dim3A = arith.constant 0.000000e+00 : f32
    %broadcast_in_dim3A_3 = vector.broadcast %broadcast_in_dim3A : f32 to vector<16xf32>
    %broadcast_in_dim3A_4 = arith.constant 1.000000e+00 : f32
    %broadcast_in_dim3A_5 = vector.broadcast %broadcast_in_dim3A_4 : f32 to vector<16xf32>
    %scan3A = arith.constant 0 : i32
    %scan3A_6 = arith.constant 0 : i32
    %scan3A_7 = arith.constant 136 : i32
    %scan3A_8 = arith.addi %scan3A_6, %scan3A_7 : i32
    %scan3A_9 = arith.constant 1 : i32
    %scan3A_10 = scf.for %scan3A_69 = %scan3A_6 to %scan3A_8 step %scan3A_9 iter_args(%scan3A_70 = %scan3A) -> (i32)  : i32 {
      %swap3A = arith.index_cast %scan3A_69 : i32 to index
      %swap3A_71 = arith.constant 0 : index
      %swap3A_72 = tpu.vector_load %arg27[%swap3A, %swap3A_71] {strides = array<i32>} : memref<136x16xf32, #tpu.memory_space<vmem>>, vector<1x16xf32>,
      %swap3A_73 = vector.shape_cast %swap3A_72 : vector<1x16xf32> to vector<16xf32>
      %swap3A_74 = vector.shape_cast %broadcast_in_dim3A_3 : vector<16xf32> to vector<1x16xf32>
      tpu.vector_store %arg27[%swap3A, %swap3A_71], %swap3A_74 {strides = array<i32>} : memref<136x16xf32, #tpu.memory_space<vmem>>, vector<1x16xf32>,
      %scan3A_75 = arith.constant 0 : i32
      scf.yield %scan3A_75 : i32
    }
    %scan3A_11 = arith.constant 136 : i32
    %scan3A_12 = arith.constant 0 : i32
    %scan3A_13 = arith.constant 0 : i32
    %scan3A_14 = arith.constant 39 : i32
    %scan3A_15 = arith.addi %scan3A_13, %scan3A_14 : i32
    %scan3A_16 = arith.constant 1 : i32
    %scan3A_17 = scf.for %scan3A_69 = %scan3A_13 to %scan3A_15 step %scan3A_16 iter_args(%scan3A_70 = %scan3A_12) -> (i32)  : i32 {
      %mul3A_71 = arith.constant 16 : i32
      %mul3A_72 = arith.muli %scan3A_69, %mul3A_71 : i32
      %swap3A = arith.index_cast %mul3A_72 : i32 to index
      %swap3A_73 = tpu.vector_load %arg28[%swap3A] {strides = array<i32>} : memref<624xf32, #tpu.memory_space<vmem>>, vector<16xf32>,
      %swap3A_74 = vector.shape_cast %swap3A_73 : vector<16xf32> to vector<16xf32>
      %swap3A_75 = vector.shape_cast %broadcast_in_dim3A_3 : vector<16xf32> to vector<16xf32>
      tpu.vector_store %arg28[%swap3A], %swap3A_75 {strides = array<i32>} : memref<624xf32, #tpu.memory_space<vmem>>, vector<16xf32>,
      %scan3A_76 = arith.constant 0 : i32
      scf.yield %scan3A_76 : i32
    }
    %scan3A_18 = arith.constant 39 : i32
    %scan3A_19 = arith.constant 0 : i32
    %scan3A_20 = arith.constant 0 : i32
    %scan3A_21 = arith.constant 16 : i32
    %scan3A_22 = arith.addi %scan3A_20, %scan3A_21 : i32
    %scan3A_23 = arith.constant 1 : i32
    %scan3A_24 = scf.for %scan3A_69 = %scan3A_20 to %scan3A_22 step %scan3A_23 iter_args(%scan3A_70 = %scan3A_19) -> (i32)  : i32 {
      %mul3A_71 = arith.constant 16 : i32
      %mul3A_72 = arith.muli %scan3A_69, %mul3A_71 : i32
      %swap3A = arith.index_cast %mul3A_72 : i32 to index
      %swap3A_73 = tpu.vector_load %arg19[%swap3A] {strides = array<i32>} : memref<256xf32, #tpu.memory_space<vmem>>, vector<16xf32>,
      %swap3A_74 = vector.shape_cast %swap3A_73 : vector<16xf32> to vector<16xf32>
      %swap3A_75 = vector.shape_cast %broadcast_in_dim3A_5 : vector<16xf32> to vector<16xf32>
      tpu.vector_store %arg19[%swap3A], %swap3A_75 {strides = array<i32>} : memref<256xf32, #tpu.memory_space<vmem>>, vector<16xf32>,
      %scan3A_76 = arith.constant 0 : i32
      scf.yield %scan3A_76 : i32
    }
    %scan3A_25 = arith.constant 16 : i32
    %mul3A_26 = arith.constant 1600 : i32
    %mul3A_27 = arith.muli %arg0, %mul3A_26 : i32
    %add3A_28 = arith.addi %mul3A_0, %mul3A_27 : i32
    %scan3A_29 = arith.constant 0 : i32
    %scan3A_30 = arith.constant 0 : i32
    %scan3A_31 = arith.constant 100 : i32
    %scan3A_32 = arith.addi %scan3A_30, %scan3A_31 : i32
    %scan3A_33 = arith.constant 1 : i32
    %scan3A_34 = scf.for %scan3A_69 = %scan3A_30 to %scan3A_32 step %scan3A_33 iter_args(%scan3A_70 = %scan3A_29) -> (i32)  : i32 {
      %mul3A_71 = arith.constant 16 : i32
      %mul3A_72 = arith.muli %scan3A_69, %mul3A_71 : i32
      %add3A_73 = arith.addi %add3A_28, %mul3A_72 : i32
      %mul3A_74 = arith.constant 16 : i32
      %mul3A_75 = arith.muli %add3A_73, %mul3A_74 : i32
      "tpu.region"() ({
        %run_scoped3A = tpu.sem_alloc : memref<!tpu.dma_semaphore, #tpu.memory_space<semaphore_mem>>
        %dma_start3A = arith.constant 0 : i32
        %dma_start3A_86 = tpu.memref_slice %arg18[%dma_start3A] : memref<5120xi32, #tpu.memory_space<vmem>> -> memref<256xi32, #tpu.memory_space<vmem>>
        %dma_start3A_87 = tpu.memref_slice %arg3[%mul3A_75] : memref<819200xi32, #tpu.memory_space<hbm>> -> memref<256xi32, #tpu.memory_space<hbm>>
        %dma_start3A_88 = arith.constant 0 : i32
        %dma_start3A_89 = tpu.memref_slice %arg18[%dma_start3A_88] : memref<5120xi32, #tpu.memory_space<vmem>> -> memref<256xi32, #tpu.memory_space<vmem>>
        %dma_start3A_90 = tpu.memref_slice %arg3[%mul3A_75] : memref<819200xi32, #tpu.memory_space<hbm>> -> memref<256xi32, #tpu.memory_space<hbm>>
        tpu.enqueue_dma source(%dma_start3A_90 : memref<256xi32, #tpu.memory_space<hbm>>) target(%dma_start3A_89 : memref<256xi32, #tpu.memory_space<vmem>>) target_semaphore(%run_scoped3A : memref<!tpu.dma_semaphore, #tpu.memory_space<semaphore_mem>>)
        %dma_wait3A = arith.constant 0 : i32
        %dma_wait3A_91 = tpu.memref_slice %arg18[%dma_wait3A] : memref<5120xi32, #tpu.memory_space<vmem>> -> memref<256xi32, #tpu.memory_space<vmem>>
        %dma_wait3A_92 = tpu.memref_slice %arg3[%mul3A_75] : memref<819200xi32, #tpu.memory_space<hbm>> -> memref<256xi32, #tpu.memory_space<hbm>>
        %dma_wait3A_93 = arith.constant 0 : i32
        %dma_wait3A_94 = tpu.memref_slice %arg18[%dma_wait3A_93] : memref<5120xi32, #tpu.memory_space<vmem>> -> memref<256xi32, #tpu.memory_space<vmem>>
        %dma_wait3A_95 = tpu.memref_slice %arg3[%mul3A_75] : memref<819200xi32, #tpu.memory_space<hbm>> -> memref<256xi32, #tpu.memory_space<hbm>>
        tpu.wait_dma2 semaphore(%run_scoped3A : memref<!tpu.dma_semaphore, #tpu.memory_space<semaphore_mem>>) src(%dma_wait3A_95 : memref<256xi32, #tpu.memory_space<hbm>>) dst(%dma_wait3A_94 : memref<256xi32, #tpu.memory_space<vmem>>)
        tpu.yield
      }) : () -> ()
      %scan3A_76 = arith.constant 0 : i32
      %scan3A_77 = arith.constant 0 : i32
      %scan3A_78 = arith.constant 16 : i32
      %scan3A_79 = arith.addi %scan3A_77, %scan3A_78 : i32
      %scan3A_80 = arith.constant 1 : i32
      %scan3A_81 = scf.for %scan3A_86 = %scan3A_77 to %scan3A_79 step %scan3A_80 iter_args(%scan3A_87 = %scan3A_76) -> (i32)  : i32 {
        %mul3A_88 = arith.constant 16 : i32
        %mul3A_89 = arith.muli %scan3A_86, %mul3A_88 : i32
        %get3A = arith.index_cast %mul3A_89 : i32 to index
        %get3A_90 = tpu.vector_load %arg18[%get3A] {strides = array<i32>} : memref<5120xi32, #tpu.memory_space<vmem>>, vector<16xi32>,
        %get3A_91 = vector.shape_cast %get3A_90 : vector<16xi32> to vector<16xi32>
        %add3A_92 = arith.constant 100000 : i32
        %add3A_93 = vector.broadcast %add3A_92 : i32 to vector<16xi32>
        %add3A_94 = arith.addi %get3A_91, %add3A_93 : vector<16xi32>
        %mul3A_95 = arith.constant 16 : i32
        %mul3A_96 = arith.muli %scan3A_86, %mul3A_95 : i32
        %swap3A = arith.index_cast %mul3A_96 : i32 to index
        %swap3A_97 = tpu.vector_load %arg16[%swap3A] {strides = array<i32>} : memref<256xi32, #tpu.memory_space<vmem>>, vector<16xi32>,
        %swap3A_98 = vector.shape_cast %swap3A_97 : vector<16xi32> to vector<16xi32>
        %swap3A_99 = vector.shape_cast %add3A_94 : vector<16xi32> to vector<16xi32>
        tpu.vector_store %arg16[%swap3A], %swap3A_99 {strides = array<i32>} : memref<256xi32, #tpu.memory_space<vmem>>, vector<16xi32>,
        %scan3A_100 = arith.constant 0 : i32
        scf.yield %scan3A_100 : i32
      }
      %scan3A_82 = arith.constant 16 : i32
      "tpu.region"() ({
        %run_scoped3A = tpu.sem_alloc : memref<!tpu.dma_semaphore, #tpu.memory_space<semaphore_mem>>
        %dma_start3A = arith.constant 0 : i32
        %dma_start3A_86 = arith.constant 0 : i32
        %dma_start3A_87 = tpu.memref_slice %arg5[%dma_start3A, %dma_start3A_86] : memref<1100000x16xf32, #tpu.memory_space<hbm>> -> memref<1100000x16xf32, #tpu.memory_space<hbm>>
        tpu.enqueue_indirect_dma source(%dma_start3A_87 : memref<1100000x16xf32, #tpu.memory_space<hbm>>) target(%arg14 : memref<256x16xf32, #tpu.memory_space<vmem>>) offsets(%arg16 : memref<256xi32, #tpu.memory_space<vmem>>) semaphore(%run_scoped3A : memref<!tpu.dma_semaphore, #tpu.memory_space<semaphore_mem>>)
        %dma_wait3A = arith.constant 0 : i32
        %dma_wait3A_88 = arith.constant 0 : i32
        %dma_wait3A_89 = tpu.memref_slice %arg5[%dma_wait3A, %dma_wait3A_88] : memref<1100000x16xf32, #tpu.memory_space<hbm>> -> memref<1100000x16xf32, #tpu.memory_space<hbm>>
        tpu.wait_indirect_dma semaphore(%run_scoped3A : memref<!tpu.dma_semaphore, #tpu.memory_space<semaphore_mem>>) src(%dma_wait3A_89 : memref<1100000x16xf32, #tpu.memory_space<hbm>>) dst(%arg14 : memref<256x16xf32, #tpu.memory_space<vmem>>)
        tpu.yield
      }) : () -> ()
      %mul3A_83 = arith.constant 16 : i32
      %mul3A_84 = arith.muli %add3A_73, %mul3A_83 : i32
      "tpu.region"() ({
        %run_scoped3A = tpu.sem_alloc : memref<!tpu.dma_semaphore, #tpu.memory_space<semaphore_mem>>
        %dma_start3A = arith.constant 0 : i32
        %dma_start3A_86 = tpu.memref_slice %arg7[%mul3A_84, %dma_start3A] : memref<819200x16xf32, #tpu.memory_space<hbm>> -> memref<256x16xf32, #tpu.memory_space<hbm>>
        %dma_start3A_87 = arith.constant 0 : i32
        %dma_start3A_88 = tpu.memref_slice %arg7[%mul3A_84, %dma_start3A_87] : memref<819200x16xf32, #tpu.memory_space<hbm>> -> memref<256x16xf32, #tpu.memory_space<hbm>>
        tpu.enqueue_dma source(%arg14 : memref<256x16xf32, #tpu.memory_space<vmem>>) target(%dma_start3A_88 : memref<256x16xf32, #tpu.memory_space<hbm>>) target_semaphore(%run_scoped3A : memref<!tpu.dma_semaphore, #tpu.memory_space<semaphore_mem>>)
        %dma_wait3A = arith.constant 0 : i32
        %dma_wait3A_89 = tpu.memref_slice %arg7[%mul3A_84, %dma_wait3A] : memref<819200x16xf32, #tpu.memory_space<hbm>> -> memref<256x16xf32, #tpu.memory_space<hbm>>
        %dma_wait3A_90 = arith.constant 0 : i32
        %dma_wait3A_91 = tpu.memref_slice %arg7[%mul3A_84, %dma_wait3A_90] : memref<819200x16xf32, #tpu.memory_space<hbm>> -> memref<256x16xf32, #tpu.memory_space<hbm>>
        tpu.wait_dma2 semaphore(%run_scoped3A : memref<!tpu.dma_semaphore, #tpu.memory_space<semaphore_mem>>) src(%arg14 : memref<256x16xf32, #tpu.memory_space<vmem>>) dst(%dma_wait3A_91 : memref<256x16xf32, #tpu.memory_space<hbm>>)
        tpu.yield
      }) : () -> ()
      %scan3A_85 = arith.constant 0 : i32
      scf.yield %scan3A_85 : i32
    }
    %scan3A_35 = arith.constant 100 : i32
    %mul3A_36 = arith.constant 256 : i32
    %mul3A_37 = arith.muli %arg1, %mul3A_36 : i32
    "tpu.region"() ({
      %run_scoped3A = tpu.sem_alloc : memref<!tpu.dma_semaphore, #tpu.memory_space<semaphore_mem>>
      %dma_start3A = tpu.memref_slice %arg2[%mul3A_37] : memref<4096xi32, #tpu.memory_space<hbm>> -> memref<256xi32, #tpu.memory_space<hbm>>
      %dma_start3A_69 = tpu.memref_slice %arg2[%mul3A_37] : memref<4096xi32, #tpu.memory_space<hbm>> -> memref<256xi32, #tpu.memory_space<hbm>>
      tpu.enqueue_dma source(%dma_start3A_69 : memref<256xi32, #tpu.memory_space<hbm>>) target(%arg16 : memref<256xi32, #tpu.memory_space<vmem>>) target_semaphore(%run_scoped3A : memref<!tpu.dma_semaphore, #tpu.memory_space<semaphore_mem>>)
      %dma_wait3A = tpu.memref_slice %arg2[%mul3A_37] : memref<4096xi32, #tpu.memory_space<hbm>> -> memref<256xi32, #tpu.memory_space<hbm>>
      %dma_wait3A_70 = tpu.memref_slice %arg2[%mul3A_37] : memref<4096xi32, #tpu.memory_space<hbm>> -> memref<256xi32, #tpu.memory_space<hbm>>
      tpu.wait_dma2 semaphore(%run_scoped3A : memref<!tpu.dma_semaphore, #tpu.memory_space<semaphore_mem>>) src(%dma_wait3A_70 : memref<256xi32, #tpu.memory_space<hbm>>) dst(%arg16 : memref<256xi32, #tpu.memory_space<vmem>>)
      tpu.yield
    }) : () -> ()
    "tpu.region"() ({
      %run_scoped3A = tpu.sem_alloc : memref<!tpu.dma_semaphore, #tpu.memory_space<semaphore_mem>>
      %dma_start3A = arith.constant 0 : i32
      %dma_start3A_69 = arith.constant 0 : i32
      %dma_start3A_70 = tpu.memref_slice %arg5[%dma_start3A, %dma_start3A_69] : memref<1100000x16xf32, #tpu.memory_space<hbm>> -> memref<1100000x16xf32, #tpu.memory_space<hbm>>
      tpu.enqueue_indirect_dma source(%dma_start3A_70 : memref<1100000x16xf32, #tpu.memory_space<hbm>>) target(%arg14 : memref<256x16xf32, #tpu.memory_space<vmem>>) offsets(%arg16 : memref<256xi32, #tpu.memory_space<vmem>>) semaphore(%run_scoped3A : memref<!tpu.dma_semaphore, #tpu.memory_space<semaphore_mem>>)
      %dma_wait3A = arith.constant 0 : i32
      %dma_wait3A_71 = arith.constant 0 : i32
      %dma_wait3A_72 = tpu.memref_slice %arg5[%dma_wait3A, %dma_wait3A_71] : memref<1100000x16xf32, #tpu.memory_space<hbm>> -> memref<1100000x16xf32, #tpu.memory_space<hbm>>
      tpu.wait_indirect_dma semaphore(%run_scoped3A : memref<!tpu.dma_semaphore, #tpu.memory_space<semaphore_mem>>) src(%dma_wait3A_72 : memref<1100000x16xf32, #tpu.memory_space<hbm>>) dst(%arg14 : memref<256x16xf32, #tpu.memory_space<vmem>>)
      tpu.yield
    }) : () -> ()
    %mul3A_38 = arith.constant 256 : i32
    %mul3A_39 = arith.muli %arg1, %mul3A_38 : i32
    "tpu.region"() ({
      %run_scoped3A = tpu.sem_alloc : memref<!tpu.dma_semaphore, #tpu.memory_space<semaphore_mem>>
      %dma_start3A = arith.constant 0 : i32
      %dma_start3A_69 = tpu.memref_slice %arg11[%mul3A_39, %dma_start3A] : memref<4096x16xf32, #tpu.memory_space<vmem_shared>> -> memref<256x16xf32, #tpu.memory_space<vmem_shared>>
      %dma_start3A_70 = arith.constant 0 : i32
      %dma_start3A_71 = tpu.memref_slice %arg11[%mul3A_39, %dma_start3A_70] : memref<4096x16xf32, #tpu.memory_space<vmem_shared>> -> memref<256x16xf32, #tpu.memory_space<vmem_shared>>
      tpu.enqueue_dma source(%arg14 : memref<256x16xf32, #tpu.memory_space<vmem>>) target(%dma_start3A_71 : memref<256x16xf32, #tpu.memory_space<vmem_shared>>) target_semaphore(%run_scoped3A : memref<!tpu.dma_semaphore, #tpu.memory_space<semaphore_mem>>)
      %dma_wait3A = arith.constant 0 : i32
      %dma_wait3A_72 = tpu.memref_slice %arg11[%mul3A_39, %dma_wait3A] : memref<4096x16xf32, #tpu.memory_space<vmem_shared>> -> memref<256x16xf32, #tpu.memory_space<vmem_shared>>
      %dma_wait3A_73 = arith.constant 0 : i32
      %dma_wait3A_74 = tpu.memref_slice %arg11[%mul3A_39, %dma_wait3A_73] : memref<4096x16xf32, #tpu.memory_space<vmem_shared>> -> memref<256x16xf32, #tpu.memory_space<vmem_shared>>
      tpu.wait_dma2 semaphore(%run_scoped3A : memref<!tpu.dma_semaphore, #tpu.memory_space<semaphore_mem>>) src(%arg14 : memref<256x16xf32, #tpu.memory_space<vmem>>) dst(%dma_wait3A_74 : memref<256x16xf32, #tpu.memory_space<vmem_shared>>)
      tpu.yield
    }) : () -> ()
    %scan3A_40 = arith.constant 0 : i32
    %scan3A_41 = arith.constant 0 : i32
    %scan3A_42 = arith.constant 40 : i32
    %scan3A_43 = arith.addi %scan3A_41, %scan3A_42 : i32
    %scan3A_44 = arith.constant 1 : i32
    %scan3A_45 = scf.for %scan3A_69 = %scan3A_41 to %scan3A_43 step %scan3A_44 iter_args(%scan3A_70 = %scan3A_40) -> (i32)  : i32 {
      %mul3A_71 = arith.constant 5448 : i32
      %mul3A_72 = arith.muli %arg1, %mul3A_71 : i32
      %mul3A_73 = arith.constant 136 : i32
      %mul3A_74 = arith.muli %scan3A_69, %mul3A_73 : i32
      %add3A_75 = arith.addi %mul3A_72, %mul3A_74 : i32
      "tpu.region"() ({
        %run_scoped3A = tpu.sem_alloc : memref<!tpu.dma_semaphore, #tpu.memory_space<semaphore_mem>>
        %dma_start3A = arith.constant 0 : i32
        %dma_start3A_77 = tpu.memref_slice %arg9[%add3A_75, %dma_start3A] : memref<87168x16xf32, #tpu.memory_space<vmem_shared>> -> memref<136x16xf32, #tpu.memory_space<vmem_shared>>
        %dma_start3A_78 = arith.constant 0 : i32
        %dma_start3A_79 = tpu.memref_slice %arg9[%add3A_75, %dma_start3A_78] : memref<87168x16xf32, #tpu.memory_space<vmem_shared>> -> memref<136x16xf32, #tpu.memory_space<vmem_shared>>
        tpu.enqueue_dma source(%arg27 : memref<136x16xf32, #tpu.memory_space<vmem>>) target(%dma_start3A_79 : memref<136x16xf32, #tpu.memory_space<vmem_shared>>) target_semaphore(%run_scoped3A : memref<!tpu.dma_semaphore, #tpu.memory_space<semaphore_mem>>)
        %dma_wait3A = arith.constant 0 : i32
        %dma_wait3A_80 = tpu.memref_slice %arg9[%add3A_75, %dma_wait3A] : memref<87168x16xf32, #tpu.memory_space<vmem_shared>> -> memref<136x16xf32, #tpu.memory_space<vmem_shared>>
        %dma_wait3A_81 = arith.constant 0 : i32
        %dma_wait3A_82 = tpu.memref_slice %arg9[%add3A_75, %dma_wait3A_81] : memref<87168x16xf32, #tpu.memory_space<vmem_shared>> -> memref<136x16xf32, #tpu.memory_space<vmem_shared>>
        tpu.wait_dma2 semaphore(%run_scoped3A : memref<!tpu.dma_semaphore, #tpu.memory_space<semaphore_mem>>) src(%arg27 : memref<136x16xf32, #tpu.memory_space<vmem>>) dst(%dma_wait3A_82 : memref<136x16xf32, #tpu.memory_space<vmem_shared>>)
        tpu.yield
      }) : () -> ()
      %scan3A_76 = arith.constant 0 : i32
      scf.yield %scan3A_76 : i32
    }
    %scan3A_46 = arith.constant 40 : i32
    %mul3A_47 = arith.constant 5448 : i32
    %mul3A_48 = arith.muli %arg1, %mul3A_47 : i32
    %add3A_49 = arith.constant 5440 : i32
    %add3A_50 = arith.addi %mul3A_48, %add3A_49 : i32
    "tpu.region"() ({
      %run_scoped3A = tpu.sem_alloc : memref<!tpu.dma_semaphore, #tpu.memory_space<semaphore_mem>>
      %dma_start3A = arith.constant 0 : i32
      %dma_start3A_69 = arith.constant 0 : i32
      %dma_start3A_70 = tpu.memref_slice %arg27[%dma_start3A, %dma_start3A_69] : memref<136x16xf32, #tpu.memory_space<vmem>> -> memref<8x16xf32, #tpu.memory_space<vmem>>
      %dma_start3A_71 = arith.constant 0 : i32
      %dma_start3A_72 = tpu.memref_slice %arg9[%add3A_50, %dma_start3A_71] : memref<87168x16xf32, #tpu.memory_space<vmem_shared>> -> memref<8x16xf32, #tpu.memory_space<vmem_shared>>
      %dma_start3A_73 = arith.constant 0 : i32
      %dma_start3A_74 = tpu.memref_slice %arg9[%add3A_50, %dma_start3A_73] : memref<87168x16xf32, #tpu.memory_space<vmem_shared>> -> memref<8x16xf32, #tpu.memory_space<vmem_shared>>
      %dma_start3A_75 = arith.constant 0 : i32
      %dma_start3A_76 = arith.constant 0 : i32
      %dma_start3A_77 = tpu.memref_slice %arg27[%dma_start3A_75, %dma_start3A_76] : memref<136x16xf32, #tpu.memory_space<vmem>> -> memref<8x16xf32, #tpu.memory_space<vmem>>
      tpu.enqueue_dma source(%dma_start3A_77 : memref<8x16xf32, #tpu.memory_space<vmem>>) target(%dma_start3A_74 : memref<8x16xf32, #tpu.memory_space<vmem_shared>>) target_semaphore(%run_scoped3A : memref<!tpu.dma_semaphore, #tpu.memory_space<semaphore_mem>>)
      %dma_wait3A = arith.constant 0 : i32
      %dma_wait3A_78 = arith.constant 0 : i32
      %dma_wait3A_79 = tpu.memref_slice %arg27[%dma_wait3A, %dma_wait3A_78] : memref<136x16xf32, #tpu.memory_space<vmem>> -> memref<8x16xf32, #tpu.memory_space<vmem>>
      %dma_wait3A_80 = arith.constant 0 : i32
      %dma_wait3A_81 = tpu.memref_slice %arg9[%add3A_50, %dma_wait3A_80] : memref<87168x16xf32, #tpu.memory_space<vmem_shared>> -> memref<8x16xf32, #tpu.memory_space<vmem_shared>>
      %dma_wait3A_82 = arith.constant 0 : i32
      %dma_wait3A_83 = tpu.memref_slice %arg9[%add3A_50, %dma_wait3A_82] : memref<87168x16xf32, #tpu.memory_space<vmem_shared>> -> memref<8x16xf32, #tpu.memory_space<vmem_shared>>
      %dma_wait3A_84 = arith.constant 0 : i32
      %dma_wait3A_85 = arith.constant 0 : i32
      %dma_wait3A_86 = tpu.memref_slice %arg27[%dma_wait3A_84, %dma_wait3A_85] : memref<136x16xf32, #tpu.memory_space<vmem>> -> memref<8x16xf32, #tpu.memory_space<vmem>>
      tpu.wait_dma2 semaphore(%run_scoped3A : memref<!tpu.dma_semaphore, #tpu.memory_space<semaphore_mem>>) src(%dma_wait3A_86 : memref<8x16xf32, #tpu.memory_space<vmem>>) dst(%dma_wait3A_83 : memref<8x16xf32, #tpu.memory_space<vmem_shared>>)
      tpu.yield
    }) : () -> ()
    %scan3A_51 = arith.constant 0 : i32
    %scan3A_52 = arith.constant 0 : i32
    %scan3A_53 = arith.constant 8 : i32
    %scan3A_54 = arith.addi %scan3A_52, %scan3A_53 : i32
    %scan3A_55 = arith.constant 1 : i32
    %scan3A_56 = scf.for %scan3A_69 = %scan3A_52 to %scan3A_54 step %scan3A_55 iter_args(%scan3A_70 = %scan3A_51) -> (i32)  : i32 {
      %mul3A_71 = arith.constant 5448 : i32
      %mul3A_72 = arith.muli %arg1, %mul3A_71 : i32
      %mul3A_73 = arith.constant 608 : i32
      %mul3A_74 = arith.muli %scan3A_69, %mul3A_73 : i32
      %add3A_75 = arith.addi %mul3A_72, %mul3A_74 : i32
      "tpu.region"() ({
        %run_scoped3A = tpu.sem_alloc : memref<!tpu.dma_semaphore, #tpu.memory_space<semaphore_mem>>
        %dma_start3A = arith.constant 0 : i32
        %dma_start3A_77 = tpu.memref_slice %arg28[%dma_start3A] : memref<624xf32, #tpu.memory_space<vmem>> -> memref<608xf32, #tpu.memory_space<vmem>>
        %dma_start3A_78 = tpu.memref_slice %arg12[%add3A_75] : memref<87168xf32, #tpu.memory_space<vmem_shared>> -> memref<608xf32, #tpu.memory_space<vmem_shared>>
        %dma_start3A_79 = tpu.memref_slice %arg12[%add3A_75] : memref<87168xf32, #tpu.memory_space<vmem_shared>> -> memref<608xf32, #tpu.memory_space<vmem_shared>>
        %dma_start3A_80 = arith.constant 0 : i32
        %dma_start3A_81 = tpu.memref_slice %arg28[%dma_start3A_80] : memref<624xf32, #tpu.memory_space<vmem>> -> memref<608xf32, #tpu.memory_space<vmem>>
        tpu.enqueue_dma source(%dma_start3A_81 : memref<608xf32, #tpu.memory_space<vmem>>) target(%dma_start3A_79 : memref<608xf32, #tpu.memory_space<vmem_shared>>) target_semaphore(%run_scoped3A : memref<!tpu.dma_semaphore, #tpu.memory_space<semaphore_mem>>)
        %dma_wait3A = arith.constant 0 : i32
        %dma_wait3A_82 = tpu.memref_slice %arg28[%dma_wait3A] : memref<624xf32, #tpu.memory_space<vmem>> -> memref<608xf32, #tpu.memory_space<vmem>>
        %dma_wait3A_83 = tpu.memref_slice %arg12[%add3A_75] : memref<87168xf32, #tpu.memory_space<vmem_shared>> -> memref<608xf32, #tpu.memory_space<vmem_shared>>
        %dma_wait3A_84 = tpu.memref_slice %arg12[%add3A_75] : memref<87168xf32, #tpu.memory_space<vmem_shared>> -> memref<608xf32, #tpu.memory_space<vmem_shared>>
        %dma_wait3A_85 = arith.constant 0 : i32
        %dma_wait3A_86 = tpu.memref_slice %arg28[%dma_wait3A_85] : memref<624xf32, #tpu.memory_space<vmem>> -> memref<608xf32, #tpu.memory_space<vmem>>
        tpu.wait_dma2 semaphore(%run_scoped3A : memref<!tpu.dma_semaphore, #tpu.memory_space<semaphore_mem>>) src(%dma_wait3A_86 : memref<608xf32, #tpu.memory_space<vmem>>) dst(%dma_wait3A_84 : memref<608xf32, #tpu.memory_space<vmem_shared>>)
        tpu.yield
      }) : () -> ()
      %scan3A_76 = arith.constant 0 : i32
      scf.yield %scan3A_76 : i32
    }
    %scan3A_57 = arith.constant 8 : i32
    %mul3A_58 = arith.constant 5448 : i32
    %mul3A_59 = arith.muli %arg1, %mul3A_58 : i32
    %add3A_60 = arith.constant 4864 : i32
    %add3A_61 = arith.addi %mul3A_59, %add3A_60 : i32
    "tpu.region"() ({
      %run_scoped3A = tpu.sem_alloc : memref<!tpu.dma_semaphore, #tpu.memory_space<semaphore_mem>>
      %dma_start3A = arith.constant 0 : i32
      %dma_start3A_69 = tpu.memref_slice %arg28[%dma_start3A] : memref<624xf32, #tpu.memory_space<vmem>> -> memref<584xf32, #tpu.memory_space<vmem>>
      %dma_start3A_70 = tpu.memref_slice %arg12[%add3A_61] : memref<87168xf32, #tpu.memory_space<vmem_shared>> -> memref<584xf32, #tpu.memory_space<vmem_shared>>
      %dma_start3A_71 = tpu.memref_slice %arg12[%add3A_61] : memref<87168xf32, #tpu.memory_space<vmem_shared>> -> memref<584xf32, #tpu.memory_space<vmem_shared>>
      %dma_start3A_72 = arith.constant 0 : i32
      %dma_start3A_73 = tpu.memref_slice %arg28[%dma_start3A_72] : memref<624xf32, #tpu.memory_space<vmem>> -> memref<584xf32, #tpu.memory_space<vmem>>
      tpu.enqueue_dma source(%dma_start3A_73 : memref<584xf32, #tpu.memory_space<vmem>>) target(%dma_start3A_71 : memref<584xf32, #tpu.memory_space<vmem_shared>>) target_semaphore(%run_scoped3A : memref<!tpu.dma_semaphore, #tpu.memory_space<semaphore_mem>>)
      %dma_wait3A = arith.constant 0 : i32
      %dma_wait3A_74 = tpu.memref_slice %arg28[%dma_wait3A] : memref<624xf32, #tpu.memory_space<vmem>> -> memref<584xf32, #tpu.memory_space<vmem>>
      %dma_wait3A_75 = tpu.memref_slice %arg12[%add3A_61] : memref<87168xf32, #tpu.memory_space<vmem_shared>> -> memref<584xf32, #tpu.memory_space<vmem_shared>>
      %dma_wait3A_76 = tpu.memref_slice %arg12[%add3A_61] : memref<87168xf32, #tpu.memory_space<vmem_shared>> -> memref<584xf32, #tpu.memory_space<vmem_shared>>
      %dma_wait3A_77 = arith.constant 0 : i32
      %dma_wait3A_78 = tpu.memref_slice %arg28[%dma_wait3A_77] : memref<624xf32, #tpu.memory_space<vmem>> -> memref<584xf32, #tpu.memory_space<vmem>>
      tpu.wait_dma2 semaphore(%run_scoped3A : memref<!tpu.dma_semaphore, #tpu.memory_space<semaphore_mem>>) src(%dma_wait3A_78 : memref<584xf32, #tpu.memory_space<vmem>>) dst(%dma_wait3A_76 : memref<584xf32, #tpu.memory_space<vmem_shared>>)
      tpu.yield
    }) : () -> ()
    %barrier3A = arith.constant 0 : index
    tpu.barrier barrier_id(%barrier3A)
    %scan3A_62 = arith.constant 0 : i32
    %scan3A_63 = arith.constant 0 : i32
    %scan3A_64 = arith.constant 6 : i32
    %scan3A_65 = arith.addi %scan3A_63, %scan3A_64 : i32
    %scan3A_66 = arith.constant 1 : i32
    %scan3A_67 = scf.for %scan3A_69 = %scan3A_63 to %scan3A_65 step %scan3A_66 iter_args(%scan3A_70 = %scan3A_62) -> (i32)  : i32 {
      %mul3A_71 = arith.constant 2 : i32
      %mul3A_72 = arith.muli %mul3A_71, %scan3A_69 : i32
      %add3A_73 = arith.addi %mul3A_72, %arg0 : i32
      %mul3A_74 = arith.constant 87040 : i32
      %mul3A_75 = arith.muli %add3A_73, %mul3A_74 : i32
      %add3A_76 = arith.constant 87040 : i32
      %add3A_77 = arith.addi %mul3A_75, %add3A_76 : i32
      %mul3A_78 = arith.constant 6 : i32
      %mul3A_79 = arith.muli %add3A, %mul3A_78 : i32
      %add3A_80 = arith.addi %mul3A_79, %scan3A_69 : i32
      %mul3A_81 = arith.constant 10 : i32
      %mul3A_82 = arith.muli %add3A_80, %mul3A_81 : i32
      %mul3A_83 = arith.constant 5200 : i32
      %mul3A_84 = arith.muli %mul3A_82, %mul3A_83 : i32
      %scan3A_85 = arith.constant 0 : i32
      %scan3A_86 = arith.constant 0 : i32
      %scan3A_87 = arith.constant 10 : i32
      %scan3A_88 = arith.addi %scan3A_86, %scan3A_87 : i32
      %scan3A_89 = arith.constant 1 : i32
      %scan3A_90 = scf.for %scan3A_124 = %scan3A_86 to %scan3A_88 step %scan3A_89 iter_args(%scan3A_125 = %scan3A_85) -> (i32)  : i32 {
        %mul3A_126 = arith.constant 320 : i32
        %mul3A_127 = arith.muli %scan3A_124, %mul3A_126 : i32
        %add3A_128 = arith.addi %mul3A_0, %mul3A_127 : i32
        %mul3A_129 = arith.constant 16 : i32
        %mul3A_130 = arith.muli %add3A_128, %mul3A_129 : i32
        "tpu.region"() ({
          %run_scoped3A = tpu.sem_alloc : memref<!tpu.dma_semaphore, #tpu.memory_space<semaphore_mem>>
          %dma_start3A_197 = tpu.memref_slice %arg3[%mul3A_130] : memref<819200xi32, #tpu.memory_space<hbm>> -> memref<5120xi32, #tpu.memory_space<hbm>>
          %dma_start3A_198 = tpu.memref_slice %arg3[%mul3A_130] : memref<819200xi32, #tpu.memory_space<hbm>> -> memref<5120xi32, #tpu.memory_space<hbm>>
          tpu.enqueue_dma source(%dma_start3A_198 : memref<5120xi32, #tpu.memory_space<hbm>>) target(%arg18 : memref<5120xi32, #tpu.memory_space<vmem>>) target_semaphore(%run_scoped3A : memref<!tpu.dma_semaphore, #tpu.memory_space<semaphore_mem>>)
          %dma_wait3A_199 = tpu.memref_slice %arg3[%mul3A_130] : memref<819200xi32, #tpu.memory_space<hbm>> -> memref<5120xi32, #tpu.memory_space<hbm>>
          %dma_wait3A_200 = tpu.memref_slice %arg3[%mul3A_130] : memref<819200xi32, #tpu.memory_space<hbm>> -> memref<5120xi32, #tpu.memory_space<hbm>>
          tpu.wait_dma2 semaphore(%run_scoped3A : memref<!tpu.dma_semaphore, #tpu.memory_space<semaphore_mem>>) src(%dma_wait3A_200 : memref<5120xi32, #tpu.memory_space<hbm>>) dst(%arg18 : memref<5120xi32, #tpu.memory_space<vmem>>)
          tpu.yield
        }) : () -> ()
        %mul3A_131 = arith.constant 16 : i32
        %mul3A_132 = arith.muli %add3A_128, %mul3A_131 : i32
        "tpu.region"() ({
          %run_scoped3A = tpu.sem_alloc : memref<!tpu.dma_semaphore, #tpu.memory_space<semaphore_mem>>
          %dma_start3A_197 = tpu.memref_slice %arg4[%mul3A_132] : memref<819200xi32, #tpu.memory_space<hbm>> -> memref<5120xi32, #tpu.memory_space<hbm>>
          %dma_start3A_198 = tpu.memref_slice %arg4[%mul3A_132] : memref<819200xi32, #tpu.memory_space<hbm>> -> memref<5120xi32, #tpu.memory_space<hbm>>
          tpu.enqueue_dma source(%dma_start3A_198 : memref<5120xi32, #tpu.memory_space<hbm>>) target(%arg20 : memref<5120xi32, #tpu.memory_space<vmem>>) target_semaphore(%run_scoped3A : memref<!tpu.dma_semaphore, #tpu.memory_space<semaphore_mem>>)
          %dma_wait3A_199 = tpu.memref_slice %arg4[%mul3A_132] : memref<819200xi32, #tpu.memory_space<hbm>> -> memref<5120xi32, #tpu.memory_space<hbm>>
          %dma_wait3A_200 = tpu.memref_slice %arg4[%mul3A_132] : memref<819200xi32, #tpu.memory_space<hbm>> -> memref<5120xi32, #tpu.memory_space<hbm>>
          tpu.wait_dma2 semaphore(%run_scoped3A : memref<!tpu.dma_semaphore, #tpu.memory_space<semaphore_mem>>) src(%dma_wait3A_200 : memref<5120xi32, #tpu.memory_space<hbm>>) dst(%arg20 : memref<5120xi32, #tpu.memory_space<vmem>>)
          tpu.yield
        }) : () -> ()
        %scan3A_133 = arith.constant 0 : i32
        %scan3A_134 = arith.constant 0 : i32
        %scan3A_135 = arith.constant 320 : i32
        %scan3A_136 = arith.addi %scan3A_134, %scan3A_135 : i32
        %scan3A_137 = arith.constant 1 : i32
        %scan3A_138 = scf.for %scan3A_197 = %scan3A_134 to %scan3A_136 step %scan3A_137 iter_args(%scan3A_198 = %scan3A_133) -> (i32)  : i32 {
          %mul3A_199 = arith.constant 16 : i32
          %mul3A_200 = arith.muli %scan3A_197, %mul3A_199 : i32
          %get3A = arith.index_cast %mul3A_200 : i32 to index
          %get3A_201 = tpu.vector_load %arg18[%get3A] {strides = array<i32>} : memref<5120xi32, #tpu.memory_space<vmem>>, vector<16xi32>,
          %get3A_202 = vector.shape_cast %get3A_201 : vector<16xi32> to vector<16xi32>
          %ge3A = vector.broadcast %mul3A_75 : i32 to vector<16xi32>
          %ge3A_203 = arith.cmpi sge, %get3A_202, %ge3A : vector<16xi32>
          %lt3A_204 = vector.broadcast %add3A_77 : i32 to vector<16xi32>
          %lt3A_205 = arith.cmpi slt, %get3A_202, %lt3A_204 : vector<16xi32>
          %and3A_206 = arith.andi %ge3A_203, %lt3A_205 : vector<16xi1>
          %jit3A_207 = arith.constant 1 : i32
          %jit3A_208 = arith.constant 0 : i32
          %broadcast_in_dim3A_209 = vector.broadcast %jit3A_207 : i32 to vector<16xi32>
          %broadcast_in_dim3A_210 = vector.broadcast %jit3A_208 : i32 to vector<16xi32>
          %select_n3A_211 = arith.select %and3A_206, %broadcast_in_dim3A_209, %broadcast_in_dim3A_210 : vector<16xi1>, vector<16xi32>
          %sub3A_212 = arith.constant 1 : i32
          %sub3A_213 = vector.broadcast %sub3A_212 : i32 to vector<16xi32>
          %sub3A_214 = arith.subi %iota3A, %sub3A_213 : vector<16xi32>
          %max3A = arith.constant 0 : i32
          %max3A_215 = vector.broadcast %max3A : i32 to vector<16xi32>
          %max3A_216 = arith.maxsi %sub3A_214, %max3A_215 : vector<16xi32>
          %lt3A_217 = arith.constant 0 : i32
          %lt3A_218 = vector.broadcast %lt3A_217 : i32 to vector<16xi32>
          %lt3A_219 = arith.cmpi slt, %max3A_216, %lt3A_218 : vector<16xi32>
          %add3A_220 = arith.constant 16 : i32
          %add3A_221 = vector.broadcast %add3A_220 : i32 to vector<16xi32>
          %add3A_222 = arith.addi %max3A_216, %add3A_221 : vector<16xi32>
          %select_n3A_223 = arith.select %lt3A_219, %add3A_222, %max3A_216 : vector<16xi1>, vector<16xi32>
          %broadcast_in_dim3A_224 = vector.shape_cast %select_n3A_223 : vector<16xi32> to vector<16x1xi32>
          %gather3A = vector.shape_cast %broadcast_in_dim3A_224 : vector<16x1xi32> to vector<16xi32>
          %gather3A_225 = tpu.dynamic_gather %select_n3A_211[%gather3A] in [0] : vector<16xi32>, vector<16xi32> -> vector<16xi32>
          %ge3A_226 = arith.constant 1 : i32
          %ge3A_227 = vector.broadcast %ge3A_226 : i32 to vector<16xi32>
          %ge3A_228 = arith.cmpi sge, %iota3A, %ge3A_227 : vector<16xi32>
          %jit3A_229 = arith.constant 0 : i32
          %broadcast_in_dim3A_230 = vector.broadcast %jit3A_229 : i32 to vector<16xi32>
          %select_n3A_231 = arith.select %ge3A_228, %gather3A_225, %broadcast_in_dim3A_230 : vector<16xi1>, vector<16xi32>
          %add3A_232 = arith.addi %select_n3A_211, %select_n3A_231 : vector<16xi32>
          %sub3A_233 = arith.constant 2 : i32
          %sub3A_234 = vector.broadcast %sub3A_233 : i32 to vector<16xi32>
          %sub3A_235 = arith.subi %iota3A, %sub3A_234 : vector<16xi32>
          %max3A_236 = arith.constant 0 : i32
          %max3A_237 = vector.broadcast %max3A_236 : i32 to vector<16xi32>
          %max3A_238 = arith.maxsi %sub3A_235, %max3A_237 : vector<16xi32>
          %lt3A_239 = arith.constant 0 : i32
          %lt3A_240 = vector.broadcast %lt3A_239 : i32 to vector<16xi32>
          %lt3A_241 = arith.cmpi slt, %max3A_238, %lt3A_240 : vector<16xi32>
          %add3A_242 = arith.constant 16 : i32
          %add3A_243 = vector.broadcast %add3A_242 : i32 to vector<16xi32>
          %add3A_244 = arith.addi %max3A_238, %add3A_243 : vector<16xi32>
          %select_n3A_245 = arith.select %lt3A_241, %add3A_244, %max3A_238 : vector<16xi1>, vector<16xi32>
          %broadcast_in_dim3A_246 = vector.shape_cast %select_n3A_245 : vector<16xi32> to vector<16x1xi32>
          %gather3A_247 = vector.shape_cast %broadcast_in_dim3A_246 : vector<16x1xi32> to vector<16xi32>
          %gather3A_248 = tpu.dynamic_gather %add3A_232[%gather3A_247] in [0] : vector<16xi32>, vector<16xi32> -> vector<16xi32>
          %ge3A_249 = arith.constant 2 : i32
          %ge3A_250 = vector.broadcast %ge3A_249 : i32 to vector<16xi32>
          %ge3A_251 = arith.cmpi sge, %iota3A, %ge3A_250 : vector<16xi32>
          %jit3A_252 = arith.constant 0 : i32
          %broadcast_in_dim3A_253 = vector.broadcast %jit3A_252 : i32 to vector<16xi32>
          %select_n3A_254 = arith.select %ge3A_251, %gather3A_248, %broadcast_in_dim3A_253 : vector<16xi1>, vector<16xi32>
          %add3A_255 = arith.addi %add3A_232, %select_n3A_254 : vector<16xi32>
          %sub3A_256 = arith.constant 4 : i32
          %sub3A_257 = vector.broadcast %sub3A_256 : i32 to vector<16xi32>
          %sub3A_258 = arith.subi %iota3A, %sub3A_257 : vector<16xi32>
          %max3A_259 = arith.constant 0 : i32
          %max3A_260 = vector.broadcast %max3A_259 : i32 to vector<16xi32>
          %max3A_261 = arith.maxsi %sub3A_258, %max3A_260 : vector<16xi32>
          %lt3A_262 = arith.constant 0 : i32
          %lt3A_263 = vector.broadcast %lt3A_262 : i32 to vector<16xi32>
          %lt3A_264 = arith.cmpi slt, %max3A_261, %lt3A_263 : vector<16xi32>
          %add3A_265 = arith.constant 16 : i32
          %add3A_266 = vector.broadcast %add3A_265 : i32 to vector<16xi32>
          %add3A_267 = arith.addi %max3A_261, %add3A_266 : vector<16xi32>
          %select_n3A_268 = arith.select %lt3A_264, %add3A_267, %max3A_261 : vector<16xi1>, vector<16xi32>
          %broadcast_in_dim3A_269 = vector.shape_cast %select_n3A_268 : vector<16xi32> to vector<16x1xi32>
          %gather3A_270 = vector.shape_cast %broadcast_in_dim3A_269 : vector<16x1xi32> to vector<16xi32>
          %gather3A_271 = tpu.dynamic_gather %add3A_255[%gather3A_270] in [0] : vector<16xi32>, vector<16xi32> -> vector<16xi32>
          %ge3A_272 = arith.constant 4 : i32
          %ge3A_273 = vector.broadcast %ge3A_272 : i32 to vector<16xi32>
          %ge3A_274 = arith.cmpi sge, %iota3A, %ge3A_273 : vector<16xi32>
          %jit3A_275 = arith.constant 0 : i32
          %broadcast_in_dim3A_276 = vector.broadcast %jit3A_275 : i32 to vector<16xi32>
          %select_n3A_277 = arith.select %ge3A_274, %gather3A_271, %broadcast_in_dim3A_276 : vector<16xi1>, vector<16xi32>
          %add3A_278 = arith.addi %add3A_255, %select_n3A_277 : vector<16xi32>
          %sub3A_279 = arith.constant 8 : i32
          %sub3A_280 = vector.broadcast %sub3A_279 : i32 to vector<16xi32>
          %sub3A_281 = arith.subi %iota3A, %sub3A_280 : vector<16xi32>
          %max3A_282 = arith.constant 0 : i32
          %max3A_283 = vector.broadcast %max3A_282 : i32 to vector<16xi32>
          %max3A_284 = arith.maxsi %sub3A_281, %max3A_283 : vector<16xi32>
          %lt3A_285 = arith.constant 0 : i32
          %lt3A_286 = vector.broadcast %lt3A_285 : i32 to vector<16xi32>
          %lt3A_287 = arith.cmpi slt, %max3A_284, %lt3A_286 : vector<16xi32>
          %add3A_288 = arith.constant 16 : i32
          %add3A_289 = vector.broadcast %add3A_288 : i32 to vector<16xi32>
          %add3A_290 = arith.addi %max3A_284, %add3A_289 : vector<16xi32>
          %select_n3A_291 = arith.select %lt3A_287, %add3A_290, %max3A_284 : vector<16xi1>, vector<16xi32>
          %broadcast_in_dim3A_292 = vector.shape_cast %select_n3A_291 : vector<16xi32> to vector<16x1xi32>
          %gather3A_293 = vector.shape_cast %broadcast_in_dim3A_292 : vector<16x1xi32> to vector<16xi32>
          %gather3A_294 = tpu.dynamic_gather %add3A_278[%gather3A_293] in [0] : vector<16xi32>, vector<16xi32> -> vector<16xi32>
          %ge3A_295 = arith.constant 8 : i32
          %ge3A_296 = vector.broadcast %ge3A_295 : i32 to vector<16xi32>
          %ge3A_297 = arith.cmpi sge, %iota3A, %ge3A_296 : vector<16xi32>
          %jit3A_298 = arith.constant 0 : i32
          %broadcast_in_dim3A_299 = vector.broadcast %jit3A_298 : i32 to vector<16xi32>
          %select_n3A_300 = arith.select %ge3A_297, %gather3A_294, %broadcast_in_dim3A_299 : vector<16xi1>, vector<16xi32>
          %add3A_301 = arith.addi %add3A_278, %select_n3A_300 : vector<16xi32>
          %slice3A = vector.extract_strided_slice %add3A_301 {offsets = [15], sizes = [1], strides = [1]} : vector<16xi32> to vector<1xi32>
          %squeeze3A = vector.extract %slice3A[0] : i32 from vector<1xi32>
          %add3A_302 = arith.constant 1 : i32
          %add3A_303 = vector.broadcast %add3A_302 : i32 to vector<16xi32>
          %add3A_304 = arith.addi %iota3A, %add3A_303 : vector<16xi32>
          %broadcast_in_dim3A_305 = arith.constant 0 : i32
          %broadcast_in_dim3A_306 = vector.broadcast %broadcast_in_dim3A_305 : i32 to vector<16xi32>
          %broadcast_in_dim3A_307 = arith.constant 15 : i32
          %broadcast_in_dim3A_308 = vector.broadcast %broadcast_in_dim3A_307 : i32 to vector<16xi32>
          %add3A_309 = arith.addi %broadcast_in_dim3A_306, %broadcast_in_dim3A_308 : vector<16xi32>
          %shift_right_arithmetic3A = arith.constant 1 : i32
          %shift_right_arithmetic3A_310 = vector.broadcast %shift_right_arithmetic3A : i32 to vector<16xi32>
          %shift_right_arithmetic3A_311 = arith.shrsi %add3A_309, %shift_right_arithmetic3A_310 : vector<16xi32>
          %lt3A_312 = arith.constant 0 : i32
          %lt3A_313 = vector.broadcast %lt3A_312 : i32 to vector<16xi32>
          %lt3A_314 = arith.cmpi slt, %shift_right_arithmetic3A_311, %lt3A_313 : vector<16xi32>
          %add3A_315 = arith.constant 16 : i32
          %add3A_316 = vector.broadcast %add3A_315 : i32 to vector<16xi32>
          %add3A_317 = arith.addi %shift_right_arithmetic3A_311, %add3A_316 : vector<16xi32>
          %select_n3A_318 = arith.select %lt3A_314, %add3A_317, %shift_right_arithmetic3A_311 : vector<16xi1>, vector<16xi32>
          %broadcast_in_dim3A_319 = vector.shape_cast %select_n3A_318 : vector<16xi32> to vector<16x1xi32>
          %gather3A_320 = vector.shape_cast %broadcast_in_dim3A_319 : vector<16x1xi32> to vector<16xi32>
          %gather3A_321 = tpu.dynamic_gather %add3A_301[%gather3A_320] in [0] : vector<16xi32>, vector<16xi32> -> vector<16xi32>
          %ge3A_322 = arith.cmpi sge, %gather3A_321, %add3A_304 : vector<16xi32>
          %select_n3A_323 = arith.select %ge3A_322, %shift_right_arithmetic3A_311, %broadcast_in_dim3A_308 : vector<16xi1>, vector<16xi32>
          %add3A_324 = arith.constant 1 : i32
          %add3A_325 = vector.broadcast %add3A_324 : i32 to vector<16xi32>
          %add3A_326 = arith.addi %shift_right_arithmetic3A_311, %add3A_325 : vector<16xi32>
          %select_n3A_327 = arith.select %ge3A_322, %broadcast_in_dim3A_306, %add3A_326 : vector<16xi1>, vector<16xi32>
          %add3A_328 = arith.addi %select_n3A_327, %select_n3A_323 : vector<16xi32>
          %shift_right_arithmetic3A_329 = arith.constant 1 : i32
          %shift_right_arithmetic3A_330 = vector.broadcast %shift_right_arithmetic3A_329 : i32 to vector<16xi32>
          %shift_right_arithmetic3A_331 = arith.shrsi %add3A_328, %shift_right_arithmetic3A_330 : vector<16xi32>
          %lt3A_332 = arith.constant 0 : i32
          %lt3A_333 = vector.broadcast %lt3A_332 : i32 to vector<16xi32>
          %lt3A_334 = arith.cmpi slt, %shift_right_arithmetic3A_331, %lt3A_333 : vector<16xi32>
          %add3A_335 = arith.constant 16 : i32
          %add3A_336 = vector.broadcast %add3A_335 : i32 to vector<16xi32>
          %add3A_337 = arith.addi %shift_right_arithmetic3A_331, %add3A_336 : vector<16xi32>
          %select_n3A_338 = arith.select %lt3A_334, %add3A_337, %shift_right_arithmetic3A_331 : vector<16xi1>, vector<16xi32>
          %broadcast_in_dim3A_339 = vector.shape_cast %select_n3A_338 : vector<16xi32> to vector<16x1xi32>
          %gather3A_340 = vector.shape_cast %broadcast_in_dim3A_339 : vector<16x1xi32> to vector<16xi32>
          %gather3A_341 = tpu.dynamic_gather %add3A_301[%gather3A_340] in [0] : vector<16xi32>, vector<16xi32> -> vector<16xi32>
          %ge3A_342 = arith.cmpi sge, %gather3A_341, %add3A_304 : vector<16xi32>
          %select_n3A_343 = arith.select %ge3A_342, %shift_right_arithmetic3A_331, %select_n3A_323 : vector<16xi1>, vector<16xi32>
          %add3A_344 = arith.constant 1 : i32
          %add3A_345 = vector.broadcast %add3A_344 : i32 to vector<16xi32>
          %add3A_346 = arith.addi %shift_right_arithmetic3A_331, %add3A_345 : vector<16xi32>
          %select_n3A_347 = arith.select %ge3A_342, %select_n3A_327, %add3A_346 : vector<16xi1>, vector<16xi32>
          %add3A_348 = arith.addi %select_n3A_347, %select_n3A_343 : vector<16xi32>
          %shift_right_arithmetic3A_349 = arith.constant 1 : i32
          %shift_right_arithmetic3A_350 = vector.broadcast %shift_right_arithmetic3A_349 : i32 to vector<16xi32>
          %shift_right_arithmetic3A_351 = arith.shrsi %add3A_348, %shift_right_arithmetic3A_350 : vector<16xi32>
          %lt3A_352 = arith.constant 0 : i32
          %lt3A_353 = vector.broadcast %lt3A_352 : i32 to vector<16xi32>
          %lt3A_354 = arith.cmpi slt, %shift_right_arithmetic3A_351, %lt3A_353 : vector<16xi32>
          %add3A_355 = arith.constant 16 : i32
          %add3A_356 = vector.broadcast %add3A_355 : i32 to vector<16xi32>
          %add3A_357 = arith.addi %shift_right_arithmetic3A_351, %add3A_356 : vector<16xi32>
          %select_n3A_358 = arith.select %lt3A_354, %add3A_357, %shift_right_arithmetic3A_351 : vector<16xi1>, vector<16xi32>
          %broadcast_in_dim3A_359 = vector.shape_cast %select_n3A_358 : vector<16xi32> to vector<16x1xi32>
          %gather3A_360 = vector.shape_cast %broadcast_in_dim3A_359 : vector<16x1xi32> to vector<16xi32>
          %gather3A_361 = tpu.dynamic_gather %add3A_301[%gather3A_360] in [0] : vector<16xi32>, vector<16xi32> -> vector<16xi32>
          %ge3A_362 = arith.cmpi sge, %gather3A_361, %add3A_304 : vector<16xi32>
          %select_n3A_363 = arith.select %ge3A_362, %shift_right_arithmetic3A_351, %select_n3A_343 : vector<16xi1>, vector<16xi32>
          %add3A_364 = arith.constant 1 : i32
          %add3A_365 = vector.broadcast %add3A_364 : i32 to vector<16xi32>
          %add3A_366 = arith.addi %shift_right_arithmetic3A_351, %add3A_365 : vector<16xi32>
          %select_n3A_367 = arith.select %ge3A_362, %select_n3A_347, %add3A_366 : vector<16xi1>, vector<16xi32>
          %add3A_368 = arith.addi %select_n3A_367, %select_n3A_363 : vector<16xi32>
          %shift_right_arithmetic3A_369 = arith.constant 1 : i32
          %shift_right_arithmetic3A_370 = vector.broadcast %shift_right_arithmetic3A_369 : i32 to vector<16xi32>
          %shift_right_arithmetic3A_371 = arith.shrsi %add3A_368, %shift_right_arithmetic3A_370 : vector<16xi32>
          %lt3A_372 = arith.constant 0 : i32
          %lt3A_373 = vector.broadcast %lt3A_372 : i32 to vector<16xi32>
          %lt3A_374 = arith.cmpi slt, %shift_right_arithmetic3A_371, %lt3A_373 : vector<16xi32>
          %add3A_375 = arith.constant 16 : i32
          %add3A_376 = vector.broadcast %add3A_375 : i32 to vector<16xi32>
          %add3A_377 = arith.addi %shift_right_arithmetic3A_371, %add3A_376 : vector<16xi32>
          %select_n3A_378 = arith.select %lt3A_374, %add3A_377, %shift_right_arithmetic3A_371 : vector<16xi1>, vector<16xi32>
          %broadcast_in_dim3A_379 = vector.shape_cast %select_n3A_378 : vector<16xi32> to vector<16x1xi32>
          %gather3A_380 = vector.shape_cast %broadcast_in_dim3A_379 : vector<16x1xi32> to vector<16xi32>
          %gather3A_381 = tpu.dynamic_gather %add3A_301[%gather3A_380] in [0] : vector<16xi32>, vector<16xi32> -> vector<16xi32>
          %ge3A_382 = arith.cmpi sge, %gather3A_381, %add3A_304 : vector<16xi32>
          %select_n3A_383 = arith.select %ge3A_382, %shift_right_arithmetic3A_371, %select_n3A_363 : vector<16xi1>, vector<16xi32>
          %add3A_384 = arith.constant 1 : i32
          %add3A_385 = vector.broadcast %add3A_384 : i32 to vector<16xi32>
          %add3A_386 = arith.addi %shift_right_arithmetic3A_371, %add3A_385 : vector<16xi32>
          %select_n3A_387 = arith.select %ge3A_382, %select_n3A_367, %add3A_386 : vector<16xi1>, vector<16xi32>
          %sub3A_388 = vector.broadcast %mul3A_75 : i32 to vector<16xi32>
          %sub3A_389 = arith.subi %get3A_202, %sub3A_388 : vector<16xi32>
          %shift_left3A = arith.constant 12 : i32
          %shift_left3A_390 = vector.broadcast %shift_left3A : i32 to vector<16xi32>
          %shift_left3A_391 = arith.shli %sub3A_389, %shift_left3A_390 : vector<16xi32>
          %mul3A_392 = arith.constant 16 : i32
          %mul3A_393 = arith.muli %scan3A_197, %mul3A_392 : i32
          %get3A_394 = arith.index_cast %mul3A_393 : i32 to index
          %get3A_395 = tpu.vector_load %arg20[%get3A_394] {strides = array<i32>} : memref<5120xi32, #tpu.memory_space<vmem>>, vector<16xi32>,
          %get3A_396 = vector.shape_cast %get3A_395 : vector<16xi32> to vector<16xi32>
          %or3A = arith.ori %shift_left3A_391, %get3A_396 : vector<16xi32>
          %shift_left3A_397 = arith.constant 13 : i32
          %shift_left3A_398 = vector.broadcast %shift_left3A_397 : i32 to vector<16xi32>
          %shift_left3A_399 = arith.shli %sub3A_389, %shift_left3A_398 : vector<16xi32>
          %mul3A_400 = arith.constant 16 : i32
          %mul3A_401 = arith.muli %scan3A_197, %mul3A_400 : i32
          %add3A_402 = vector.broadcast %mul3A_401 : i32 to vector<16xi32>
          %add3A_403 = arith.addi %add3A_402, %iota3A : vector<16xi32>
          %or3A_404 = arith.ori %shift_left3A_399, %add3A_403 : vector<16xi32>
          %lt3A_405 = arith.constant 0 : i32
          %lt3A_406 = vector.broadcast %lt3A_405 : i32 to vector<16xi32>
          %lt3A_407 = arith.cmpi slt, %select_n3A_387, %lt3A_406 : vector<16xi32>
          %add3A_408 = arith.constant 16 : i32
          %add3A_409 = vector.broadcast %add3A_408 : i32 to vector<16xi32>
          %add3A_410 = arith.addi %select_n3A_387, %add3A_409 : vector<16xi32>
          %select_n3A_411 = arith.select %lt3A_407, %add3A_410, %select_n3A_387 : vector<16xi1>, vector<16xi32>
          %broadcast_in_dim3A_412 = vector.shape_cast %select_n3A_411 : vector<16xi32> to vector<16x1xi32>
          %gather3A_413 = vector.shape_cast %broadcast_in_dim3A_412 : vector<16x1xi32> to vector<16xi32>
          %gather3A_414 = tpu.dynamic_gather %or3A[%gather3A_413] in [0] : vector<16xi32>, vector<16xi32> -> vector<16xi32>
          %swap3A_415 = arith.index_cast %scan3A_198 : i32 to index
          %swap3A_416 = tpu.vector_load %arg25[%swap3A_415] {strides = array<i32>} : memref<5216xi32, #tpu.memory_space<vmem>>, vector<16xi32>,
          %swap3A_417 = vector.shape_cast %swap3A_416 : vector<16xi32> to vector<16xi32>
          %swap3A_418 = vector.shape_cast %gather3A_414 : vector<16xi32> to vector<16xi32>
          tpu.vector_store %arg25[%swap3A_415], %swap3A_418 {strides = array<i32>} : memref<5216xi32, #tpu.memory_space<vmem>>, vector<16xi32>,
          %lt3A_419 = arith.constant 0 : i32
          %lt3A_420 = vector.broadcast %lt3A_419 : i32 to vector<16xi32>
          %lt3A_421 = arith.cmpi slt, %select_n3A_387, %lt3A_420 : vector<16xi32>
          %add3A_422 = arith.constant 16 : i32
          %add3A_423 = vector.broadcast %add3A_422 : i32 to vector<16xi32>
          %add3A_424 = arith.addi %select_n3A_387, %add3A_423 : vector<16xi32>
          %select_n3A_425 = arith.select %lt3A_421, %add3A_424, %select_n3A_387 : vector<16xi1>, vector<16xi32>
          %broadcast_in_dim3A_426 = vector.shape_cast %select_n3A_425 : vector<16xi32> to vector<16x1xi32>
          %gather3A_427 = vector.shape_cast %broadcast_in_dim3A_426 : vector<16x1xi32> to vector<16xi32>
          %gather3A_428 = tpu.dynamic_gather %or3A_404[%gather3A_427] in [0] : vector<16xi32>, vector<16xi32> -> vector<16xi32>
          %swap3A_429 = arith.index_cast %scan3A_198 : i32 to index
          %swap3A_430 = tpu.vector_load %arg26[%swap3A_429] {strides = array<i32>} : memref<5216xi32, #tpu.memory_space<vmem>>, vector<16xi32>,
          %swap3A_431 = vector.shape_cast %swap3A_430 : vector<16xi32> to vector<16xi32>
          %swap3A_432 = vector.shape_cast %gather3A_428 : vector<16xi32> to vector<16xi32>
          tpu.vector_store %arg26[%swap3A_429], %swap3A_432 {strides = array<i32>} : memref<5216xi32, #tpu.memory_space<vmem>>, vector<16xi32>,
          %add3A_433 = arith.addi %scan3A_198, %squeeze3A : i32
          scf.yield %add3A_433 : i32
        }
        %scan3A_139 = arith.constant 320 : i32
        %swap3A = arith.index_cast %scan3A_124 : i32 to index
        %swap3A_140 = memref.load %arg10[%swap3A] : memref<10xi32, #tpu.memory_space<smem>>
        memref.store %scan3A_138, %arg10[%swap3A] : memref<10xi32, #tpu.memory_space<smem>>
        %add3A_141 = arith.constant 256 : i32
        %add3A_142 = arith.addi %scan3A_138, %add3A_141 : i32
        %sub3A = arith.constant 1 : i32
        %sub3A_143 = arith.subi %add3A_142, %sub3A : i32
        %jit3A = arith.constant 256 : i32
        %div3A = arith.divsi %sub3A_143, %jit3A : i32
        %sign3A = arith.constant 0 : i32
        %sign3A_144 = arith.cmpi sgt, %sub3A_143, %sign3A : i32
        %sign3A_145 = arith.extui %sign3A_144 : i1 to i32
        %sign3A_146 = arith.constant 0 : i32
        %sign3A_147 = arith.cmpi slt, %sub3A_143, %sign3A_146 : i32
        %sign3A_148 = arith.extui %sign3A_147 : i1 to i32
        %sign3A_149 = arith.subi %sign3A_145, %sign3A_148 : i32
        %sign3A_150 = arith.constant 0 : i32
        %sign3A_151 = arith.cmpi sgt, %jit3A, %sign3A_150 : i32
        %sign3A_152 = arith.extui %sign3A_151 : i1 to i32
        %sign3A_153 = arith.constant 0 : i32
        %sign3A_154 = arith.cmpi slt, %jit3A, %sign3A_153 : i32
        %sign3A_155 = arith.extui %sign3A_154 : i1 to i32
        %sign3A_156 = arith.subi %sign3A_152, %sign3A_155 : i32
        %ne3A = arith.cmpi ne, %sign3A_149, %sign3A_156 : i32
        %rem3A = arith.remsi %sub3A_143, %jit3A : i32
        %ne3A_157 = arith.constant 0 : i32
        %ne3A_158 = arith.cmpi ne, %rem3A, %ne3A_157 : i32
        %and3A = arith.andi %ne3A, %ne3A_158 : i1
        %sub3A_159 = arith.constant 1 : i32
        %sub3A_160 = arith.subi %div3A, %sub3A_159 : i32
        %select_n3A = arith.select %and3A, %sub3A_160, %div3A : i32
        %broadcast_in_dim3A_161 = arith.constant 356515840 : i32
        %broadcast_in_dim3A_162 = vector.broadcast %broadcast_in_dim3A_161 : i32 to vector<16xi32>
        %broadcast_in_dim3A_163 = arith.constant 713031680 : i32
        %broadcast_in_dim3A_164 = vector.broadcast %broadcast_in_dim3A_163 : i32 to vector<16xi32>
        %scan3A_165 = arith.constant 0 : i32
        %scan3A_166 = arith.constant 0 : i32
        %scan3A_167 = arith.constant 16 : i32
        %scan3A_168 = arith.addi %scan3A_166, %scan3A_167 : i32
        %scan3A_169 = arith.constant 1 : i32
        %scan3A_170 = scf.for %scan3A_197 = %scan3A_166 to %scan3A_168 step %scan3A_169 iter_args(%scan3A_198 = %scan3A_165) -> (i32)  : i32 {
          %mul3A_199 = arith.constant 16 : i32
          %mul3A_200 = arith.muli %scan3A_197, %mul3A_199 : i32
          %add3A_201 = arith.addi %scan3A_138, %mul3A_200 : i32
          %mul3A_202 = arith.constant 256 : i32
          %mul3A_203 = arith.muli %select_n3A, %mul3A_202 : i32
          %lt3A_204 = arith.cmpi slt, %add3A_201, %mul3A_203 : i32
          %convert_element_type3A_205 = arith.extui %lt3A_204 : i1 to i32
          %cond3A_206 = arith.constant 0 : i32
          %cond3A_207 = arith.cmpi ne, %convert_element_type3A_205, %cond3A_206 : i32
          scf.if %cond3A_207 {
            %swap3A_209 = arith.index_cast %add3A_201 : i32 to index
            %swap3A_210 = tpu.vector_load %arg25[%swap3A_209] {strides = array<i32>} : memref<5216xi32, #tpu.memory_space<vmem>>, vector<16xi32>,
            %swap3A_211 = vector.shape_cast %swap3A_210 : vector<16xi32> to vector<16xi32>
            %swap3A_212 = vector.shape_cast %broadcast_in_dim3A_162 : vector<16xi32> to vector<16xi32>
            tpu.vector_store %arg25[%swap3A_209], %swap3A_212 {strides = array<i32>} : memref<5216xi32, #tpu.memory_space<vmem>>, vector<16xi32>,
            %swap3A_213 = arith.index_cast %add3A_201 : i32 to index
            %swap3A_214 = tpu.vector_load %arg26[%swap3A_213] {strides = array<i32>} : memref<5216xi32, #tpu.memory_space<vmem>>, vector<16xi32>,
            %swap3A_215 = vector.shape_cast %swap3A_214 : vector<16xi32> to vector<16xi32>
            %swap3A_216 = vector.shape_cast %broadcast_in_dim3A_164 : vector<16xi32> to vector<16xi32>
            tpu.vector_store %arg26[%swap3A_213], %swap3A_216 {strides = array<i32>} : memref<5216xi32, #tpu.memory_space<vmem>>, vector<16xi32>,
          } else {
          }
          %scan3A_208 = arith.constant 0 : i32
          scf.yield %scan3A_208 : i32
        }
        %scan3A_171 = arith.constant 16 : i32
        %mul3A_172 = arith.constant 5200 : i32
        %mul3A_173 = arith.muli %scan3A_124, %mul3A_172 : i32
        %add3A_174 = arith.addi %mul3A_84, %mul3A_173 : i32
        %dma_start3A = arith.constant 0 : i32
        %dma_start3A_175 = tpu.memref_slice %arg26[%dma_start3A] : memref<5216xi32, #tpu.memory_space<vmem>> -> memref<5200xi32, #tpu.memory_space<vmem>>
        %dma_start3A_176 = tpu.memref_slice %arg8[%add3A_174] : memref<9984000xi32, #tpu.memory_space<hbm>> -> memref<5200xi32, #tpu.memory_space<hbm>>
        %dma_start3A_177 = tpu.memref_slice %arg8[%add3A_174] : memref<9984000xi32, #tpu.memory_space<hbm>> -> memref<5200xi32, #tpu.memory_space<hbm>>
        %dma_start3A_178 = arith.constant 0 : i32
        %dma_start3A_179 = tpu.memref_slice %arg26[%dma_start3A_178] : memref<5216xi32, #tpu.memory_space<vmem>> -> memref<5200xi32, #tpu.memory_space<vmem>>
        tpu.enqueue_dma source(%dma_start3A_179 : memref<5200xi32, #tpu.memory_space<vmem>>) target(%dma_start3A_177 : memref<5200xi32, #tpu.memory_space<hbm>>) target_semaphore(%arg23 : memref<!tpu.dma_semaphore, #tpu.memory_space<semaphore_mem>>)
        %while3A = arith.constant 0 : i32
        %while3A_180 = arith.constant 0 : i32
        %while3A_181 = arith.subi %select_n3A, %while3A : i32
        %while3A_182 = arith.addi %while3A, %while3A_181 : i32
        %while3A_183 = arith.constant 1 : i32
        %while3A_184 = arith.divsi %while3A_181, %while3A_183 : i32
        %while3A_185 = arith.muli %while3A_184, %while3A_183 : i32
        %while3A_186 = arith.addi %while3A, %while3A_185 : i32
        %while3A_187 = arith.constant 1 : i32
        %while3A_188 = scf.for %while3A_197 = %while3A to %while3A_186 step %while3A_187 iter_args(%while3A_198 = %while3A_180) -> (i32)  : i32 {
          %scan3A_199 = arith.constant 0 : i32
          %scan3A_200 = arith.constant 0 : i32
          %scan3A_201 = arith.constant 16 : i32
          %scan3A_202 = arith.addi %scan3A_200, %scan3A_201 : i32
          %scan3A_203 = arith.constant 1 : i32
          %scan3A_204 = scf.for %scan3A_211 = %scan3A_200 to %scan3A_202 step %scan3A_203 iter_args(%scan3A_212 = %scan3A_199) -> (i32)  : i32 {
            %mul3A_213 = arith.constant 256 : i32
            %mul3A_214 = arith.muli %while3A_197, %mul3A_213 : i32
            %mul3A_215 = arith.constant 16 : i32
            %mul3A_216 = arith.muli %scan3A_211, %mul3A_215 : i32
            %add3A_217 = arith.addi %mul3A_214, %mul3A_216 : i32
            %get3A = arith.index_cast %add3A_217 : i32 to index
            %get3A_218 = tpu.vector_load %arg25[%get3A] {strides = array<i32>} : memref<5216xi32, #tpu.memory_space<vmem>>, vector<16xi32>,
            %get3A_219 = vector.shape_cast %get3A_218 : vector<16xi32> to vector<16xi32>
            %shift_right_arithmetic3A = arith.constant 12 : i32
            %shift_right_arithmetic3A_220 = vector.broadcast %shift_right_arithmetic3A : i32 to vector<16xi32>
            %shift_right_arithmetic3A_221 = arith.shrsi %get3A_219, %shift_right_arithmetic3A_220 : vector<16xi32>
            %mul3A_222 = arith.constant 16 : i32
            %mul3A_223 = arith.muli %scan3A_211, %mul3A_222 : i32
            %swap3A_224 = arith.index_cast %mul3A_223 : i32 to index
            %swap3A_225 = tpu.vector_load %arg16[%swap3A_224] {strides = array<i32>} : memref<256xi32, #tpu.memory_space<vmem>>, vector<16xi32>,
            %swap3A_226 = vector.shape_cast %swap3A_225 : vector<16xi32> to vector<16xi32>
            %swap3A_227 = vector.shape_cast %shift_right_arithmetic3A_221 : vector<16xi32> to vector<16xi32>
            tpu.vector_store %arg16[%swap3A_224], %swap3A_227 {strides = array<i32>} : memref<256xi32, #tpu.memory_space<vmem>>, vector<16xi32>,
            %and3A_228 = arith.constant 4095 : i32
            %and3A_229 = vector.broadcast %and3A_228 : i32 to vector<16xi32>
            %and3A_230 = arith.andi %get3A_219, %and3A_229 : vector<16xi32>
            %mul3A_231 = arith.constant 16 : i32
            %mul3A_232 = arith.muli %scan3A_211, %mul3A_231 : i32
            %swap3A_233 = arith.index_cast %mul3A_232 : i32 to index
            %swap3A_234 = tpu.vector_load %arg21[%swap3A_233] {strides = array<i32>} : memref<256xi32, #tpu.memory_space<vmem>>, vector<16xi32>,
            %swap3A_235 = vector.shape_cast %swap3A_234 : vector<16xi32> to vector<16xi32>
            %swap3A_236 = vector.shape_cast %and3A_230 : vector<16xi32> to vector<16xi32>
            tpu.vector_store %arg21[%swap3A_233], %swap3A_236 {strides = array<i32>} : memref<256xi32, #tpu.memory_space<vmem>>, vector<16xi32>,
            %scan3A_237 = arith.constant 0 : i32
            scf.yield %scan3A_237 : i32
          }
          %scan3A_205 = arith.constant 16 : i32
          %dma_start3A_206 = arith.constant 0 : i32
          %dma_start3A_207 = tpu.memref_slice %arg12[%dma_start3A_206] : memref<87168xf32, #tpu.memory_space<vmem_shared>> -> memref<87168xf32, #tpu.memory_space<vmem_shared>>
          tpu.enqueue_indirect_dma source(%arg19 : memref<256xf32, #tpu.memory_space<vmem>>) target(%dma_start3A_207 : memref<87168xf32, #tpu.memory_space<vmem_shared>>) offsets(%arg16 : memref<256xi32, #tpu.memory_space<vmem>>) semaphore(%arg22 : memref<!tpu.dma_semaphore, #tpu.memory_space<semaphore_mem>>) {add = true}
          "tpu.region"() ({
            %run_scoped3A = tpu.sem_alloc : memref<!tpu.dma_semaphore, #tpu.memory_space<semaphore_mem>>
            %dma_start3A_211 = arith.constant 0 : i32
            %dma_start3A_212 = arith.constant 0 : i32
            %dma_start3A_213 = tpu.memref_slice %arg11[%dma_start3A_211, %dma_start3A_212] : memref<4096x16xf32, #tpu.memory_space<vmem_shared>> -> memref<4096x16xf32, #tpu.memory_space<vmem_shared>>
            tpu.enqueue_indirect_dma source(%dma_start3A_213 : memref<4096x16xf32, #tpu.memory_space<vmem_shared>>) target(%arg24 : memref<256x16xf32, #tpu.memory_space<vmem>>) offsets(%arg21 : memref<256xi32, #tpu.memory_space<vmem>>) semaphore(%run_scoped3A : memref<!tpu.dma_semaphore, #tpu.memory_space<semaphore_mem>>)
            %dma_wait3A_214 = arith.constant 0 : i32
            %dma_wait3A_215 = arith.constant 0 : i32
            %dma_wait3A_216 = tpu.memref_slice %arg11[%dma_wait3A_214, %dma_wait3A_215] : memref<4096x16xf32, #tpu.memory_space<vmem_shared>> -> memref<4096x16xf32, #tpu.memory_space<vmem_shared>>
            tpu.wait_indirect_dma semaphore(%run_scoped3A : memref<!tpu.dma_semaphore, #tpu.memory_space<semaphore_mem>>) src(%dma_wait3A_216 : memref<4096x16xf32, #tpu.memory_space<vmem_shared>>) dst(%arg24 : memref<256x16xf32, #tpu.memory_space<vmem>>)
            tpu.yield
          }) : () -> ()
          "tpu.region"() ({
            %run_scoped3A = tpu.sem_alloc : memref<!tpu.dma_semaphore, #tpu.memory_space<semaphore_mem>>
            %dma_start3A_211 = arith.constant 0 : i32
            %dma_start3A_212 = arith.constant 0 : i32
            %dma_start3A_213 = tpu.memref_slice %arg9[%dma_start3A_211, %dma_start3A_212] : memref<87168x16xf32, #tpu.memory_space<vmem_shared>> -> memref<87168x16xf32, #tpu.memory_space<vmem_shared>>
            tpu.enqueue_indirect_dma source(%arg24 : memref<256x16xf32, #tpu.memory_space<vmem>>) target(%dma_start3A_213 : memref<87168x16xf32, #tpu.memory_space<vmem_shared>>) offsets(%arg16 : memref<256xi32, #tpu.memory_space<vmem>>) semaphore(%run_scoped3A : memref<!tpu.dma_semaphore, #tpu.memory_space<semaphore_mem>>) {add = true}
            %dma_wait3A_214 = arith.constant 0 : i32
            %dma_wait3A_215 = arith.constant 0 : i32
            %dma_wait3A_216 = tpu.memref_slice %arg9[%dma_wait3A_214, %dma_wait3A_215] : memref<87168x16xf32, #tpu.memory_space<vmem_shared>> -> memref<87168x16xf32, #tpu.memory_space<vmem_shared>>
            tpu.wait_indirect_dma semaphore(%run_scoped3A : memref<!tpu.dma_semaphore, #tpu.memory_space<semaphore_mem>>) src(%arg24 : memref<256x16xf32, #tpu.memory_space<vmem>>) dst(%dma_wait3A_216 : memref<87168x16xf32, #tpu.memory_space<vmem_shared>>)
            tpu.yield
          }) : () -> ()
          %dma_wait3A_208 = arith.constant 0 : i32
          %dma_wait3A_209 = tpu.memref_slice %arg12[%dma_wait3A_208] : memref<87168xf32, #tpu.memory_space<vmem_shared>> -> memref<87168xf32, #tpu.memory_space<vmem_shared>>
          tpu.wait_indirect_dma semaphore(%arg22 : memref<!tpu.dma_semaphore, #tpu.memory_space<semaphore_mem>>) src(%arg19 : memref<256xf32, #tpu.memory_space<vmem>>) dst(%dma_wait3A_209 : memref<87168xf32, #tpu.memory_space<vmem_shared>>)
          %while3A_210 = arith.constant 0 : i32
          scf.yield %while3A_210 : i32
        }
        %while3A_189 = arith.constant 1 : i32
        %while3A_190 = scf.for %while3A_197 = %while3A_186 to %while3A_182 step %while3A_189 iter_args(%while3A_198 = %while3A_188) -> (i32)  : i32 {
          %scan3A_199 = arith.constant 0 : i32
          %scan3A_200 = arith.constant 0 : i32
          %scan3A_201 = arith.constant 16 : i32
          %scan3A_202 = arith.addi %scan3A_200, %scan3A_201 : i32
          %scan3A_203 = arith.constant 1 : i32
          %scan3A_204 = scf.for %scan3A_211 = %scan3A_200 to %scan3A_202 step %scan3A_203 iter_args(%scan3A_212 = %scan3A_199) -> (i32)  : i32 {
            %mul3A_213 = arith.constant 256 : i32
            %mul3A_214 = arith.muli %while3A_197, %mul3A_213 : i32
            %mul3A_215 = arith.constant 16 : i32
            %mul3A_216 = arith.muli %scan3A_211, %mul3A_215 : i32
            %add3A_217 = arith.addi %mul3A_214, %mul3A_216 : i32
            %get3A = arith.index_cast %add3A_217 : i32 to index
            %get3A_218 = tpu.vector_load %arg25[%get3A] {strides = array<i32>} : memref<5216xi32, #tpu.memory_space<vmem>>, vector<16xi32>,
            %get3A_219 = vector.shape_cast %get3A_218 : vector<16xi32> to vector<16xi32>
            %shift_right_arithmetic3A = arith.constant 12 : i32
            %shift_right_arithmetic3A_220 = vector.broadcast %shift_right_arithmetic3A : i32 to vector<16xi32>
            %shift_right_arithmetic3A_221 = arith.shrsi %get3A_219, %shift_right_arithmetic3A_220 : vector<16xi32>
            %mul3A_222 = arith.constant 16 : i32
            %mul3A_223 = arith.muli %scan3A_211, %mul3A_222 : i32
            %swap3A_224 = arith.index_cast %mul3A_223 : i32 to index
            %swap3A_225 = tpu.vector_load %arg16[%swap3A_224] {strides = array<i32>} : memref<256xi32, #tpu.memory_space<vmem>>, vector<16xi32>,
            %swap3A_226 = vector.shape_cast %swap3A_225 : vector<16xi32> to vector<16xi32>
            %swap3A_227 = vector.shape_cast %shift_right_arithmetic3A_221 : vector<16xi32> to vector<16xi32>
            tpu.vector_store %arg16[%swap3A_224], %swap3A_227 {strides = array<i32>} : memref<256xi32, #tpu.memory_space<vmem>>, vector<16xi32>,
            %and3A_228 = arith.constant 4095 : i32
            %and3A_229 = vector.broadcast %and3A_228 : i32 to vector<16xi32>
            %and3A_230 = arith.andi %get3A_219, %and3A_229 : vector<16xi32>
            %mul3A_231 = arith.constant 16 : i32
            %mul3A_232 = arith.muli %scan3A_211, %mul3A_231 : i32
            %swap3A_233 = arith.index_cast %mul3A_232 : i32 to index
            %swap3A_234 = tpu.vector_load %arg21[%swap3A_233] {strides = array<i32>} : memref<256xi32, #tpu.memory_space<vmem>>, vector<16xi32>,
            %swap3A_235 = vector.shape_cast %swap3A_234 : vector<16xi32> to vector<16xi32>
            %swap3A_236 = vector.shape_cast %and3A_230 : vector<16xi32> to vector<16xi32>
            tpu.vector_store %arg21[%swap3A_233], %swap3A_236 {strides = array<i32>} : memref<256xi32, #tpu.memory_space<vmem>>, vector<16xi32>,
            %scan3A_237 = arith.constant 0 : i32
            scf.yield %scan3A_237 : i32
          }
          %scan3A_205 = arith.constant 16 : i32
          %dma_start3A_206 = arith.constant 0 : i32
          %dma_start3A_207 = tpu.memref_slice %arg12[%dma_start3A_206] : memref<87168xf32, #tpu.memory_space<vmem_shared>> -> memref<87168xf32, #tpu.memory_space<vmem_shared>>
          tpu.enqueue_indirect_dma source(%arg19 : memref<256xf32, #tpu.memory_space<vmem>>) target(%dma_start3A_207 : memref<87168xf32, #tpu.memory_space<vmem_shared>>) offsets(%arg16 : memref<256xi32, #tpu.memory_space<vmem>>) semaphore(%arg22 : memref<!tpu.dma_semaphore, #tpu.memory_space<semaphore_mem>>) {add = true}
          "tpu.region"() ({
            %run_scoped3A = tpu.sem_alloc : memref<!tpu.dma_semaphore, #tpu.memory_space<semaphore_mem>>
            %dma_start3A_211 = arith.constant 0 : i32
            %dma_start3A_212 = arith.constant 0 : i32
            %dma_start3A_213 = tpu.memref_slice %arg11[%dma_start3A_211, %dma_start3A_212] : memref<4096x16xf32, #tpu.memory_space<vmem_shared>> -> memref<4096x16xf32, #tpu.memory_space<vmem_shared>>
            tpu.enqueue_indirect_dma source(%dma_start3A_213 : memref<4096x16xf32, #tpu.memory_space<vmem_shared>>) target(%arg24 : memref<256x16xf32, #tpu.memory_space<vmem>>) offsets(%arg21 : memref<256xi32, #tpu.memory_space<vmem>>) semaphore(%run_scoped3A : memref<!tpu.dma_semaphore, #tpu.memory_space<semaphore_mem>>)
            %dma_wait3A_214 = arith.constant 0 : i32
            %dma_wait3A_215 = arith.constant 0 : i32
            %dma_wait3A_216 = tpu.memref_slice %arg11[%dma_wait3A_214, %dma_wait3A_215] : memref<4096x16xf32, #tpu.memory_space<vmem_shared>> -> memref<4096x16xf32, #tpu.memory_space<vmem_shared>>
            tpu.wait_indirect_dma semaphore(%run_scoped3A : memref<!tpu.dma_semaphore, #tpu.memory_space<semaphore_mem>>) src(%dma_wait3A_216 : memref<4096x16xf32, #tpu.memory_space<vmem_shared>>) dst(%arg24 : memref<256x16xf32, #tpu.memory_space<vmem>>)
            tpu.yield
          }) : () -> ()
          "tpu.region"() ({
            %run_scoped3A = tpu.sem_alloc : memref<!tpu.dma_semaphore, #tpu.memory_space<semaphore_mem>>
            %dma_start3A_211 = arith.constant 0 : i32
            %dma_start3A_212 = arith.constant 0 : i32
            %dma_start3A_213 = tpu.memref_slice %arg9[%dma_start3A_211, %dma_start3A_212] : memref<87168x16xf32, #tpu.memory_space<vmem_shared>> -> memref<87168x16xf32, #tpu.memory_space<vmem_shared>>
            tpu.enqueue_indirect_dma source(%arg24 : memref<256x16xf32, #tpu.memory_space<vmem>>) target(%dma_start3A_213 : memref<87168x16xf32, #tpu.memory_space<vmem_shared>>) offsets(%arg16 : memref<256xi32, #tpu.memory_space<vmem>>) semaphore(%run_scoped3A : memref<!tpu.dma_semaphore, #tpu.memory_space<semaphore_mem>>) {add = true}
            %dma_wait3A_214 = arith.constant 0 : i32
            %dma_wait3A_215 = arith.constant 0 : i32
            %dma_wait3A_216 = tpu.memref_slice %arg9[%dma_wait3A_214, %dma_wait3A_215] : memref<87168x16xf32, #tpu.memory_space<vmem_shared>> -> memref<87168x16xf32, #tpu.memory_space<vmem_shared>>
            tpu.wait_indirect_dma semaphore(%run_scoped3A : memref<!tpu.dma_semaphore, #tpu.memory_space<semaphore_mem>>) src(%arg24 : memref<256x16xf32, #tpu.memory_space<vmem>>) dst(%dma_wait3A_216 : memref<87168x16xf32, #tpu.memory_space<vmem_shared>>)
            tpu.yield
          }) : () -> ()
          %dma_wait3A_208 = arith.constant 0 : i32
          %dma_wait3A_209 = tpu.memref_slice %arg12[%dma_wait3A_208] : memref<87168xf32, #tpu.memory_space<vmem_shared>> -> memref<87168xf32, #tpu.memory_space<vmem_shared>>
          tpu.wait_indirect_dma semaphore(%arg22 : memref<!tpu.dma_semaphore, #tpu.memory_space<semaphore_mem>>) src(%arg19 : memref<256xf32, #tpu.memory_space<vmem>>) dst(%dma_wait3A_209 : memref<87168xf32, #tpu.memory_space<vmem_shared>>)
          %while3A_210 = arith.constant 0 : i32
          scf.yield %while3A_210 : i32
        }
        %dma_wait3A = arith.constant 0 : i32
        %dma_wait3A_191 = tpu.memref_slice %arg26[%dma_wait3A] : memref<5216xi32, #tpu.memory_space<vmem>> -> memref<5200xi32, #tpu.memory_space<vmem>>
        %dma_wait3A_192 = tpu.memref_slice %arg8[%add3A_174] : memref<9984000xi32, #tpu.memory_space<hbm>> -> memref<5200xi32, #tpu.memory_space<hbm>>
        %dma_wait3A_193 = tpu.memref_slice %arg8[%add3A_174] : memref<9984000xi32, #tpu.memory_space<hbm>> -> memref<5200xi32, #tpu.memory_space<hbm>>
        %dma_wait3A_194 = arith.constant 0 : i32
        %dma_wait3A_195 = tpu.memref_slice %arg26[%dma_wait3A_194] : memref<5216xi32, #tpu.memory_space<vmem>> -> memref<5200xi32, #tpu.memory_space<vmem>>
        tpu.wait_dma2 semaphore(%arg23 : memref<!tpu.dma_semaphore, #tpu.memory_space<semaphore_mem>>) src(%dma_wait3A_195 : memref<5200xi32, #tpu.memory_space<vmem>>) dst(%dma_wait3A_193 : memref<5200xi32, #tpu.memory_space<hbm>>)
        %scan3A_196 = arith.constant 0 : i32
        scf.yield %scan3A_196 : i32
      }
      %scan3A_91 = arith.constant 10 : i32
      %barrier3A_92 = arith.constant 0 : index
      tpu.barrier barrier_id(%barrier3A_92)
      %scan3A_93 = arith.constant 0 : i32
      %scan3A_94 = arith.constant 0 : i32
      %scan3A_95 = arith.constant 21 : i32
      %scan3A_96 = arith.addi %scan3A_94, %scan3A_95 : i32
      %scan3A_97 = arith.constant 1 : i32
      %scan3A_98 = scf.for %scan3A_124 = %scan3A_94 to %scan3A_96 step %scan3A_97 iter_args(%scan3A_125 = %scan3A_93) -> (i32)  : i32 {
        %mul3A_126 = arith.constant 5448 : i32
        %mul3A_127 = arith.muli %arg1, %mul3A_126 : i32
        %mul3A_128 = arith.constant 256 : i32
        %mul3A_129 = arith.muli %scan3A_124, %mul3A_128 : i32
        %add3A_130 = arith.addi %mul3A_127, %mul3A_129 : i32
        "tpu.region"() ({
          %run_scoped3A = tpu.sem_alloc : memref<!tpu.dma_semaphore, #tpu.memory_space<semaphore_mem>>
          %dma_start3A = arith.constant 0 : i32
          %dma_start3A_139 = tpu.memref_slice %arg9[%add3A_130, %dma_start3A] : memref<87168x16xf32, #tpu.memory_space<vmem_shared>> -> memref<256x16xf32, #tpu.memory_space<vmem_shared>>
          %dma_start3A_140 = arith.constant 0 : i32
          %dma_start3A_141 = tpu.memref_slice %arg9[%add3A_130, %dma_start3A_140] : memref<87168x16xf32, #tpu.memory_space<vmem_shared>> -> memref<256x16xf32, #tpu.memory_space<vmem_shared>>
          tpu.enqueue_dma source(%dma_start3A_141 : memref<256x16xf32, #tpu.memory_space<vmem_shared>>) target(%arg14 : memref<256x16xf32, #tpu.memory_space<vmem>>) target_semaphore(%run_scoped3A : memref<!tpu.dma_semaphore, #tpu.memory_space<semaphore_mem>>)
          %dma_wait3A = arith.constant 0 : i32
          %dma_wait3A_142 = tpu.memref_slice %arg9[%add3A_130, %dma_wait3A] : memref<87168x16xf32, #tpu.memory_space<vmem_shared>> -> memref<256x16xf32, #tpu.memory_space<vmem_shared>>
          %dma_wait3A_143 = arith.constant 0 : i32
          %dma_wait3A_144 = tpu.memref_slice %arg9[%add3A_130, %dma_wait3A_143] : memref<87168x16xf32, #tpu.memory_space<vmem_shared>> -> memref<256x16xf32, #tpu.memory_space<vmem_shared>>
          tpu.wait_dma2 semaphore(%run_scoped3A : memref<!tpu.dma_semaphore, #tpu.memory_space<semaphore_mem>>) src(%dma_wait3A_144 : memref<256x16xf32, #tpu.memory_space<vmem_shared>>) dst(%arg14 : memref<256x16xf32, #tpu.memory_space<vmem>>)
          tpu.yield
        }) : () -> ()
        "tpu.region"() ({
          %run_scoped3A = tpu.sem_alloc : memref<!tpu.dma_semaphore, #tpu.memory_space<semaphore_mem>>
          %dma_start3A = arith.constant 0 : i32
          %dma_start3A_139 = tpu.memref_slice %arg13[%dma_start3A] : memref<272xf32, #tpu.memory_space<vmem>> -> memref<256xf32, #tpu.memory_space<vmem>>
          %dma_start3A_140 = tpu.memref_slice %arg12[%add3A_130] : memref<87168xf32, #tpu.memory_space<vmem_shared>> -> memref<256xf32, #tpu.memory_space<vmem_shared>>
          %dma_start3A_141 = arith.constant 0 : i32
          %dma_start3A_142 = tpu.memref_slice %arg13[%dma_start3A_141] : memref<272xf32, #tpu.memory_space<vmem>> -> memref<256xf32, #tpu.memory_space<vmem>>
          %dma_start3A_143 = tpu.memref_slice %arg12[%add3A_130] : memref<87168xf32, #tpu.memory_space<vmem_shared>> -> memref<256xf32, #tpu.memory_space<vmem_shared>>
          tpu.enqueue_dma source(%dma_start3A_143 : memref<256xf32, #tpu.memory_space<vmem_shared>>) target(%dma_start3A_142 : memref<256xf32, #tpu.memory_space<vmem>>) target_semaphore(%run_scoped3A : memref<!tpu.dma_semaphore, #tpu.memory_space<semaphore_mem>>)
          %dma_wait3A = arith.constant 0 : i32
          %dma_wait3A_144 = tpu.memref_slice %arg13[%dma_wait3A] : memref<272xf32, #tpu.memory_space<vmem>> -> memref<256xf32, #tpu.memory_space<vmem>>
          %dma_wait3A_145 = tpu.memref_slice %arg12[%add3A_130] : memref<87168xf32, #tpu.memory_space<vmem_shared>> -> memref<256xf32, #tpu.memory_space<vmem_shared>>
          %dma_wait3A_146 = arith.constant 0 : i32
          %dma_wait3A_147 = tpu.memref_slice %arg13[%dma_wait3A_146] : memref<272xf32, #tpu.memory_space<vmem>> -> memref<256xf32, #tpu.memory_space<vmem>>
          %dma_wait3A_148 = tpu.memref_slice %arg12[%add3A_130] : memref<87168xf32, #tpu.memory_space<vmem_shared>> -> memref<256xf32, #tpu.memory_space<vmem_shared>>
          tpu.wait_dma2 semaphore(%run_scoped3A : memref<!tpu.dma_semaphore, #tpu.memory_space<semaphore_mem>>) src(%dma_wait3A_148 : memref<256xf32, #tpu.memory_space<vmem_shared>>) dst(%dma_wait3A_147 : memref<256xf32, #tpu.memory_space<vmem>>)
          tpu.yield
        }) : () -> ()
        %scan3A_131 = arith.constant 0 : i32
        %scan3A_132 = arith.constant 0 : i32
        %scan3A_133 = arith.constant 16 : i32
        %scan3A_134 = arith.addi %scan3A_132, %scan3A_133 : i32
        %scan3A_135 = arith.constant 1 : i32
        %scan3A_136 = scf.for %scan3A_139 = %scan3A_132 to %scan3A_134 step %scan3A_135 iter_args(%scan3A_140 = %scan3A_131) -> (i32)  : i32 {
          %mul3A_141 = arith.constant 16 : i32
          %mul3A_142 = arith.muli %scan3A_139, %mul3A_141 : i32
          %get3A = arith.index_cast %mul3A_142 : i32 to index
          %get3A_143 = tpu.vector_load %arg13[%get3A] {strides = array<i32>} : memref<272xf32, #tpu.memory_space<vmem>>, vector<16xf32>,
          %get3A_144 = vector.shape_cast %get3A_143 : vector<16xf32> to vector<16xf32>
          %max3A = arith.constant 1.000000e+00 : f32
          %max3A_145 = vector.broadcast %max3A : f32 to vector<16xf32>
          %max3A_146 = arith.maximumf %get3A_144, %max3A_145 : vector<16xf32>
          %div3A = arith.constant 1.000000e+00 : f32
          %div3A_147 = vector.broadcast %div3A : f32 to vector<16xf32>
          %div3A_148 = arith.divf %div3A_147, %max3A_146 : vector<16xf32>
          %mul3A_149 = arith.constant 16 : i32
          %mul3A_150 = arith.muli %scan3A_139, %mul3A_149 : i32
          %add3A_151 = arith.constant 0 : i32
          %add3A_152 = arith.addi %mul3A_150, %add3A_151 : i32
          %get3A_153 = arith.index_cast %add3A_152 : i32 to index
          %get3A_154 = arith.constant 0 : index
          %get3A_155 = tpu.vector_load %arg14[%get3A_153, %get3A_154] {strides = array<i32>} : memref<256x16xf32, #tpu.memory_space<vmem>>, vector<1x16xf32>,
          %get3A_156 = vector.shape_cast %get3A_155 : vector<1x16xf32> to vector<16xf32>
          %slice3A = vector.extract_strided_slice %div3A_148 {offsets = [0], sizes = [1], strides = [1]} : vector<16xf32> to vector<1xf32>
          %squeeze3A = vector.extract %slice3A[0] : f32 from vector<1xf32>
          %mul3A_157 = vector.broadcast %squeeze3A : f32 to vector<16xf32>
          %mul3A_158 = arith.mulf %get3A_156, %mul3A_157 : vector<16xf32>
          %mul3A_159 = arith.constant 16 : i32
          %mul3A_160 = arith.muli %scan3A_139, %mul3A_159 : i32
          %add3A_161 = arith.constant 0 : i32
          %add3A_162 = arith.addi %mul3A_160, %add3A_161 : i32
          %swap3A = arith.index_cast %add3A_162 : i32 to index
          %swap3A_163 = arith.constant 0 : index
          %swap3A_164 = tpu.vector_load %arg14[%swap3A, %swap3A_163] {strides = array<i32>} : memref<256x16xf32, #tpu.memory_space<vmem>>, vector<1x16xf32>,
          %swap3A_165 = vector.shape_cast %swap3A_164 : vector<1x16xf32> to vector<16xf32>
          %swap3A_166 = vector.shape_cast %mul3A_158 : vector<16xf32> to vector<1x16xf32>
          tpu.vector_store %arg14[%swap3A, %swap3A_163], %swap3A_166 {strides = array<i32>} : memref<256x16xf32, #tpu.memory_space<vmem>>, vector<1x16xf32>,
          %mul3A_167 = arith.constant 16 : i32
          %mul3A_168 = arith.muli %scan3A_139, %mul3A_167 : i32
          %add3A_169 = arith.constant 1 : i32
          %add3A_170 = arith.addi %mul3A_168, %add3A_169 : i32
          %get3A_171 = arith.index_cast %add3A_170 : i32 to index
          %get3A_172 = arith.constant 0 : index
          %get3A_173 = tpu.vector_load %arg14[%get3A_171, %get3A_172] {strides = array<i32>} : memref<256x16xf32, #tpu.memory_space<vmem>>, vector<1x16xf32>,
          %get3A_174 = vector.shape_cast %get3A_173 : vector<1x16xf32> to vector<16xf32>
          %slice3A_175 = vector.extract_strided_slice %div3A_148 {offsets = [1], sizes = [1], strides = [1]} : vector<16xf32> to vector<1xf32>
          %squeeze3A_176 = vector.extract %slice3A_175[0] : f32 from vector<1xf32>
          %mul3A_177 = vector.broadcast %squeeze3A_176 : f32 to vector<16xf32>
          %mul3A_178 = arith.mulf %get3A_174, %mul3A_177 : vector<16xf32>
          %mul3A_179 = arith.constant 16 : i32
          %mul3A_180 = arith.muli %scan3A_139, %mul3A_179 : i32
          %add3A_181 = arith.constant 1 : i32
          %add3A_182 = arith.addi %mul3A_180, %add3A_181 : i32
          %swap3A_183 = arith.index_cast %add3A_182 : i32 to index
          %swap3A_184 = arith.constant 0 : index
          %swap3A_185 = tpu.vector_load %arg14[%swap3A_183, %swap3A_184] {strides = array<i32>} : memref<256x16xf32, #tpu.memory_space<vmem>>, vector<1x16xf32>,
          %swap3A_186 = vector.shape_cast %swap3A_185 : vector<1x16xf32> to vector<16xf32>
          %swap3A_187 = vector.shape_cast %mul3A_178 : vector<16xf32> to vector<1x16xf32>
          tpu.vector_store %arg14[%swap3A_183, %swap3A_184], %swap3A_187 {strides = array<i32>} : memref<256x16xf32, #tpu.memory_space<vmem>>, vector<1x16xf32>,
          %mul3A_188 = arith.constant 16 : i32
          %mul3A_189 = arith.muli %scan3A_139, %mul3A_188 : i32
          %add3A_190 = arith.constant 2 : i32
          %add3A_191 = arith.addi %mul3A_189, %add3A_190 : i32
          %get3A_192 = arith.index_cast %add3A_191 : i32 to index
          %get3A_193 = arith.constant 0 : index
          %get3A_194 = tpu.vector_load %arg14[%get3A_192, %get3A_193] {strides = array<i32>} : memref<256x16xf32, #tpu.memory_space<vmem>>, vector<1x16xf32>,
          %get3A_195 = vector.shape_cast %get3A_194 : vector<1x16xf32> to vector<16xf32>
          %slice3A_196 = vector.extract_strided_slice %div3A_148 {offsets = [2], sizes = [1], strides = [1]} : vector<16xf32> to vector<1xf32>
          %squeeze3A_197 = vector.extract %slice3A_196[0] : f32 from vector<1xf32>
          %mul3A_198 = vector.broadcast %squeeze3A_197 : f32 to vector<16xf32>
          %mul3A_199 = arith.mulf %get3A_195, %mul3A_198 : vector<16xf32>
          %mul3A_200 = arith.constant 16 : i32
          %mul3A_201 = arith.muli %scan3A_139, %mul3A_200 : i32
          %add3A_202 = arith.constant 2 : i32
          %add3A_203 = arith.addi %mul3A_201, %add3A_202 : i32
          %swap3A_204 = arith.index_cast %add3A_203 : i32 to index
          %swap3A_205 = arith.constant 0 : index
          %swap3A_206 = tpu.vector_load %arg14[%swap3A_204, %swap3A_205] {strides = array<i32>} : memref<256x16xf32, #tpu.memory_space<vmem>>, vector<1x16xf32>,
          %swap3A_207 = vector.shape_cast %swap3A_206 : vector<1x16xf32> to vector<16xf32>
          %swap3A_208 = vector.shape_cast %mul3A_199 : vector<16xf32> to vector<1x16xf32>
          tpu.vector_store %arg14[%swap3A_204, %swap3A_205], %swap3A_208 {strides = array<i32>} : memref<256x16xf32, #tpu.memory_space<vmem>>, vector<1x16xf32>,
          %mul3A_209 = arith.constant 16 : i32
          %mul3A_210 = arith.muli %scan3A_139, %mul3A_209 : i32
          %add3A_211 = arith.constant 3 : i32
          %add3A_212 = arith.addi %mul3A_210, %add3A_211 : i32
          %get3A_213 = arith.index_cast %add3A_212 : i32 to index
          %get3A_214 = arith.constant 0 : index
          %get3A_215 = tpu.vector_load %arg14[%get3A_213, %get3A_214] {strides = array<i32>} : memref<256x16xf32, #tpu.memory_space<vmem>>, vector<1x16xf32>,
          %get3A_216 = vector.shape_cast %get3A_215 : vector<1x16xf32> to vector<16xf32>
          %slice3A_217 = vector.extract_strided_slice %div3A_148 {offsets = [3], sizes = [1], strides = [1]} : vector<16xf32> to vector<1xf32>
          %squeeze3A_218 = vector.extract %slice3A_217[0] : f32 from vector<1xf32>
          %mul3A_219 = vector.broadcast %squeeze3A_218 : f32 to vector<16xf32>
          %mul3A_220 = arith.mulf %get3A_216, %mul3A_219 : vector<16xf32>
          %mul3A_221 = arith.constant 16 : i32
          %mul3A_222 = arith.muli %scan3A_139, %mul3A_221 : i32
          %add3A_223 = arith.constant 3 : i32
          %add3A_224 = arith.addi %mul3A_222, %add3A_223 : i32
          %swap3A_225 = arith.index_cast %add3A_224 : i32 to index
          %swap3A_226 = arith.constant 0 : index
          %swap3A_227 = tpu.vector_load %arg14[%swap3A_225, %swap3A_226] {strides = array<i32>} : memref<256x16xf32, #tpu.memory_space<vmem>>, vector<1x16xf32>,
          %swap3A_228 = vector.shape_cast %swap3A_227 : vector<1x16xf32> to vector<16xf32>
          %swap3A_229 = vector.shape_cast %mul3A_220 : vector<16xf32> to vector<1x16xf32>
          tpu.vector_store %arg14[%swap3A_225, %swap3A_226], %swap3A_229 {strides = array<i32>} : memref<256x16xf32, #tpu.memory_space<vmem>>, vector<1x16xf32>,
          %mul3A_230 = arith.constant 16 : i32
          %mul3A_231 = arith.muli %scan3A_139, %mul3A_230 : i32
          %add3A_232 = arith.constant 4 : i32
          %add3A_233 = arith.addi %mul3A_231, %add3A_232 : i32
          %get3A_234 = arith.index_cast %add3A_233 : i32 to index
          %get3A_235 = arith.constant 0 : index
          %get3A_236 = tpu.vector_load %arg14[%get3A_234, %get3A_235] {strides = array<i32>} : memref<256x16xf32, #tpu.memory_space<vmem>>, vector<1x16xf32>,
          %get3A_237 = vector.shape_cast %get3A_236 : vector<1x16xf32> to vector<16xf32>
          %slice3A_238 = vector.extract_strided_slice %div3A_148 {offsets = [4], sizes = [1], strides = [1]} : vector<16xf32> to vector<1xf32>
          %squeeze3A_239 = vector.extract %slice3A_238[0] : f32 from vector<1xf32>
          %mul3A_240 = vector.broadcast %squeeze3A_239 : f32 to vector<16xf32>
          %mul3A_241 = arith.mulf %get3A_237, %mul3A_240 : vector<16xf32>
          %mul3A_242 = arith.constant 16 : i32
          %mul3A_243 = arith.muli %scan3A_139, %mul3A_242 : i32
          %add3A_244 = arith.constant 4 : i32
          %add3A_245 = arith.addi %mul3A_243, %add3A_244 : i32
          %swap3A_246 = arith.index_cast %add3A_245 : i32 to index
          %swap3A_247 = arith.constant 0 : index
          %swap3A_248 = tpu.vector_load %arg14[%swap3A_246, %swap3A_247] {strides = array<i32>} : memref<256x16xf32, #tpu.memory_space<vmem>>, vector<1x16xf32>,
          %swap3A_249 = vector.shape_cast %swap3A_248 : vector<1x16xf32> to vector<16xf32>
          %swap3A_250 = vector.shape_cast %mul3A_241 : vector<16xf32> to vector<1x16xf32>
          tpu.vector_store %arg14[%swap3A_246, %swap3A_247], %swap3A_250 {strides = array<i32>} : memref<256x16xf32, #tpu.memory_space<vmem>>, vector<1x16xf32>,
          %mul3A_251 = arith.constant 16 : i32
          %mul3A_252 = arith.muli %scan3A_139, %mul3A_251 : i32
          %add3A_253 = arith.constant 5 : i32
          %add3A_254 = arith.addi %mul3A_252, %add3A_253 : i32
          %get3A_255 = arith.index_cast %add3A_254 : i32 to index
          %get3A_256 = arith.constant 0 : index
          %get3A_257 = tpu.vector_load %arg14[%get3A_255, %get3A_256] {strides = array<i32>} : memref<256x16xf32, #tpu.memory_space<vmem>>, vector<1x16xf32>,
          %get3A_258 = vector.shape_cast %get3A_257 : vector<1x16xf32> to vector<16xf32>
          %slice3A_259 = vector.extract_strided_slice %div3A_148 {offsets = [5], sizes = [1], strides = [1]} : vector<16xf32> to vector<1xf32>
          %squeeze3A_260 = vector.extract %slice3A_259[0] : f32 from vector<1xf32>
          %mul3A_261 = vector.broadcast %squeeze3A_260 : f32 to vector<16xf32>
          %mul3A_262 = arith.mulf %get3A_258, %mul3A_261 : vector<16xf32>
          %mul3A_263 = arith.constant 16 : i32
          %mul3A_264 = arith.muli %scan3A_139, %mul3A_263 : i32
          %add3A_265 = arith.constant 5 : i32
          %add3A_266 = arith.addi %mul3A_264, %add3A_265 : i32
          %swap3A_267 = arith.index_cast %add3A_266 : i32 to index
          %swap3A_268 = arith.constant 0 : index
          %swap3A_269 = tpu.vector_load %arg14[%swap3A_267, %swap3A_268] {strides = array<i32>} : memref<256x16xf32, #tpu.memory_space<vmem>>, vector<1x16xf32>,
          %swap3A_270 = vector.shape_cast %swap3A_269 : vector<1x16xf32> to vector<16xf32>
          %swap3A_271 = vector.shape_cast %mul3A_262 : vector<16xf32> to vector<1x16xf32>
          tpu.vector_store %arg14[%swap3A_267, %swap3A_268], %swap3A_271 {strides = array<i32>} : memref<256x16xf32, #tpu.memory_space<vmem>>, vector<1x16xf32>,
          %mul3A_272 = arith.constant 16 : i32
          %mul3A_273 = arith.muli %scan3A_139, %mul3A_272 : i32
          %add3A_274 = arith.constant 6 : i32
          %add3A_275 = arith.addi %mul3A_273, %add3A_274 : i32
          %get3A_276 = arith.index_cast %add3A_275 : i32 to index
          %get3A_277 = arith.constant 0 : index
          %get3A_278 = tpu.vector_load %arg14[%get3A_276, %get3A_277] {strides = array<i32>} : memref<256x16xf32, #tpu.memory_space<vmem>>, vector<1x16xf32>,
          %get3A_279 = vector.shape_cast %get3A_278 : vector<1x16xf32> to vector<16xf32>
          %slice3A_280 = vector.extract_strided_slice %div3A_148 {offsets = [6], sizes = [1], strides = [1]} : vector<16xf32> to vector<1xf32>
          %squeeze3A_281 = vector.extract %slice3A_280[0] : f32 from vector<1xf32>
          %mul3A_282 = vector.broadcast %squeeze3A_281 : f32 to vector<16xf32>
          %mul3A_283 = arith.mulf %get3A_279, %mul3A_282 : vector<16xf32>
          %mul3A_284 = arith.constant 16 : i32
          %mul3A_285 = arith.muli %scan3A_139, %mul3A_284 : i32
          %add3A_286 = arith.constant 6 : i32
          %add3A_287 = arith.addi %mul3A_285, %add3A_286 : i32
          %swap3A_288 = arith.index_cast %add3A_287 : i32 to index
          %swap3A_289 = arith.constant 0 : index
          %swap3A_290 = tpu.vector_load %arg14[%swap3A_288, %swap3A_289] {strides = array<i32>} : memref<256x16xf32, #tpu.memory_space<vmem>>, vector<1x16xf32>,
          %swap3A_291 = vector.shape_cast %swap3A_290 : vector<1x16xf32> to vector<16xf32>
          %swap3A_292 = vector.shape_cast %mul3A_283 : vector<16xf32> to vector<1x16xf32>
          tpu.vector_store %arg14[%swap3A_288, %swap3A_289], %swap3A_292 {strides = array<i32>} : memref<256x16xf32, #tpu.memory_space<vmem>>, vector<1x16xf32>,
          %mul3A_293 = arith.constant 16 : i32
          %mul3A_294 = arith.muli %scan3A_139, %mul3A_293 : i32
          %add3A_295 = arith.constant 7 : i32
          %add3A_296 = arith.addi %mul3A_294, %add3A_295 : i32
          %get3A_297 = arith.index_cast %add3A_296 : i32 to index
          %get3A_298 = arith.constant 0 : index
          %get3A_299 = tpu.vector_load %arg14[%get3A_297, %get3A_298] {strides = array<i32>} : memref<256x16xf32, #tpu.memory_space<vmem>>, vector<1x16xf32>,
          %get3A_300 = vector.shape_cast %get3A_299 : vector<1x16xf32> to vector<16xf32>
          %slice3A_301 = vector.extract_strided_slice %div3A_148 {offsets = [7], sizes = [1], strides = [1]} : vector<16xf32> to vector<1xf32>
          %squeeze3A_302 = vector.extract %slice3A_301[0] : f32 from vector<1xf32>
          %mul3A_303 = vector.broadcast %squeeze3A_302 : f32 to vector<16xf32>
          %mul3A_304 = arith.mulf %get3A_300, %mul3A_303 : vector<16xf32>
          %mul3A_305 = arith.constant 16 : i32
          %mul3A_306 = arith.muli %scan3A_139, %mul3A_305 : i32
          %add3A_307 = arith.constant 7 : i32
          %add3A_308 = arith.addi %mul3A_306, %add3A_307 : i32
          %swap3A_309 = arith.index_cast %add3A_308 : i32 to index
          %swap3A_310 = arith.constant 0 : index
          %swap3A_311 = tpu.vector_load %arg14[%swap3A_309, %swap3A_310] {strides = array<i32>} : memref<256x16xf32, #tpu.memory_space<vmem>>, vector<1x16xf32>,
          %swap3A_312 = vector.shape_cast %swap3A_311 : vector<1x16xf32> to vector<16xf32>
          %swap3A_313 = vector.shape_cast %mul3A_304 : vector<16xf32> to vector<1x16xf32>
          tpu.vector_store %arg14[%swap3A_309, %swap3A_310], %swap3A_313 {strides = array<i32>} : memref<256x16xf32, #tpu.memory_space<vmem>>, vector<1x16xf32>,
          %mul3A_314 = arith.constant 16 : i32
          %mul3A_315 = arith.muli %scan3A_139, %mul3A_314 : i32
          %add3A_316 = arith.constant 8 : i32
          %add3A_317 = arith.addi %mul3A_315, %add3A_316 : i32
          %get3A_318 = arith.index_cast %add3A_317 : i32 to index
          %get3A_319 = arith.constant 0 : index
          %get3A_320 = tpu.vector_load %arg14[%get3A_318, %get3A_319] {strides = array<i32>} : memref<256x16xf32, #tpu.memory_space<vmem>>, vector<1x16xf32>,
          %get3A_321 = vector.shape_cast %get3A_320 : vector<1x16xf32> to vector<16xf32>
          %slice3A_322 = vector.extract_strided_slice %div3A_148 {offsets = [8], sizes = [1], strides = [1]} : vector<16xf32> to vector<1xf32>
          %squeeze3A_323 = vector.extract %slice3A_322[0] : f32 from vector<1xf32>
          %mul3A_324 = vector.broadcast %squeeze3A_323 : f32 to vector<16xf32>
          %mul3A_325 = arith.mulf %get3A_321, %mul3A_324 : vector<16xf32>
          %mul3A_326 = arith.constant 16 : i32
          %mul3A_327 = arith.muli %scan3A_139, %mul3A_326 : i32
          %add3A_328 = arith.constant 8 : i32
          %add3A_329 = arith.addi %mul3A_327, %add3A_328 : i32
          %swap3A_330 = arith.index_cast %add3A_329 : i32 to index
          %swap3A_331 = arith.constant 0 : index
          %swap3A_332 = tpu.vector_load %arg14[%swap3A_330, %swap3A_331] {strides = array<i32>} : memref<256x16xf32, #tpu.memory_space<vmem>>, vector<1x16xf32>,
          %swap3A_333 = vector.shape_cast %swap3A_332 : vector<1x16xf32> to vector<16xf32>
          %swap3A_334 = vector.shape_cast %mul3A_325 : vector<16xf32> to vector<1x16xf32>
          tpu.vector_store %arg14[%swap3A_330, %swap3A_331], %swap3A_334 {strides = array<i32>} : memref<256x16xf32, #tpu.memory_space<vmem>>, vector<1x16xf32>,
          %mul3A_335 = arith.constant 16 : i32
          %mul3A_336 = arith.muli %scan3A_139, %mul3A_335 : i32
          %add3A_337 = arith.constant 9 : i32
          %add3A_338 = arith.addi %mul3A_336, %add3A_337 : i32
          %get3A_339 = arith.index_cast %add3A_338 : i32 to index
          %get3A_340 = arith.constant 0 : index
          %get3A_341 = tpu.vector_load %arg14[%get3A_339, %get3A_340] {strides = array<i32>} : memref<256x16xf32, #tpu.memory_space<vmem>>, vector<1x16xf32>,
          %get3A_342 = vector.shape_cast %get3A_341 : vector<1x16xf32> to vector<16xf32>
          %slice3A_343 = vector.extract_strided_slice %div3A_148 {offsets = [9], sizes = [1], strides = [1]} : vector<16xf32> to vector<1xf32>
          %squeeze3A_344 = vector.extract %slice3A_343[0] : f32 from vector<1xf32>
          %mul3A_345 = vector.broadcast %squeeze3A_344 : f32 to vector<16xf32>
          %mul3A_346 = arith.mulf %get3A_342, %mul3A_345 : vector<16xf32>
          %mul3A_347 = arith.constant 16 : i32
          %mul3A_348 = arith.muli %scan3A_139, %mul3A_347 : i32
          %add3A_349 = arith.constant 9 : i32
          %add3A_350 = arith.addi %mul3A_348, %add3A_349 : i32
          %swap3A_351 = arith.index_cast %add3A_350 : i32 to index
          %swap3A_352 = arith.constant 0 : index
          %swap3A_353 = tpu.vector_load %arg14[%swap3A_351, %swap3A_352] {strides = array<i32>} : memref<256x16xf32, #tpu.memory_space<vmem>>, vector<1x16xf32>,
          %swap3A_354 = vector.shape_cast %swap3A_353 : vector<1x16xf32> to vector<16xf32>
          %swap3A_355 = vector.shape_cast %mul3A_346 : vector<16xf32> to vector<1x16xf32>
          tpu.vector_store %arg14[%swap3A_351, %swap3A_352], %swap3A_355 {strides = array<i32>} : memref<256x16xf32, #tpu.memory_space<vmem>>, vector<1x16xf32>,
          %mul3A_356 = arith.constant 16 : i32
          %mul3A_357 = arith.muli %scan3A_139, %mul3A_356 : i32
          %add3A_358 = arith.constant 10 : i32
          %add3A_359 = arith.addi %mul3A_357, %add3A_358 : i32
          %get3A_360 = arith.index_cast %add3A_359 : i32 to index
          %get3A_361 = arith.constant 0 : index
          %get3A_362 = tpu.vector_load %arg14[%get3A_360, %get3A_361] {strides = array<i32>} : memref<256x16xf32, #tpu.memory_space<vmem>>, vector<1x16xf32>,
          %get3A_363 = vector.shape_cast %get3A_362 : vector<1x16xf32> to vector<16xf32>
          %slice3A_364 = vector.extract_strided_slice %div3A_148 {offsets = [10], sizes = [1], strides = [1]} : vector<16xf32> to vector<1xf32>
          %squeeze3A_365 = vector.extract %slice3A_364[0] : f32 from vector<1xf32>
          %mul3A_366 = vector.broadcast %squeeze3A_365 : f32 to vector<16xf32>
          %mul3A_367 = arith.mulf %get3A_363, %mul3A_366 : vector<16xf32>
          %mul3A_368 = arith.constant 16 : i32
          %mul3A_369 = arith.muli %scan3A_139, %mul3A_368 : i32
          %add3A_370 = arith.constant 10 : i32
          %add3A_371 = arith.addi %mul3A_369, %add3A_370 : i32
          %swap3A_372 = arith.index_cast %add3A_371 : i32 to index
          %swap3A_373 = arith.constant 0 : index
          %swap3A_374 = tpu.vector_load %arg14[%swap3A_372, %swap3A_373] {strides = array<i32>} : memref<256x16xf32, #tpu.memory_space<vmem>>, vector<1x16xf32>,
          %swap3A_375 = vector.shape_cast %swap3A_374 : vector<1x16xf32> to vector<16xf32>
          %swap3A_376 = vector.shape_cast %mul3A_367 : vector<16xf32> to vector<1x16xf32>
          tpu.vector_store %arg14[%swap3A_372, %swap3A_373], %swap3A_376 {strides = array<i32>} : memref<256x16xf32, #tpu.memory_space<vmem>>, vector<1x16xf32>,
          %mul3A_377 = arith.constant 16 : i32
          %mul3A_378 = arith.muli %scan3A_139, %mul3A_377 : i32
          %add3A_379 = arith.constant 11 : i32
          %add3A_380 = arith.addi %mul3A_378, %add3A_379 : i32
          %get3A_381 = arith.index_cast %add3A_380 : i32 to index
          %get3A_382 = arith.constant 0 : index
          %get3A_383 = tpu.vector_load %arg14[%get3A_381, %get3A_382] {strides = array<i32>} : memref<256x16xf32, #tpu.memory_space<vmem>>, vector<1x16xf32>,
          %get3A_384 = vector.shape_cast %get3A_383 : vector<1x16xf32> to vector<16xf32>
          %slice3A_385 = vector.extract_strided_slice %div3A_148 {offsets = [11], sizes = [1], strides = [1]} : vector<16xf32> to vector<1xf32>
          %squeeze3A_386 = vector.extract %slice3A_385[0] : f32 from vector<1xf32>
          %mul3A_387 = vector.broadcast %squeeze3A_386 : f32 to vector<16xf32>
          %mul3A_388 = arith.mulf %get3A_384, %mul3A_387 : vector<16xf32>
          %mul3A_389 = arith.constant 16 : i32
          %mul3A_390 = arith.muli %scan3A_139, %mul3A_389 : i32
          %add3A_391 = arith.constant 11 : i32
          %add3A_392 = arith.addi %mul3A_390, %add3A_391 : i32
          %swap3A_393 = arith.index_cast %add3A_392 : i32 to index
          %swap3A_394 = arith.constant 0 : index
          %swap3A_395 = tpu.vector_load %arg14[%swap3A_393, %swap3A_394] {strides = array<i32>} : memref<256x16xf32, #tpu.memory_space<vmem>>, vector<1x16xf32>,
          %swap3A_396 = vector.shape_cast %swap3A_395 : vector<1x16xf32> to vector<16xf32>
          %swap3A_397 = vector.shape_cast %mul3A_388 : vector<16xf32> to vector<1x16xf32>
          tpu.vector_store %arg14[%swap3A_393, %swap3A_394], %swap3A_397 {strides = array<i32>} : memref<256x16xf32, #tpu.memory_space<vmem>>, vector<1x16xf32>,
          %mul3A_398 = arith.constant 16 : i32
          %mul3A_399 = arith.muli %scan3A_139, %mul3A_398 : i32
          %add3A_400 = arith.constant 12 : i32
          %add3A_401 = arith.addi %mul3A_399, %add3A_400 : i32
          %get3A_402 = arith.index_cast %add3A_401 : i32 to index
          %get3A_403 = arith.constant 0 : index
          %get3A_404 = tpu.vector_load %arg14[%get3A_402, %get3A_403] {strides = array<i32>} : memref<256x16xf32, #tpu.memory_space<vmem>>, vector<1x16xf32>,
          %get3A_405 = vector.shape_cast %get3A_404 : vector<1x16xf32> to vector<16xf32>
          %slice3A_406 = vector.extract_strided_slice %div3A_148 {offsets = [12], sizes = [1], strides = [1]} : vector<16xf32> to vector<1xf32>
          %squeeze3A_407 = vector.extract %slice3A_406[0] : f32 from vector<1xf32>
          %mul3A_408 = vector.broadcast %squeeze3A_407 : f32 to vector<16xf32>
          %mul3A_409 = arith.mulf %get3A_405, %mul3A_408 : vector<16xf32>
          %mul3A_410 = arith.constant 16 : i32
          %mul3A_411 = arith.muli %scan3A_139, %mul3A_410 : i32
          %add3A_412 = arith.constant 12 : i32
          %add3A_413 = arith.addi %mul3A_411, %add3A_412 : i32
          %swap3A_414 = arith.index_cast %add3A_413 : i32 to index
          %swap3A_415 = arith.constant 0 : index
          %swap3A_416 = tpu.vector_load %arg14[%swap3A_414, %swap3A_415] {strides = array<i32>} : memref<256x16xf32, #tpu.memory_space<vmem>>, vector<1x16xf32>,
          %swap3A_417 = vector.shape_cast %swap3A_416 : vector<1x16xf32> to vector<16xf32>
          %swap3A_418 = vector.shape_cast %mul3A_409 : vector<16xf32> to vector<1x16xf32>
          tpu.vector_store %arg14[%swap3A_414, %swap3A_415], %swap3A_418 {strides = array<i32>} : memref<256x16xf32, #tpu.memory_space<vmem>>, vector<1x16xf32>,
          %mul3A_419 = arith.constant 16 : i32
          %mul3A_420 = arith.muli %scan3A_139, %mul3A_419 : i32
          %add3A_421 = arith.constant 13 : i32
          %add3A_422 = arith.addi %mul3A_420, %add3A_421 : i32
          %get3A_423 = arith.index_cast %add3A_422 : i32 to index
          %get3A_424 = arith.constant 0 : index
          %get3A_425 = tpu.vector_load %arg14[%get3A_423, %get3A_424] {strides = array<i32>} : memref<256x16xf32, #tpu.memory_space<vmem>>, vector<1x16xf32>,
          %get3A_426 = vector.shape_cast %get3A_425 : vector<1x16xf32> to vector<16xf32>
          %slice3A_427 = vector.extract_strided_slice %div3A_148 {offsets = [13], sizes = [1], strides = [1]} : vector<16xf32> to vector<1xf32>
          %squeeze3A_428 = vector.extract %slice3A_427[0] : f32 from vector<1xf32>
          %mul3A_429 = vector.broadcast %squeeze3A_428 : f32 to vector<16xf32>
          %mul3A_430 = arith.mulf %get3A_426, %mul3A_429 : vector<16xf32>
          %mul3A_431 = arith.constant 16 : i32
          %mul3A_432 = arith.muli %scan3A_139, %mul3A_431 : i32
          %add3A_433 = arith.constant 13 : i32
          %add3A_434 = arith.addi %mul3A_432, %add3A_433 : i32
          %swap3A_435 = arith.index_cast %add3A_434 : i32 to index
          %swap3A_436 = arith.constant 0 : index
          %swap3A_437 = tpu.vector_load %arg14[%swap3A_435, %swap3A_436] {strides = array<i32>} : memref<256x16xf32, #tpu.memory_space<vmem>>, vector<1x16xf32>,
          %swap3A_438 = vector.shape_cast %swap3A_437 : vector<1x16xf32> to vector<16xf32>
          %swap3A_439 = vector.shape_cast %mul3A_430 : vector<16xf32> to vector<1x16xf32>
          tpu.vector_store %arg14[%swap3A_435, %swap3A_436], %swap3A_439 {strides = array<i32>} : memref<256x16xf32, #tpu.memory_space<vmem>>, vector<1x16xf32>,
          %mul3A_440 = arith.constant 16 : i32
          %mul3A_441 = arith.muli %scan3A_139, %mul3A_440 : i32
          %add3A_442 = arith.constant 14 : i32
          %add3A_443 = arith.addi %mul3A_441, %add3A_442 : i32
          %get3A_444 = arith.index_cast %add3A_443 : i32 to index
          %get3A_445 = arith.constant 0 : index
          %get3A_446 = tpu.vector_load %arg14[%get3A_444, %get3A_445] {strides = array<i32>} : memref<256x16xf32, #tpu.memory_space<vmem>>, vector<1x16xf32>,
          %get3A_447 = vector.shape_cast %get3A_446 : vector<1x16xf32> to vector<16xf32>
          %slice3A_448 = vector.extract_strided_slice %div3A_148 {offsets = [14], sizes = [1], strides = [1]} : vector<16xf32> to vector<1xf32>
          %squeeze3A_449 = vector.extract %slice3A_448[0] : f32 from vector<1xf32>
          %mul3A_450 = vector.broadcast %squeeze3A_449 : f32 to vector<16xf32>
          %mul3A_451 = arith.mulf %get3A_447, %mul3A_450 : vector<16xf32>
          %mul3A_452 = arith.constant 16 : i32
          %mul3A_453 = arith.muli %scan3A_139, %mul3A_452 : i32
          %add3A_454 = arith.constant 14 : i32
          %add3A_455 = arith.addi %mul3A_453, %add3A_454 : i32
          %swap3A_456 = arith.index_cast %add3A_455 : i32 to index
          %swap3A_457 = arith.constant 0 : index
          %swap3A_458 = tpu.vector_load %arg14[%swap3A_456, %swap3A_457] {strides = array<i32>} : memref<256x16xf32, #tpu.memory_space<vmem>>, vector<1x16xf32>,
          %swap3A_459 = vector.shape_cast %swap3A_458 : vector<1x16xf32> to vector<16xf32>
          %swap3A_460 = vector.shape_cast %mul3A_451 : vector<16xf32> to vector<1x16xf32>
          tpu.vector_store %arg14[%swap3A_456, %swap3A_457], %swap3A_460 {strides = array<i32>} : memref<256x16xf32, #tpu.memory_space<vmem>>, vector<1x16xf32>,
          %mul3A_461 = arith.constant 16 : i32
          %mul3A_462 = arith.muli %scan3A_139, %mul3A_461 : i32
          %add3A_463 = arith.constant 15 : i32
          %add3A_464 = arith.addi %mul3A_462, %add3A_463 : i32
          %get3A_465 = arith.index_cast %add3A_464 : i32 to index
          %get3A_466 = arith.constant 0 : index
          %get3A_467 = tpu.vector_load %arg14[%get3A_465, %get3A_466] {strides = array<i32>} : memref<256x16xf32, #tpu.memory_space<vmem>>, vector<1x16xf32>,
          %get3A_468 = vector.shape_cast %get3A_467 : vector<1x16xf32> to vector<16xf32>
          %slice3A_469 = vector.extract_strided_slice %div3A_148 {offsets = [15], sizes = [1], strides = [1]} : vector<16xf32> to vector<1xf32>
          %squeeze3A_470 = vector.extract %slice3A_469[0] : f32 from vector<1xf32>
          %mul3A_471 = vector.broadcast %squeeze3A_470 : f32 to vector<16xf32>
          %mul3A_472 = arith.mulf %get3A_468, %mul3A_471 : vector<16xf32>
          %mul3A_473 = arith.constant 16 : i32
          %mul3A_474 = arith.muli %scan3A_139, %mul3A_473 : i32
          %add3A_475 = arith.constant 15 : i32
          %add3A_476 = arith.addi %mul3A_474, %add3A_475 : i32
          %swap3A_477 = arith.index_cast %add3A_476 : i32 to index
          %swap3A_478 = arith.constant 0 : index
          %swap3A_479 = tpu.vector_load %arg14[%swap3A_477, %swap3A_478] {strides = array<i32>} : memref<256x16xf32, #tpu.memory_space<vmem>>, vector<1x16xf32>,
          %swap3A_480 = vector.shape_cast %swap3A_479 : vector<1x16xf32> to vector<16xf32>
          %swap3A_481 = vector.shape_cast %mul3A_472 : vector<16xf32> to vector<1x16xf32>
          tpu.vector_store %arg14[%swap3A_477, %swap3A_478], %swap3A_481 {strides = array<i32>} : memref<256x16xf32, #tpu.memory_space<vmem>>, vector<1x16xf32>,
          %scan3A_482 = arith.constant 0 : i32
          scf.yield %scan3A_482 : i32
        }
        %scan3A_137 = arith.constant 16 : i32
        "tpu.region"() ({
          %run_scoped3A = tpu.sem_alloc : memref<!tpu.dma_semaphore, #tpu.memory_space<semaphore_mem>>
          %dma_start3A = arith.constant 0 : i32
          %dma_start3A_139 = tpu.memref_slice %arg9[%add3A_130, %dma_start3A] : memref<87168x16xf32, #tpu.memory_space<vmem_shared>> -> memref<256x16xf32, #tpu.memory_space<vmem_shared>>
          %dma_start3A_140 = arith.constant 0 : i32
          %dma_start3A_141 = tpu.memref_slice %arg9[%add3A_130, %dma_start3A_140] : memref<87168x16xf32, #tpu.memory_space<vmem_shared>> -> memref<256x16xf32, #tpu.memory_space<vmem_shared>>
          tpu.enqueue_dma source(%arg14 : memref<256x16xf32, #tpu.memory_space<vmem>>) target(%dma_start3A_141 : memref<256x16xf32, #tpu.memory_space<vmem_shared>>) target_semaphore(%run_scoped3A : memref<!tpu.dma_semaphore, #tpu.memory_space<semaphore_mem>>)
          %dma_wait3A = arith.constant 0 : i32
          %dma_wait3A_142 = tpu.memref_slice %arg9[%add3A_130, %dma_wait3A] : memref<87168x16xf32, #tpu.memory_space<vmem_shared>> -> memref<256x16xf32, #tpu.memory_space<vmem_shared>>
          %dma_wait3A_143 = arith.constant 0 : i32
          %dma_wait3A_144 = tpu.memref_slice %arg9[%add3A_130, %dma_wait3A_143] : memref<87168x16xf32, #tpu.memory_space<vmem_shared>> -> memref<256x16xf32, #tpu.memory_space<vmem_shared>>
          tpu.wait_dma2 semaphore(%run_scoped3A : memref<!tpu.dma_semaphore, #tpu.memory_space<semaphore_mem>>) src(%arg14 : memref<256x16xf32, #tpu.memory_space<vmem>>) dst(%dma_wait3A_144 : memref<256x16xf32, #tpu.memory_space<vmem_shared>>)
          tpu.yield
        }) : () -> ()
        %scan3A_138 = arith.constant 0 : i32
        scf.yield %scan3A_138 : i32
      }
      %scan3A_99 = arith.constant 21 : i32
      %mul3A_100 = arith.constant 5448 : i32
      %mul3A_101 = arith.muli %arg1, %mul3A_100 : i32
      %add3A_102 = arith.constant 5376 : i32
      %add3A_103 = arith.addi %mul3A_101, %add3A_102 : i32
      "tpu.region"() ({
        %run_scoped3A = tpu.sem_alloc : memref<!tpu.dma_semaphore, #tpu.memory_space<semaphore_mem>>
        %dma_start3A = arith.constant 0 : i32
        %dma_start3A_124 = arith.constant 0 : i32
        %dma_start3A_125 = tpu.memref_slice %arg14[%dma_start3A, %dma_start3A_124] : memref<256x16xf32, #tpu.memory_space<vmem>> -> memref<72x16xf32, #tpu.memory_space<vmem>>
        %dma_start3A_126 = arith.constant 0 : i32
        %dma_start3A_127 = tpu.memref_slice %arg9[%add3A_103, %dma_start3A_126] : memref<87168x16xf32, #tpu.memory_space<vmem_shared>> -> memref<72x16xf32, #tpu.memory_space<vmem_shared>>
        %dma_start3A_128 = arith.constant 0 : i32
        %dma_start3A_129 = arith.constant 0 : i32
        %dma_start3A_130 = tpu.memref_slice %arg14[%dma_start3A_128, %dma_start3A_129] : memref<256x16xf32, #tpu.memory_space<vmem>> -> memref<72x16xf32, #tpu.memory_space<vmem>>
        %dma_start3A_131 = arith.constant 0 : i32
        %dma_start3A_132 = tpu.memref_slice %arg9[%add3A_103, %dma_start3A_131] : memref<87168x16xf32, #tpu.memory_space<vmem_shared>> -> memref<72x16xf32, #tpu.memory_space<vmem_shared>>
        tpu.enqueue_dma source(%dma_start3A_132 : memref<72x16xf32, #tpu.memory_space<vmem_shared>>) target(%dma_start3A_130 : memref<72x16xf32, #tpu.memory_space<vmem>>) target_semaphore(%run_scoped3A : memref<!tpu.dma_semaphore, #tpu.memory_space<semaphore_mem>>)
        %dma_wait3A = arith.constant 0 : i32
        %dma_wait3A_133 = arith.constant 0 : i32
        %dma_wait3A_134 = tpu.memref_slice %arg14[%dma_wait3A, %dma_wait3A_133] : memref<256x16xf32, #tpu.memory_space<vmem>> -> memref<72x16xf32, #tpu.memory_space<vmem>>
        %dma_wait3A_135 = arith.constant 0 : i32
        %dma_wait3A_136 = tpu.memref_slice %arg9[%add3A_103, %dma_wait3A_135] : memref<87168x16xf32, #tpu.memory_space<vmem_shared>> -> memref<72x16xf32, #tpu.memory_space<vmem_shared>>
        %dma_wait3A_137 = arith.constant 0 : i32
        %dma_wait3A_138 = arith.constant 0 : i32
        %dma_wait3A_139 = tpu.memref_slice %arg14[%dma_wait3A_137, %dma_wait3A_138] : memref<256x16xf32, #tpu.memory_space<vmem>> -> memref<72x16xf32, #tpu.memory_space<vmem>>
        %dma_wait3A_140 = arith.constant 0 : i32
        %dma_wait3A_141 = tpu.memref_slice %arg9[%add3A_103, %dma_wait3A_140] : memref<87168x16xf32, #tpu.memory_space<vmem_shared>> -> memref<72x16xf32, #tpu.memory_space<vmem_shared>>
        tpu.wait_dma2 semaphore(%run_scoped3A : memref<!tpu.dma_semaphore, #tpu.memory_space<semaphore_mem>>) src(%dma_wait3A_141 : memref<72x16xf32, #tpu.memory_space<vmem_shared>>) dst(%dma_wait3A_139 : memref<72x16xf32, #tpu.memory_space<vmem>>)
        tpu.yield
      }) : () -> ()
      "tpu.region"() ({
        %run_scoped3A = tpu.sem_alloc : memref<!tpu.dma_semaphore, #tpu.memory_space<semaphore_mem>>
        %dma_start3A = arith.constant 0 : i32
        %dma_start3A_124 = tpu.memref_slice %arg13[%dma_start3A] : memref<272xf32, #tpu.memory_space<vmem>> -> memref<72xf32, #tpu.memory_space<vmem>>
        %dma_start3A_125 = tpu.memref_slice %arg12[%add3A_103] : memref<87168xf32, #tpu.memory_space<vmem_shared>> -> memref<72xf32, #tpu.memory_space<vmem_shared>>
        %dma_start3A_126 = arith.constant 0 : i32
        %dma_start3A_127 = tpu.memref_slice %arg13[%dma_start3A_126] : memref<272xf32, #tpu.memory_space<vmem>> -> memref<72xf32, #tpu.memory_space<vmem>>
        %dma_start3A_128 = tpu.memref_slice %arg12[%add3A_103] : memref<87168xf32, #tpu.memory_space<vmem_shared>> -> memref<72xf32, #tpu.memory_space<vmem_shared>>
        tpu.enqueue_dma source(%dma_start3A_128 : memref<72xf32, #tpu.memory_space<vmem_shared>>) target(%dma_start3A_127 : memref<72xf32, #tpu.memory_space<vmem>>) target_semaphore(%run_scoped3A : memref<!tpu.dma_semaphore, #tpu.memory_space<semaphore_mem>>)
        %dma_wait3A = arith.constant 0 : i32
        %dma_wait3A_129 = tpu.memref_slice %arg13[%dma_wait3A] : memref<272xf32, #tpu.memory_space<vmem>> -> memref<72xf32, #tpu.memory_space<vmem>>
        %dma_wait3A_130 = tpu.memref_slice %arg12[%add3A_103] : memref<87168xf32, #tpu.memory_space<vmem_shared>> -> memref<72xf32, #tpu.memory_space<vmem_shared>>
        %dma_wait3A_131 = arith.constant 0 : i32
        %dma_wait3A_132 = tpu.memref_slice %arg13[%dma_wait3A_131] : memref<272xf32, #tpu.memory_space<vmem>> -> memref<72xf32, #tpu.memory_space<vmem>>
        %dma_wait3A_133 = tpu.memref_slice %arg12[%add3A_103] : memref<87168xf32, #tpu.memory_space<vmem_shared>> -> memref<72xf32, #tpu.memory_space<vmem_shared>>
        tpu.wait_dma2 semaphore(%run_scoped3A : memref<!tpu.dma_semaphore, #tpu.memory_space<semaphore_mem>>) src(%dma_wait3A_133 : memref<72xf32, #tpu.memory_space<vmem_shared>>) dst(%dma_wait3A_132 : memref<72xf32, #tpu.memory_space<vmem>>)
        tpu.yield
      }) : () -> ()
      %scan3A_104 = arith.constant 0 : i32
      %scan3A_105 = arith.constant 0 : i32
      %scan3A_106 = arith.constant 5 : i32
      %scan3A_107 = arith.addi %scan3A_105, %scan3A_106 : i32
      %scan3A_108 = arith.constant 1 : i32
      %scan3A_109 = scf.for %scan3A_124 = %scan3A_105 to %scan3A_107 step %scan3A_108 iter_args(%scan3A_125 = %scan3A_104) -> (i32)  : i32 {
        %mul3A_126 = arith.constant 16 : i32
        %mul3A_127 = arith.muli %scan3A_124, %mul3A_126 : i32
        %get3A = arith.index_cast %mul3A_127 : i32 to index
        %get3A_128 = tpu.vector_load %arg13[%get3A] {strides = array<i32>} : memref<272xf32, #tpu.memory_space<vmem>>, vector<16xf32>,
        %get3A_129 = vector.shape_cast %get3A_128 : vector<16xf32> to vector<16xf32>
        %max3A = arith.constant 1.000000e+00 : f32
        %max3A_130 = vector.broadcast %max3A : f32 to vector<16xf32>
        %max3A_131 = arith.maximumf %get3A_129, %max3A_130 : vector<16xf32>
        %div3A = arith.constant 1.000000e+00 : f32
        %div3A_132 = vector.broadcast %div3A : f32 to vector<16xf32>
        %div3A_133 = arith.divf %div3A_132, %max3A_131 : vector<16xf32>
        %mul3A_134 = arith.constant 16 : i32
        %mul3A_135 = arith.muli %scan3A_124, %mul3A_134 : i32
        %add3A_136 = arith.constant 0 : i32
        %add3A_137 = arith.addi %mul3A_135, %add3A_136 : i32
        %get3A_138 = arith.index_cast %add3A_137 : i32 to index
        %get3A_139 = arith.constant 0 : index
        %get3A_140 = tpu.vector_load %arg14[%get3A_138, %get3A_139] {strides = array<i32>} : memref<256x16xf32, #tpu.memory_space<vmem>>, vector<1x16xf32>,
        %get3A_141 = vector.shape_cast %get3A_140 : vector<1x16xf32> to vector<16xf32>
        %slice3A = vector.extract_strided_slice %div3A_133 {offsets = [0], sizes = [1], strides = [1]} : vector<16xf32> to vector<1xf32>
        %squeeze3A = vector.extract %slice3A[0] : f32 from vector<1xf32>
        %mul3A_142 = vector.broadcast %squeeze3A : f32 to vector<16xf32>
        %mul3A_143 = arith.mulf %get3A_141, %mul3A_142 : vector<16xf32>
        %mul3A_144 = arith.constant 16 : i32
        %mul3A_145 = arith.muli %scan3A_124, %mul3A_144 : i32
        %add3A_146 = arith.constant 0 : i32
        %add3A_147 = arith.addi %mul3A_145, %add3A_146 : i32
        %swap3A = arith.index_cast %add3A_147 : i32 to index
        %swap3A_148 = arith.constant 0 : index
        %swap3A_149 = tpu.vector_load %arg14[%swap3A, %swap3A_148] {strides = array<i32>} : memref<256x16xf32, #tpu.memory_space<vmem>>, vector<1x16xf32>,
        %swap3A_150 = vector.shape_cast %swap3A_149 : vector<1x16xf32> to vector<16xf32>
        %swap3A_151 = vector.shape_cast %mul3A_143 : vector<16xf32> to vector<1x16xf32>
        tpu.vector_store %arg14[%swap3A, %swap3A_148], %swap3A_151 {strides = array<i32>} : memref<256x16xf32, #tpu.memory_space<vmem>>, vector<1x16xf32>,
        %mul3A_152 = arith.constant 16 : i32
        %mul3A_153 = arith.muli %scan3A_124, %mul3A_152 : i32
        %add3A_154 = arith.constant 1 : i32
        %add3A_155 = arith.addi %mul3A_153, %add3A_154 : i32
        %get3A_156 = arith.index_cast %add3A_155 : i32 to index
        %get3A_157 = arith.constant 0 : index
        %get3A_158 = tpu.vector_load %arg14[%get3A_156, %get3A_157] {strides = array<i32>} : memref<256x16xf32, #tpu.memory_space<vmem>>, vector<1x16xf32>,
        %get3A_159 = vector.shape_cast %get3A_158 : vector<1x16xf32> to vector<16xf32>
        %slice3A_160 = vector.extract_strided_slice %div3A_133 {offsets = [1], sizes = [1], strides = [1]} : vector<16xf32> to vector<1xf32>
        %squeeze3A_161 = vector.extract %slice3A_160[0] : f32 from vector<1xf32>
        %mul3A_162 = vector.broadcast %squeeze3A_161 : f32 to vector<16xf32>
        %mul3A_163 = arith.mulf %get3A_159, %mul3A_162 : vector<16xf32>
        %mul3A_164 = arith.constant 16 : i32
        %mul3A_165 = arith.muli %scan3A_124, %mul3A_164 : i32
        %add3A_166 = arith.constant 1 : i32
        %add3A_167 = arith.addi %mul3A_165, %add3A_166 : i32
        %swap3A_168 = arith.index_cast %add3A_167 : i32 to index
        %swap3A_169 = arith.constant 0 : index
        %swap3A_170 = tpu.vector_load %arg14[%swap3A_168, %swap3A_169] {strides = array<i32>} : memref<256x16xf32, #tpu.memory_space<vmem>>, vector<1x16xf32>,
        %swap3A_171 = vector.shape_cast %swap3A_170 : vector<1x16xf32> to vector<16xf32>
        %swap3A_172 = vector.shape_cast %mul3A_163 : vector<16xf32> to vector<1x16xf32>
        tpu.vector_store %arg14[%swap3A_168, %swap3A_169], %swap3A_172 {strides = array<i32>} : memref<256x16xf32, #tpu.memory_space<vmem>>, vector<1x16xf32>,
        %mul3A_173 = arith.constant 16 : i32
        %mul3A_174 = arith.muli %scan3A_124, %mul3A_173 : i32
        %add3A_175 = arith.constant 2 : i32
        %add3A_176 = arith.addi %mul3A_174, %add3A_175 : i32
        %get3A_177 = arith.index_cast %add3A_176 : i32 to index
        %get3A_178 = arith.constant 0 : index
        %get3A_179 = tpu.vector_load %arg14[%get3A_177, %get3A_178] {strides = array<i32>} : memref<256x16xf32, #tpu.memory_space<vmem>>, vector<1x16xf32>,
        %get3A_180 = vector.shape_cast %get3A_179 : vector<1x16xf32> to vector<16xf32>
        %slice3A_181 = vector.extract_strided_slice %div3A_133 {offsets = [2], sizes = [1], strides = [1]} : vector<16xf32> to vector<1xf32>
        %squeeze3A_182 = vector.extract %slice3A_181[0] : f32 from vector<1xf32>
        %mul3A_183 = vector.broadcast %squeeze3A_182 : f32 to vector<16xf32>
        %mul3A_184 = arith.mulf %get3A_180, %mul3A_183 : vector<16xf32>
        %mul3A_185 = arith.constant 16 : i32
        %mul3A_186 = arith.muli %scan3A_124, %mul3A_185 : i32
        %add3A_187 = arith.constant 2 : i32
        %add3A_188 = arith.addi %mul3A_186, %add3A_187 : i32
        %swap3A_189 = arith.index_cast %add3A_188 : i32 to index
        %swap3A_190 = arith.constant 0 : index
        %swap3A_191 = tpu.vector_load %arg14[%swap3A_189, %swap3A_190] {strides = array<i32>} : memref<256x16xf32, #tpu.memory_space<vmem>>, vector<1x16xf32>,
        %swap3A_192 = vector.shape_cast %swap3A_191 : vector<1x16xf32> to vector<16xf32>
        %swap3A_193 = vector.shape_cast %mul3A_184 : vector<16xf32> to vector<1x16xf32>
        tpu.vector_store %arg14[%swap3A_189, %swap3A_190], %swap3A_193 {strides = array<i32>} : memref<256x16xf32, #tpu.memory_space<vmem>>, vector<1x16xf32>,
        %mul3A_194 = arith.constant 16 : i32
        %mul3A_195 = arith.muli %scan3A_124, %mul3A_194 : i32
        %add3A_196 = arith.constant 3 : i32
        %add3A_197 = arith.addi %mul3A_195, %add3A_196 : i32
        %get3A_198 = arith.index_cast %add3A_197 : i32 to index
        %get3A_199 = arith.constant 0 : index
        %get3A_200 = tpu.vector_load %arg14[%get3A_198, %get3A_199] {strides = array<i32>} : memref<256x16xf32, #tpu.memory_space<vmem>>, vector<1x16xf32>,
        %get3A_201 = vector.shape_cast %get3A_200 : vector<1x16xf32> to vector<16xf32>
        %slice3A_202 = vector.extract_strided_slice %div3A_133 {offsets = [3], sizes = [1], strides = [1]} : vector<16xf32> to vector<1xf32>
        %squeeze3A_203 = vector.extract %slice3A_202[0] : f32 from vector<1xf32>
        %mul3A_204 = vector.broadcast %squeeze3A_203 : f32 to vector<16xf32>
        %mul3A_205 = arith.mulf %get3A_201, %mul3A_204 : vector<16xf32>
        %mul3A_206 = arith.constant 16 : i32
        %mul3A_207 = arith.muli %scan3A_124, %mul3A_206 : i32
        %add3A_208 = arith.constant 3 : i32
        %add3A_209 = arith.addi %mul3A_207, %add3A_208 : i32
        %swap3A_210 = arith.index_cast %add3A_209 : i32 to index
        %swap3A_211 = arith.constant 0 : index
        %swap3A_212 = tpu.vector_load %arg14[%swap3A_210, %swap3A_211] {strides = array<i32>} : memref<256x16xf32, #tpu.memory_space<vmem>>, vector<1x16xf32>,
        %swap3A_213 = vector.shape_cast %swap3A_212 : vector<1x16xf32> to vector<16xf32>
        %swap3A_214 = vector.shape_cast %mul3A_205 : vector<16xf32> to vector<1x16xf32>
        tpu.vector_store %arg14[%swap3A_210, %swap3A_211], %swap3A_214 {strides = array<i32>} : memref<256x16xf32, #tpu.memory_space<vmem>>, vector<1x16xf32>,
        %mul3A_215 = arith.constant 16 : i32
        %mul3A_216 = arith.muli %scan3A_124, %mul3A_215 : i32
        %add3A_217 = arith.constant 4 : i32
        %add3A_218 = arith.addi %mul3A_216, %add3A_217 : i32
        %get3A_219 = arith.index_cast %add3A_218 : i32 to index
        %get3A_220 = arith.constant 0 : index
        %get3A_221 = tpu.vector_load %arg14[%get3A_219, %get3A_220] {strides = array<i32>} : memref<256x16xf32, #tpu.memory_space<vmem>>, vector<1x16xf32>,
        %get3A_222 = vector.shape_cast %get3A_221 : vector<1x16xf32> to vector<16xf32>
        %slice3A_223 = vector.extract_strided_slice %div3A_133 {offsets = [4], sizes = [1], strides = [1]} : vector<16xf32> to vector<1xf32>
        %squeeze3A_224 = vector.extract %slice3A_223[0] : f32 from vector<1xf32>
        %mul3A_225 = vector.broadcast %squeeze3A_224 : f32 to vector<16xf32>
        %mul3A_226 = arith.mulf %get3A_222, %mul3A_225 : vector<16xf32>
        %mul3A_227 = arith.constant 16 : i32
        %mul3A_228 = arith.muli %scan3A_124, %mul3A_227 : i32
        %add3A_229 = arith.constant 4 : i32
        %add3A_230 = arith.addi %mul3A_228, %add3A_229 : i32
        %swap3A_231 = arith.index_cast %add3A_230 : i32 to index
        %swap3A_232 = arith.constant 0 : index
        %swap3A_233 = tpu.vector_load %arg14[%swap3A_231, %swap3A_232] {strides = array<i32>} : memref<256x16xf32, #tpu.memory_space<vmem>>, vector<1x16xf32>,
        %swap3A_234 = vector.shape_cast %swap3A_233 : vector<1x16xf32> to vector<16xf32>
        %swap3A_235 = vector.shape_cast %mul3A_226 : vector<16xf32> to vector<1x16xf32>
        tpu.vector_store %arg14[%swap3A_231, %swap3A_232], %swap3A_235 {strides = array<i32>} : memref<256x16xf32, #tpu.memory_space<vmem>>, vector<1x16xf32>,
        %mul3A_236 = arith.constant 16 : i32
        %mul3A_237 = arith.muli %scan3A_124, %mul3A_236 : i32
        %add3A_238 = arith.constant 5 : i32
        %add3A_239 = arith.addi %mul3A_237, %add3A_238 : i32
        %get3A_240 = arith.index_cast %add3A_239 : i32 to index
        %get3A_241 = arith.constant 0 : index
        %get3A_242 = tpu.vector_load %arg14[%get3A_240, %get3A_241] {strides = array<i32>} : memref<256x16xf32, #tpu.memory_space<vmem>>, vector<1x16xf32>,
        %get3A_243 = vector.shape_cast %get3A_242 : vector<1x16xf32> to vector<16xf32>
        %slice3A_244 = vector.extract_strided_slice %div3A_133 {offsets = [5], sizes = [1], strides = [1]} : vector<16xf32> to vector<1xf32>
        %squeeze3A_245 = vector.extract %slice3A_244[0] : f32 from vector<1xf32>
        %mul3A_246 = vector.broadcast %squeeze3A_245 : f32 to vector<16xf32>
        %mul3A_247 = arith.mulf %get3A_243, %mul3A_246 : vector<16xf32>
        %mul3A_248 = arith.constant 16 : i32
        %mul3A_249 = arith.muli %scan3A_124, %mul3A_248 : i32
        %add3A_250 = arith.constant 5 : i32
        %add3A_251 = arith.addi %mul3A_249, %add3A_250 : i32
        %swap3A_252 = arith.index_cast %add3A_251 : i32 to index
        %swap3A_253 = arith.constant 0 : index
        %swap3A_254 = tpu.vector_load %arg14[%swap3A_252, %swap3A_253] {strides = array<i32>} : memref<256x16xf32, #tpu.memory_space<vmem>>, vector<1x16xf32>,
        %swap3A_255 = vector.shape_cast %swap3A_254 : vector<1x16xf32> to vector<16xf32>
        %swap3A_256 = vector.shape_cast %mul3A_247 : vector<16xf32> to vector<1x16xf32>
        tpu.vector_store %arg14[%swap3A_252, %swap3A_253], %swap3A_256 {strides = array<i32>} : memref<256x16xf32, #tpu.memory_space<vmem>>, vector<1x16xf32>,
        %mul3A_257 = arith.constant 16 : i32
        %mul3A_258 = arith.muli %scan3A_124, %mul3A_257 : i32
        %add3A_259 = arith.constant 6 : i32
        %add3A_260 = arith.addi %mul3A_258, %add3A_259 : i32
        %get3A_261 = arith.index_cast %add3A_260 : i32 to index
        %get3A_262 = arith.constant 0 : index
        %get3A_263 = tpu.vector_load %arg14[%get3A_261, %get3A_262] {strides = array<i32>} : memref<256x16xf32, #tpu.memory_space<vmem>>, vector<1x16xf32>,
        %get3A_264 = vector.shape_cast %get3A_263 : vector<1x16xf32> to vector<16xf32>
        %slice3A_265 = vector.extract_strided_slice %div3A_133 {offsets = [6], sizes = [1], strides = [1]} : vector<16xf32> to vector<1xf32>
        %squeeze3A_266 = vector.extract %slice3A_265[0] : f32 from vector<1xf32>
        %mul3A_267 = vector.broadcast %squeeze3A_266 : f32 to vector<16xf32>
        %mul3A_268 = arith.mulf %get3A_264, %mul3A_267 : vector<16xf32>
        %mul3A_269 = arith.constant 16 : i32
        %mul3A_270 = arith.muli %scan3A_124, %mul3A_269 : i32
        %add3A_271 = arith.constant 6 : i32
        %add3A_272 = arith.addi %mul3A_270, %add3A_271 : i32
        %swap3A_273 = arith.index_cast %add3A_272 : i32 to index
        %swap3A_274 = arith.constant 0 : index
        %swap3A_275 = tpu.vector_load %arg14[%swap3A_273, %swap3A_274] {strides = array<i32>} : memref<256x16xf32, #tpu.memory_space<vmem>>, vector<1x16xf32>,
        %swap3A_276 = vector.shape_cast %swap3A_275 : vector<1x16xf32> to vector<16xf32>
        %swap3A_277 = vector.shape_cast %mul3A_268 : vector<16xf32> to vector<1x16xf32>
        tpu.vector_store %arg14[%swap3A_273, %swap3A_274], %swap3A_277 {strides = array<i32>} : memref<256x16xf32, #tpu.memory_space<vmem>>, vector<1x16xf32>,
        %mul3A_278 = arith.constant 16 : i32
        %mul3A_279 = arith.muli %scan3A_124, %mul3A_278 : i32
        %add3A_280 = arith.constant 7 : i32
        %add3A_281 = arith.addi %mul3A_279, %add3A_280 : i32
        %get3A_282 = arith.index_cast %add3A_281 : i32 to index
        %get3A_283 = arith.constant 0 : index
        %get3A_284 = tpu.vector_load %arg14[%get3A_282, %get3A_283] {strides = array<i32>} : memref<256x16xf32, #tpu.memory_space<vmem>>, vector<1x16xf32>,
        %get3A_285 = vector.shape_cast %get3A_284 : vector<1x16xf32> to vector<16xf32>
        %slice3A_286 = vector.extract_strided_slice %div3A_133 {offsets = [7], sizes = [1], strides = [1]} : vector<16xf32> to vector<1xf32>
        %squeeze3A_287 = vector.extract %slice3A_286[0] : f32 from vector<1xf32>
        %mul3A_288 = vector.broadcast %squeeze3A_287 : f32 to vector<16xf32>
        %mul3A_289 = arith.mulf %get3A_285, %mul3A_288 : vector<16xf32>
        %mul3A_290 = arith.constant 16 : i32
        %mul3A_291 = arith.muli %scan3A_124, %mul3A_290 : i32
        %add3A_292 = arith.constant 7 : i32
        %add3A_293 = arith.addi %mul3A_291, %add3A_292 : i32
        %swap3A_294 = arith.index_cast %add3A_293 : i32 to index
        %swap3A_295 = arith.constant 0 : index
        %swap3A_296 = tpu.vector_load %arg14[%swap3A_294, %swap3A_295] {strides = array<i32>} : memref<256x16xf32, #tpu.memory_space<vmem>>, vector<1x16xf32>,
        %swap3A_297 = vector.shape_cast %swap3A_296 : vector<1x16xf32> to vector<16xf32>
        %swap3A_298 = vector.shape_cast %mul3A_289 : vector<16xf32> to vector<1x16xf32>
        tpu.vector_store %arg14[%swap3A_294, %swap3A_295], %swap3A_298 {strides = array<i32>} : memref<256x16xf32, #tpu.memory_space<vmem>>, vector<1x16xf32>,
        %mul3A_299 = arith.constant 16 : i32
        %mul3A_300 = arith.muli %scan3A_124, %mul3A_299 : i32
        %add3A_301 = arith.constant 8 : i32
        %add3A_302 = arith.addi %mul3A_300, %add3A_301 : i32
        %get3A_303 = arith.index_cast %add3A_302 : i32 to index
        %get3A_304 = arith.constant 0 : index
        %get3A_305 = tpu.vector_load %arg14[%get3A_303, %get3A_304] {strides = array<i32>} : memref<256x16xf32, #tpu.memory_space<vmem>>, vector<1x16xf32>,
        %get3A_306 = vector.shape_cast %get3A_305 : vector<1x16xf32> to vector<16xf32>
        %slice3A_307 = vector.extract_strided_slice %div3A_133 {offsets = [8], sizes = [1], strides = [1]} : vector<16xf32> to vector<1xf32>
        %squeeze3A_308 = vector.extract %slice3A_307[0] : f32 from vector<1xf32>
        %mul3A_309 = vector.broadcast %squeeze3A_308 : f32 to vector<16xf32>
        %mul3A_310 = arith.mulf %get3A_306, %mul3A_309 : vector<16xf32>
        %mul3A_311 = arith.constant 16 : i32
        %mul3A_312 = arith.muli %scan3A_124, %mul3A_311 : i32
        %add3A_313 = arith.constant 8 : i32
        %add3A_314 = arith.addi %mul3A_312, %add3A_313 : i32
        %swap3A_315 = arith.index_cast %add3A_314 : i32 to index
        %swap3A_316 = arith.constant 0 : index
        %swap3A_317 = tpu.vector_load %arg14[%swap3A_315, %swap3A_316] {strides = array<i32>} : memref<256x16xf32, #tpu.memory_space<vmem>>, vector<1x16xf32>,
        %swap3A_318 = vector.shape_cast %swap3A_317 : vector<1x16xf32> to vector<16xf32>
        %swap3A_319 = vector.shape_cast %mul3A_310 : vector<16xf32> to vector<1x16xf32>
        tpu.vector_store %arg14[%swap3A_315, %swap3A_316], %swap3A_319 {strides = array<i32>} : memref<256x16xf32, #tpu.memory_space<vmem>>, vector<1x16xf32>,
        %mul3A_320 = arith.constant 16 : i32
        %mul3A_321 = arith.muli %scan3A_124, %mul3A_320 : i32
        %add3A_322 = arith.constant 9 : i32
        %add3A_323 = arith.addi %mul3A_321, %add3A_322 : i32
        %get3A_324 = arith.index_cast %add3A_323 : i32 to index
        %get3A_325 = arith.constant 0 : index
        %get3A_326 = tpu.vector_load %arg14[%get3A_324, %get3A_325] {strides = array<i32>} : memref<256x16xf32, #tpu.memory_space<vmem>>, vector<1x16xf32>,
        %get3A_327 = vector.shape_cast %get3A_326 : vector<1x16xf32> to vector<16xf32>
        %slice3A_328 = vector.extract_strided_slice %div3A_133 {offsets = [9], sizes = [1], strides = [1]} : vector<16xf32> to vector<1xf32>
        %squeeze3A_329 = vector.extract %slice3A_328[0] : f32 from vector<1xf32>
        %mul3A_330 = vector.broadcast %squeeze3A_329 : f32 to vector<16xf32>
        %mul3A_331 = arith.mulf %get3A_327, %mul3A_330 : vector<16xf32>
        %mul3A_332 = arith.constant 16 : i32
        %mul3A_333 = arith.muli %scan3A_124, %mul3A_332 : i32
        %add3A_334 = arith.constant 9 : i32
        %add3A_335 = arith.addi %mul3A_333, %add3A_334 : i32
        %swap3A_336 = arith.index_cast %add3A_335 : i32 to index
        %swap3A_337 = arith.constant 0 : index
        %swap3A_338 = tpu.vector_load %arg14[%swap3A_336, %swap3A_337] {strides = array<i32>} : memref<256x16xf32, #tpu.memory_space<vmem>>, vector<1x16xf32>,
        %swap3A_339 = vector.shape_cast %swap3A_338 : vector<1x16xf32> to vector<16xf32>
        %swap3A_340 = vector.shape_cast %mul3A_331 : vector<16xf32> to vector<1x16xf32>
        tpu.vector_store %arg14[%swap3A_336, %swap3A_337], %swap3A_340 {strides = array<i32>} : memref<256x16xf32, #tpu.memory_space<vmem>>, vector<1x16xf32>,
        %mul3A_341 = arith.constant 16 : i32
        %mul3A_342 = arith.muli %scan3A_124, %mul3A_341 : i32
        %add3A_343 = arith.constant 10 : i32
        %add3A_344 = arith.addi %mul3A_342, %add3A_343 : i32
        %get3A_345 = arith.index_cast %add3A_344 : i32 to index
        %get3A_346 = arith.constant 0 : index
        %get3A_347 = tpu.vector_load %arg14[%get3A_345, %get3A_346] {strides = array<i32>} : memref<256x16xf32, #tpu.memory_space<vmem>>, vector<1x16xf32>,
        %get3A_348 = vector.shape_cast %get3A_347 : vector<1x16xf32> to vector<16xf32>
        %slice3A_349 = vector.extract_strided_slice %div3A_133 {offsets = [10], sizes = [1], strides = [1]} : vector<16xf32> to vector<1xf32>
        %squeeze3A_350 = vector.extract %slice3A_349[0] : f32 from vector<1xf32>
        %mul3A_351 = vector.broadcast %squeeze3A_350 : f32 to vector<16xf32>
        %mul3A_352 = arith.mulf %get3A_348, %mul3A_351 : vector<16xf32>
        %mul3A_353 = arith.constant 16 : i32
        %mul3A_354 = arith.muli %scan3A_124, %mul3A_353 : i32
        %add3A_355 = arith.constant 10 : i32
        %add3A_356 = arith.addi %mul3A_354, %add3A_355 : i32
        %swap3A_357 = arith.index_cast %add3A_356 : i32 to index
        %swap3A_358 = arith.constant 0 : index
        %swap3A_359 = tpu.vector_load %arg14[%swap3A_357, %swap3A_358] {strides = array<i32>} : memref<256x16xf32, #tpu.memory_space<vmem>>, vector<1x16xf32>,
        %swap3A_360 = vector.shape_cast %swap3A_359 : vector<1x16xf32> to vector<16xf32>
        %swap3A_361 = vector.shape_cast %mul3A_352 : vector<16xf32> to vector<1x16xf32>
        tpu.vector_store %arg14[%swap3A_357, %swap3A_358], %swap3A_361 {strides = array<i32>} : memref<256x16xf32, #tpu.memory_space<vmem>>, vector<1x16xf32>,
        %mul3A_362 = arith.constant 16 : i32
        %mul3A_363 = arith.muli %scan3A_124, %mul3A_362 : i32
        %add3A_364 = arith.constant 11 : i32
        %add3A_365 = arith.addi %mul3A_363, %add3A_364 : i32
        %get3A_366 = arith.index_cast %add3A_365 : i32 to index
        %get3A_367 = arith.constant 0 : index
        %get3A_368 = tpu.vector_load %arg14[%get3A_366, %get3A_367] {strides = array<i32>} : memref<256x16xf32, #tpu.memory_space<vmem>>, vector<1x16xf32>,
        %get3A_369 = vector.shape_cast %get3A_368 : vector<1x16xf32> to vector<16xf32>
        %slice3A_370 = vector.extract_strided_slice %div3A_133 {offsets = [11], sizes = [1], strides = [1]} : vector<16xf32> to vector<1xf32>
        %squeeze3A_371 = vector.extract %slice3A_370[0] : f32 from vector<1xf32>
        %mul3A_372 = vector.broadcast %squeeze3A_371 : f32 to vector<16xf32>
        %mul3A_373 = arith.mulf %get3A_369, %mul3A_372 : vector<16xf32>
        %mul3A_374 = arith.constant 16 : i32
        %mul3A_375 = arith.muli %scan3A_124, %mul3A_374 : i32
        %add3A_376 = arith.constant 11 : i32
        %add3A_377 = arith.addi %mul3A_375, %add3A_376 : i32
        %swap3A_378 = arith.index_cast %add3A_377 : i32 to index
        %swap3A_379 = arith.constant 0 : index
        %swap3A_380 = tpu.vector_load %arg14[%swap3A_378, %swap3A_379] {strides = array<i32>} : memref<256x16xf32, #tpu.memory_space<vmem>>, vector<1x16xf32>,
        %swap3A_381 = vector.shape_cast %swap3A_380 : vector<1x16xf32> to vector<16xf32>
        %swap3A_382 = vector.shape_cast %mul3A_373 : vector<16xf32> to vector<1x16xf32>
        tpu.vector_store %arg14[%swap3A_378, %swap3A_379], %swap3A_382 {strides = array<i32>} : memref<256x16xf32, #tpu.memory_space<vmem>>, vector<1x16xf32>,
        %mul3A_383 = arith.constant 16 : i32
        %mul3A_384 = arith.muli %scan3A_124, %mul3A_383 : i32
        %add3A_385 = arith.constant 12 : i32
        %add3A_386 = arith.addi %mul3A_384, %add3A_385 : i32
        %get3A_387 = arith.index_cast %add3A_386 : i32 to index
        %get3A_388 = arith.constant 0 : index
        %get3A_389 = tpu.vector_load %arg14[%get3A_387, %get3A_388] {strides = array<i32>} : memref<256x16xf32, #tpu.memory_space<vmem>>, vector<1x16xf32>,
        %get3A_390 = vector.shape_cast %get3A_389 : vector<1x16xf32> to vector<16xf32>
        %slice3A_391 = vector.extract_strided_slice %div3A_133 {offsets = [12], sizes = [1], strides = [1]} : vector<16xf32> to vector<1xf32>
        %squeeze3A_392 = vector.extract %slice3A_391[0] : f32 from vector<1xf32>
        %mul3A_393 = vector.broadcast %squeeze3A_392 : f32 to vector<16xf32>
        %mul3A_394 = arith.mulf %get3A_390, %mul3A_393 : vector<16xf32>
        %mul3A_395 = arith.constant 16 : i32
        %mul3A_396 = arith.muli %scan3A_124, %mul3A_395 : i32
        %add3A_397 = arith.constant 12 : i32
        %add3A_398 = arith.addi %mul3A_396, %add3A_397 : i32
        %swap3A_399 = arith.index_cast %add3A_398 : i32 to index
        %swap3A_400 = arith.constant 0 : index
        %swap3A_401 = tpu.vector_load %arg14[%swap3A_399, %swap3A_400] {strides = array<i32>} : memref<256x16xf32, #tpu.memory_space<vmem>>, vector<1x16xf32>,
        %swap3A_402 = vector.shape_cast %swap3A_401 : vector<1x16xf32> to vector<16xf32>
        %swap3A_403 = vector.shape_cast %mul3A_394 : vector<16xf32> to vector<1x16xf32>
        tpu.vector_store %arg14[%swap3A_399, %swap3A_400], %swap3A_403 {strides = array<i32>} : memref<256x16xf32, #tpu.memory_space<vmem>>, vector<1x16xf32>,
        %mul3A_404 = arith.constant 16 : i32
        %mul3A_405 = arith.muli %scan3A_124, %mul3A_404 : i32
        %add3A_406 = arith.constant 13 : i32
        %add3A_407 = arith.addi %mul3A_405, %add3A_406 : i32
        %get3A_408 = arith.index_cast %add3A_407 : i32 to index
        %get3A_409 = arith.constant 0 : index
        %get3A_410 = tpu.vector_load %arg14[%get3A_408, %get3A_409] {strides = array<i32>} : memref<256x16xf32, #tpu.memory_space<vmem>>, vector<1x16xf32>,
        %get3A_411 = vector.shape_cast %get3A_410 : vector<1x16xf32> to vector<16xf32>
        %slice3A_412 = vector.extract_strided_slice %div3A_133 {offsets = [13], sizes = [1], strides = [1]} : vector<16xf32> to vector<1xf32>
        %squeeze3A_413 = vector.extract %slice3A_412[0] : f32 from vector<1xf32>
        %mul3A_414 = vector.broadcast %squeeze3A_413 : f32 to vector<16xf32>
        %mul3A_415 = arith.mulf %get3A_411, %mul3A_414 : vector<16xf32>
        %mul3A_416 = arith.constant 16 : i32
        %mul3A_417 = arith.muli %scan3A_124, %mul3A_416 : i32
        %add3A_418 = arith.constant 13 : i32
        %add3A_419 = arith.addi %mul3A_417, %add3A_418 : i32
        %swap3A_420 = arith.index_cast %add3A_419 : i32 to index
        %swap3A_421 = arith.constant 0 : index
        %swap3A_422 = tpu.vector_load %arg14[%swap3A_420, %swap3A_421] {strides = array<i32>} : memref<256x16xf32, #tpu.memory_space<vmem>>, vector<1x16xf32>,
        %swap3A_423 = vector.shape_cast %swap3A_422 : vector<1x16xf32> to vector<16xf32>
        %swap3A_424 = vector.shape_cast %mul3A_415 : vector<16xf32> to vector<1x16xf32>
        tpu.vector_store %arg14[%swap3A_420, %swap3A_421], %swap3A_424 {strides = array<i32>} : memref<256x16xf32, #tpu.memory_space<vmem>>, vector<1x16xf32>,
        %mul3A_425 = arith.constant 16 : i32
        %mul3A_426 = arith.muli %scan3A_124, %mul3A_425 : i32
        %add3A_427 = arith.constant 14 : i32
        %add3A_428 = arith.addi %mul3A_426, %add3A_427 : i32
        %get3A_429 = arith.index_cast %add3A_428 : i32 to index
        %get3A_430 = arith.constant 0 : index
        %get3A_431 = tpu.vector_load %arg14[%get3A_429, %get3A_430] {strides = array<i32>} : memref<256x16xf32, #tpu.memory_space<vmem>>, vector<1x16xf32>,
        %get3A_432 = vector.shape_cast %get3A_431 : vector<1x16xf32> to vector<16xf32>
        %slice3A_433 = vector.extract_strided_slice %div3A_133 {offsets = [14], sizes = [1], strides = [1]} : vector<16xf32> to vector<1xf32>
        %squeeze3A_434 = vector.extract %slice3A_433[0] : f32 from vector<1xf32>
        %mul3A_435 = vector.broadcast %squeeze3A_434 : f32 to vector<16xf32>
        %mul3A_436 = arith.mulf %get3A_432, %mul3A_435 : vector<16xf32>
        %mul3A_437 = arith.constant 16 : i32
        %mul3A_438 = arith.muli %scan3A_124, %mul3A_437 : i32
        %add3A_439 = arith.constant 14 : i32
        %add3A_440 = arith.addi %mul3A_438, %add3A_439 : i32
        %swap3A_441 = arith.index_cast %add3A_440 : i32 to index
        %swap3A_442 = arith.constant 0 : index
        %swap3A_443 = tpu.vector_load %arg14[%swap3A_441, %swap3A_442] {strides = array<i32>} : memref<256x16xf32, #tpu.memory_space<vmem>>, vector<1x16xf32>,
        %swap3A_444 = vector.shape_cast %swap3A_443 : vector<1x16xf32> to vector<16xf32>
        %swap3A_445 = vector.shape_cast %mul3A_436 : vector<16xf32> to vector<1x16xf32>
        tpu.vector_store %arg14[%swap3A_441, %swap3A_442], %swap3A_445 {strides = array<i32>} : memref<256x16xf32, #tpu.memory_space<vmem>>, vector<1x16xf32>,
        %mul3A_446 = arith.constant 16 : i32
        %mul3A_447 = arith.muli %scan3A_124, %mul3A_446 : i32
        %add3A_448 = arith.constant 15 : i32
        %add3A_449 = arith.addi %mul3A_447, %add3A_448 : i32
        %get3A_450 = arith.index_cast %add3A_449 : i32 to index
        %get3A_451 = arith.constant 0 : index
        %get3A_452 = tpu.vector_load %arg14[%get3A_450, %get3A_451] {strides = array<i32>} : memref<256x16xf32, #tpu.memory_space<vmem>>, vector<1x16xf32>,
        %get3A_453 = vector.shape_cast %get3A_452 : vector<1x16xf32> to vector<16xf32>
        %slice3A_454 = vector.extract_strided_slice %div3A_133 {offsets = [15], sizes = [1], strides = [1]} : vector<16xf32> to vector<1xf32>
        %squeeze3A_455 = vector.extract %slice3A_454[0] : f32 from vector<1xf32>
        %mul3A_456 = vector.broadcast %squeeze3A_455 : f32 to vector<16xf32>
        %mul3A_457 = arith.mulf %get3A_453, %mul3A_456 : vector<16xf32>
        %mul3A_458 = arith.constant 16 : i32
        %mul3A_459 = arith.muli %scan3A_124, %mul3A_458 : i32
        %add3A_460 = arith.constant 15 : i32
        %add3A_461 = arith.addi %mul3A_459, %add3A_460 : i32
        %swap3A_462 = arith.index_cast %add3A_461 : i32 to index
        %swap3A_463 = arith.constant 0 : index
        %swap3A_464 = tpu.vector_load %arg14[%swap3A_462, %swap3A_463] {strides = array<i32>} : memref<256x16xf32, #tpu.memory_space<vmem>>, vector<1x16xf32>,
        %swap3A_465 = vector.shape_cast %swap3A_464 : vector<1x16xf32> to vector<16xf32>
        %swap3A_466 = vector.shape_cast %mul3A_457 : vector<16xf32> to vector<1x16xf32>
        tpu.vector_store %arg14[%swap3A_462, %swap3A_463], %swap3A_466 {strides = array<i32>} : memref<256x16xf32, #tpu.memory_space<vmem>>, vector<1x16xf32>,
        %scan3A_467 = arith.constant 0 : i32
        scf.yield %scan3A_467 : i32
      }
      %scan3A_110 = arith.constant 5 : i32
      "tpu.region"() ({
        %run_scoped3A = tpu.sem_alloc : memref<!tpu.dma_semaphore, #tpu.memory_space<semaphore_mem>>
        %dma_start3A = arith.constant 0 : i32
        %dma_start3A_124 = arith.constant 0 : i32
        %dma_start3A_125 = tpu.memref_slice %arg14[%dma_start3A, %dma_start3A_124] : memref<256x16xf32, #tpu.memory_space<vmem>> -> memref<72x16xf32, #tpu.memory_space<vmem>>
        %dma_start3A_126 = arith.constant 0 : i32
        %dma_start3A_127 = tpu.memref_slice %arg9[%add3A_103, %dma_start3A_126] : memref<87168x16xf32, #tpu.memory_space<vmem_shared>> -> memref<72x16xf32, #tpu.memory_space<vmem_shared>>
        %dma_start3A_128 = arith.constant 0 : i32
        %dma_start3A_129 = tpu.memref_slice %arg9[%add3A_103, %dma_start3A_128] : memref<87168x16xf32, #tpu.memory_space<vmem_shared>> -> memref<72x16xf32, #tpu.memory_space<vmem_shared>>
        %dma_start3A_130 = arith.constant 0 : i32
        %dma_start3A_131 = arith.constant 0 : i32
        %dma_start3A_132 = tpu.memref_slice %arg14[%dma_start3A_130, %dma_start3A_131] : memref<256x16xf32, #tpu.memory_space<vmem>> -> memref<72x16xf32, #tpu.memory_space<vmem>>
        tpu.enqueue_dma source(%dma_start3A_132 : memref<72x16xf32, #tpu.memory_space<vmem>>) target(%dma_start3A_129 : memref<72x16xf32, #tpu.memory_space<vmem_shared>>) target_semaphore(%run_scoped3A : memref<!tpu.dma_semaphore, #tpu.memory_space<semaphore_mem>>)
        %dma_wait3A = arith.constant 0 : i32
        %dma_wait3A_133 = arith.constant 0 : i32
        %dma_wait3A_134 = tpu.memref_slice %arg14[%dma_wait3A, %dma_wait3A_133] : memref<256x16xf32, #tpu.memory_space<vmem>> -> memref<72x16xf32, #tpu.memory_space<vmem>>
        %dma_wait3A_135 = arith.constant 0 : i32
        %dma_wait3A_136 = tpu.memref_slice %arg9[%add3A_103, %dma_wait3A_135] : memref<87168x16xf32, #tpu.memory_space<vmem_shared>> -> memref<72x16xf32, #tpu.memory_space<vmem_shared>>
        %dma_wait3A_137 = arith.constant 0 : i32
        %dma_wait3A_138 = tpu.memref_slice %arg9[%add3A_103, %dma_wait3A_137] : memref<87168x16xf32, #tpu.memory_space<vmem_shared>> -> memref<72x16xf32, #tpu.memory_space<vmem_shared>>
        %dma_wait3A_139 = arith.constant 0 : i32
        %dma_wait3A_140 = arith.constant 0 : i32
        %dma_wait3A_141 = tpu.memref_slice %arg14[%dma_wait3A_139, %dma_wait3A_140] : memref<256x16xf32, #tpu.memory_space<vmem>> -> memref<72x16xf32, #tpu.memory_space<vmem>>
        tpu.wait_dma2 semaphore(%run_scoped3A : memref<!tpu.dma_semaphore, #tpu.memory_space<semaphore_mem>>) src(%dma_wait3A_141 : memref<72x16xf32, #tpu.memory_space<vmem>>) dst(%dma_wait3A_138 : memref<72x16xf32, #tpu.memory_space<vmem_shared>>)
        tpu.yield
      }) : () -> ()
      %barrier3A_111 = arith.constant 0 : index
      tpu.barrier barrier_id(%barrier3A_111)
      %scan3A_112 = arith.constant 0 : i32
      %scan3A_113 = arith.constant 0 : i32
      %scan3A_114 = arith.constant 10 : i32
      %scan3A_115 = arith.addi %scan3A_113, %scan3A_114 : i32
      %scan3A_116 = arith.constant 1 : i32
      %scan3A_117 = scf.for %scan3A_124 = %scan3A_113 to %scan3A_115 step %scan3A_116 iter_args(%scan3A_125 = %scan3A_112) -> (i32)  : i32 {
        %get3A = arith.index_cast %scan3A_124 : i32 to index
        %get3A_126 = memref.load %arg10[%get3A] : memref<10xi32, #tpu.memory_space<smem>>
        %mul3A_127 = arith.constant 320 : i32
        %mul3A_128 = arith.muli %scan3A_124, %mul3A_127 : i32
        %add3A_129 = arith.addi %mul3A_0, %mul3A_128 : i32
        %mul3A_130 = arith.constant 5200 : i32
        %mul3A_131 = arith.muli %scan3A_124, %mul3A_130 : i32
        %add3A_132 = arith.addi %mul3A_84, %mul3A_131 : i32
        "tpu.region"() ({
          %run_scoped3A = tpu.sem_alloc : memref<!tpu.dma_semaphore, #tpu.memory_space<semaphore_mem>>
          %dma_start3A = arith.constant 0 : i32
          %dma_start3A_165 = tpu.memref_slice %arg26[%dma_start3A] : memref<5216xi32, #tpu.memory_space<vmem>> -> memref<5200xi32, #tpu.memory_space<vmem>>
          %dma_start3A_166 = tpu.memref_slice %arg8[%add3A_132] : memref<9984000xi32, #tpu.memory_space<hbm>> -> memref<5200xi32, #tpu.memory_space<hbm>>
          %dma_start3A_167 = arith.constant 0 : i32
          %dma_start3A_168 = tpu.memref_slice %arg26[%dma_start3A_167] : memref<5216xi32, #tpu.memory_space<vmem>> -> memref<5200xi32, #tpu.memory_space<vmem>>
          %dma_start3A_169 = tpu.memref_slice %arg8[%add3A_132] : memref<9984000xi32, #tpu.memory_space<hbm>> -> memref<5200xi32, #tpu.memory_space<hbm>>
          tpu.enqueue_dma source(%dma_start3A_169 : memref<5200xi32, #tpu.memory_space<hbm>>) target(%dma_start3A_168 : memref<5200xi32, #tpu.memory_space<vmem>>) target_semaphore(%run_scoped3A : memref<!tpu.dma_semaphore, #tpu.memory_space<semaphore_mem>>)
          %dma_wait3A = arith.constant 0 : i32
          %dma_wait3A_170 = tpu.memref_slice %arg26[%dma_wait3A] : memref<5216xi32, #tpu.memory_space<vmem>> -> memref<5200xi32, #tpu.memory_space<vmem>>
          %dma_wait3A_171 = tpu.memref_slice %arg8[%add3A_132] : memref<9984000xi32, #tpu.memory_space<hbm>> -> memref<5200xi32, #tpu.memory_space<hbm>>
          %dma_wait3A_172 = arith.constant 0 : i32
          %dma_wait3A_173 = tpu.memref_slice %arg26[%dma_wait3A_172] : memref<5216xi32, #tpu.memory_space<vmem>> -> memref<5200xi32, #tpu.memory_space<vmem>>
          %dma_wait3A_174 = tpu.memref_slice %arg8[%add3A_132] : memref<9984000xi32, #tpu.memory_space<hbm>> -> memref<5200xi32, #tpu.memory_space<hbm>>
          tpu.wait_dma2 semaphore(%run_scoped3A : memref<!tpu.dma_semaphore, #tpu.memory_space<semaphore_mem>>) src(%dma_wait3A_174 : memref<5200xi32, #tpu.memory_space<hbm>>) dst(%dma_wait3A_173 : memref<5200xi32, #tpu.memory_space<vmem>>)
          tpu.yield
        }) : () -> ()
        %add3A_133 = arith.constant 256 : i32
        %add3A_134 = arith.addi %get3A_126, %add3A_133 : i32
        %sub3A = arith.constant 1 : i32
        %sub3A_135 = arith.subi %add3A_134, %sub3A : i32
        %jit3A = arith.constant 256 : i32
        %div3A = arith.divsi %sub3A_135, %jit3A : i32
        %sign3A = arith.constant 0 : i32
        %sign3A_136 = arith.cmpi sgt, %sub3A_135, %sign3A : i32
        %sign3A_137 = arith.extui %sign3A_136 : i1 to i32
        %sign3A_138 = arith.constant 0 : i32
        %sign3A_139 = arith.cmpi slt, %sub3A_135, %sign3A_138 : i32
        %sign3A_140 = arith.extui %sign3A_139 : i1 to i32
        %sign3A_141 = arith.subi %sign3A_137, %sign3A_140 : i32
        %sign3A_142 = arith.constant 0 : i32
        %sign3A_143 = arith.cmpi sgt, %jit3A, %sign3A_142 : i32
        %sign3A_144 = arith.extui %sign3A_143 : i1 to i32
        %sign3A_145 = arith.constant 0 : i32
        %sign3A_146 = arith.cmpi slt, %jit3A, %sign3A_145 : i32
        %sign3A_147 = arith.extui %sign3A_146 : i1 to i32
        %sign3A_148 = arith.subi %sign3A_144, %sign3A_147 : i32
        %ne3A = arith.cmpi ne, %sign3A_141, %sign3A_148 : i32
        %rem3A = arith.remsi %sub3A_135, %jit3A : i32
        %ne3A_149 = arith.constant 0 : i32
        %ne3A_150 = arith.cmpi ne, %rem3A, %ne3A_149 : i32
        %and3A = arith.andi %ne3A, %ne3A_150 : i1
        %sub3A_151 = arith.constant 1 : i32
        %sub3A_152 = arith.subi %div3A, %sub3A_151 : i32
        %select_n3A = arith.select %and3A, %sub3A_152, %div3A : i32
        %while3A = arith.constant 0 : i32
        %while3A_153 = arith.constant 0 : i32
        %while3A_154 = arith.subi %select_n3A, %while3A : i32
        %while3A_155 = arith.addi %while3A, %while3A_154 : i32
        %while3A_156 = arith.constant 1 : i32
        %while3A_157 = arith.divsi %while3A_154, %while3A_156 : i32
        %while3A_158 = arith.muli %while3A_157, %while3A_156 : i32
        %while3A_159 = arith.addi %while3A, %while3A_158 : i32
        %while3A_160 = arith.constant 1 : i32
        %while3A_161 = scf.for %while3A_165 = %while3A to %while3A_159 step %while3A_160 iter_args(%while3A_166 = %while3A_153) -> (i32)  : i32 {
          %scan3A_167 = arith.constant 0 : i32
          %scan3A_168 = arith.constant 0 : i32
          %scan3A_169 = arith.constant 16 : i32
          %scan3A_170 = arith.addi %scan3A_168, %scan3A_169 : i32
          %scan3A_171 = arith.constant 1 : i32
          %scan3A_172 = scf.for %scan3A_175 = %scan3A_168 to %scan3A_170 step %scan3A_171 iter_args(%scan3A_176 = %scan3A_167) -> (i32)  : i32 {
            %mul3A_177 = arith.constant 256 : i32
            %mul3A_178 = arith.muli %while3A_165, %mul3A_177 : i32
            %mul3A_179 = arith.constant 16 : i32
            %mul3A_180 = arith.muli %scan3A_175, %mul3A_179 : i32
            %add3A_181 = arith.addi %mul3A_178, %mul3A_180 : i32
            %get3A_182 = arith.index_cast %add3A_181 : i32 to index
            %get3A_183 = tpu.vector_load %arg26[%get3A_182] {strides = array<i32>} : memref<5216xi32, #tpu.memory_space<vmem>>, vector<16xi32>,
            %get3A_184 = vector.shape_cast %get3A_183 : vector<16xi32> to vector<16xi32>
            %shift_right_arithmetic3A = arith.constant 13 : i32
            %shift_right_arithmetic3A_185 = vector.broadcast %shift_right_arithmetic3A : i32 to vector<16xi32>
            %shift_right_arithmetic3A_186 = arith.shrsi %get3A_184, %shift_right_arithmetic3A_185 : vector<16xi32>
            %mul3A_187 = arith.constant 16 : i32
            %mul3A_188 = arith.muli %scan3A_175, %mul3A_187 : i32
            %swap3A = arith.index_cast %mul3A_188 : i32 to index
            %swap3A_189 = tpu.vector_load %arg16[%swap3A] {strides = array<i32>} : memref<256xi32, #tpu.memory_space<vmem>>, vector<16xi32>,
            %swap3A_190 = vector.shape_cast %swap3A_189 : vector<16xi32> to vector<16xi32>
            %swap3A_191 = vector.shape_cast %shift_right_arithmetic3A_186 : vector<16xi32> to vector<16xi32>
            tpu.vector_store %arg16[%swap3A], %swap3A_191 {strides = array<i32>} : memref<256xi32, #tpu.memory_space<vmem>>, vector<16xi32>,
            %ge3A = arith.constant 713031680 : i32
            %ge3A_192 = vector.broadcast %ge3A : i32 to vector<16xi32>
            %ge3A_193 = arith.cmpi sge, %get3A_184, %ge3A_192 : vector<16xi32>
            %mul3A_194 = arith.constant 16 : i32
            %mul3A_195 = arith.muli %add3A_129, %mul3A_194 : i32
            %and3A_196 = arith.constant 8191 : i32
            %and3A_197 = vector.broadcast %and3A_196 : i32 to vector<16xi32>
            %and3A_198 = arith.andi %get3A_184, %and3A_197 : vector<16xi32>
            %add3A_199 = vector.broadcast %mul3A_195 : i32 to vector<16xi32>
            %add3A_200 = arith.addi %add3A_199, %and3A_198 : vector<16xi32>
            %jit3A_201 = arith.constant 819200 : i32
            %broadcast_in_dim3A_202 = vector.broadcast %jit3A_201 : i32 to vector<16xi32>
            %select_n3A_203 = arith.select %ge3A_193, %broadcast_in_dim3A_202, %add3A_200 : vector<16xi1>, vector<16xi32>
            %mul3A_204 = arith.constant 16 : i32
            %mul3A_205 = arith.muli %scan3A_175, %mul3A_204 : i32
            %swap3A_206 = arith.index_cast %mul3A_205 : i32 to index
            %swap3A_207 = tpu.vector_load %arg17[%swap3A_206] {strides = array<i32>} : memref<256xi32, #tpu.memory_space<vmem>>, vector<16xi32>,
            %swap3A_208 = vector.shape_cast %swap3A_207 : vector<16xi32> to vector<16xi32>
            %swap3A_209 = vector.shape_cast %select_n3A_203 : vector<16xi32> to vector<16xi32>
            tpu.vector_store %arg17[%swap3A_206], %swap3A_209 {strides = array<i32>} : memref<256xi32, #tpu.memory_space<vmem>>, vector<16xi32>,
            %scan3A_210 = arith.constant 0 : i32
            scf.yield %scan3A_210 : i32
          }
          %scan3A_173 = arith.constant 16 : i32
          "tpu.region"() ({
            %run_scoped3A = tpu.sem_alloc : memref<!tpu.dma_semaphore, #tpu.memory_space<semaphore_mem>>
            %dma_start3A = arith.constant 0 : i32
            %dma_start3A_175 = arith.constant 0 : i32
            %dma_start3A_176 = tpu.memref_slice %arg9[%dma_start3A, %dma_start3A_175] : memref<87168x16xf32, #tpu.memory_space<vmem_shared>> -> memref<87168x16xf32, #tpu.memory_space<vmem_shared>>
            tpu.enqueue_indirect_dma source(%dma_start3A_176 : memref<87168x16xf32, #tpu.memory_space<vmem_shared>>) target(%arg14 : memref<256x16xf32, #tpu.memory_space<vmem>>) offsets(%arg16 : memref<256xi32, #tpu.memory_space<vmem>>) semaphore(%run_scoped3A : memref<!tpu.dma_semaphore, #tpu.memory_space<semaphore_mem>>)
            %dma_wait3A = arith.constant 0 : i32
            %dma_wait3A_177 = arith.constant 0 : i32
            %dma_wait3A_178 = tpu.memref_slice %arg9[%dma_wait3A, %dma_wait3A_177] : memref<87168x16xf32, #tpu.memory_space<vmem_shared>> -> memref<87168x16xf32, #tpu.memory_space<vmem_shared>>
            tpu.wait_indirect_dma semaphore(%run_scoped3A : memref<!tpu.dma_semaphore, #tpu.memory_space<semaphore_mem>>) src(%dma_wait3A_178 : memref<87168x16xf32, #tpu.memory_space<vmem_shared>>) dst(%arg14 : memref<256x16xf32, #tpu.memory_space<vmem>>)
            tpu.yield
          }) : () -> ()
          "tpu.region"() ({
            %run_scoped3A = tpu.sem_alloc : memref<!tpu.dma_semaphore, #tpu.memory_space<semaphore_mem>>
            %dma_start3A = arith.constant 0 : i32
            %dma_start3A_175 = arith.constant 0 : i32
            %dma_start3A_176 = tpu.memref_slice %arg6[%dma_start3A, %dma_start3A_175] : memref<819216x16xf32, #tpu.memory_space<hbm>> -> memref<819216x16xf32, #tpu.memory_space<hbm>>
            tpu.enqueue_indirect_dma source(%arg14 : memref<256x16xf32, #tpu.memory_space<vmem>>) target(%dma_start3A_176 : memref<819216x16xf32, #tpu.memory_space<hbm>>) offsets(%arg17 : memref<256xi32, #tpu.memory_space<vmem>>) semaphore(%run_scoped3A : memref<!tpu.dma_semaphore, #tpu.memory_space<semaphore_mem>>)
            %dma_wait3A = arith.constant 0 : i32
            %dma_wait3A_177 = arith.constant 0 : i32
            %dma_wait3A_178 = tpu.memref_slice %arg6[%dma_wait3A, %dma_wait3A_177] : memref<819216x16xf32, #tpu.memory_space<hbm>> -> memref<819216x16xf32, #tpu.memory_space<hbm>>
            tpu.wait_indirect_dma semaphore(%run_scoped3A : memref<!tpu.dma_semaphore, #tpu.memory_space<semaphore_mem>>) src(%arg14 : memref<256x16xf32, #tpu.memory_space<vmem>>) dst(%dma_wait3A_178 : memref<819216x16xf32, #tpu.memory_space<hbm>>)
            tpu.yield
          }) : () -> ()
          %while3A_174 = arith.constant 0 : i32
          scf.yield %while3A_174 : i32
        }
        %while3A_162 = arith.constant 1 : i32
        %while3A_163 = scf.for %while3A_165 = %while3A_159 to %while3A_155 step %while3A_162 iter_args(%while3A_166 = %while3A_161) -> (i32)  : i32 {
          %scan3A_167 = arith.constant 0 : i32
          %scan3A_168 = arith.constant 0 : i32
          %scan3A_169 = arith.constant 16 : i32
          %scan3A_170 = arith.addi %scan3A_168, %scan3A_169 : i32
          %scan3A_171 = arith.constant 1 : i32
          %scan3A_172 = scf.for %scan3A_175 = %scan3A_168 to %scan3A_170 step %scan3A_171 iter_args(%scan3A_176 = %scan3A_167) -> (i32)  : i32 {
            %mul3A_177 = arith.constant 256 : i32
            %mul3A_178 = arith.muli %while3A_165, %mul3A_177 : i32
            %mul3A_179 = arith.constant 16 : i32
            %mul3A_180 = arith.muli %scan3A_175, %mul3A_179 : i32
            %add3A_181 = arith.addi %mul3A_178, %mul3A_180 : i32
            %get3A_182 = arith.index_cast %add3A_181 : i32 to index
            %get3A_183 = tpu.vector_load %arg26[%get3A_182] {strides = array<i32>} : memref<5216xi32, #tpu.memory_space<vmem>>, vector<16xi32>,
            %get3A_184 = vector.shape_cast %get3A_183 : vector<16xi32> to vector<16xi32>
            %shift_right_arithmetic3A = arith.constant 13 : i32
            %shift_right_arithmetic3A_185 = vector.broadcast %shift_right_arithmetic3A : i32 to vector<16xi32>
            %shift_right_arithmetic3A_186 = arith.shrsi %get3A_184, %shift_right_arithmetic3A_185 : vector<16xi32>
            %mul3A_187 = arith.constant 16 : i32
            %mul3A_188 = arith.muli %scan3A_175, %mul3A_187 : i32
            %swap3A = arith.index_cast %mul3A_188 : i32 to index
            %swap3A_189 = tpu.vector_load %arg16[%swap3A] {strides = array<i32>} : memref<256xi32, #tpu.memory_space<vmem>>, vector<16xi32>,
            %swap3A_190 = vector.shape_cast %swap3A_189 : vector<16xi32> to vector<16xi32>
            %swap3A_191 = vector.shape_cast %shift_right_arithmetic3A_186 : vector<16xi32> to vector<16xi32>
            tpu.vector_store %arg16[%swap3A], %swap3A_191 {strides = array<i32>} : memref<256xi32, #tpu.memory_space<vmem>>, vector<16xi32>,
            %ge3A = arith.constant 713031680 : i32
            %ge3A_192 = vector.broadcast %ge3A : i32 to vector<16xi32>
            %ge3A_193 = arith.cmpi sge, %get3A_184, %ge3A_192 : vector<16xi32>
            %mul3A_194 = arith.constant 16 : i32
            %mul3A_195 = arith.muli %add3A_129, %mul3A_194 : i32
            %and3A_196 = arith.constant 8191 : i32
            %and3A_197 = vector.broadcast %and3A_196 : i32 to vector<16xi32>
            %and3A_198 = arith.andi %get3A_184, %and3A_197 : vector<16xi32>
            %add3A_199 = vector.broadcast %mul3A_195 : i32 to vector<16xi32>
            %add3A_200 = arith.addi %add3A_199, %and3A_198 : vector<16xi32>
            %jit3A_201 = arith.constant 819200 : i32
            %broadcast_in_dim3A_202 = vector.broadcast %jit3A_201 : i32 to vector<16xi32>
            %select_n3A_203 = arith.select %ge3A_193, %broadcast_in_dim3A_202, %add3A_200 : vector<16xi1>, vector<16xi32>
            %mul3A_204 = arith.constant 16 : i32
            %mul3A_205 = arith.muli %scan3A_175, %mul3A_204 : i32
            %swap3A_206 = arith.index_cast %mul3A_205 : i32 to index
            %swap3A_207 = tpu.vector_load %arg17[%swap3A_206] {strides = array<i32>} : memref<256xi32, #tpu.memory_space<vmem>>, vector<16xi32>,
            %swap3A_208 = vector.shape_cast %swap3A_207 : vector<16xi32> to vector<16xi32>
            %swap3A_209 = vector.shape_cast %select_n3A_203 : vector<16xi32> to vector<16xi32>
            tpu.vector_store %arg17[%swap3A_206], %swap3A_209 {strides = array<i32>} : memref<256xi32, #tpu.memory_space<vmem>>, vector<16xi32>,
            %scan3A_210 = arith.constant 0 : i32
            scf.yield %scan3A_210 : i32
          }
          %scan3A_173 = arith.constant 16 : i32
          "tpu.region"() ({
            %run_scoped3A = tpu.sem_alloc : memref<!tpu.dma_semaphore, #tpu.memory_space<semaphore_mem>>
            %dma_start3A = arith.constant 0 : i32
            %dma_start3A_175 = arith.constant 0 : i32
            %dma_start3A_176 = tpu.memref_slice %arg9[%dma_start3A, %dma_start3A_175] : memref<87168x16xf32, #tpu.memory_space<vmem_shared>> -> memref<87168x16xf32, #tpu.memory_space<vmem_shared>>
            tpu.enqueue_indirect_dma source(%dma_start3A_176 : memref<87168x16xf32, #tpu.memory_space<vmem_shared>>) target(%arg14 : memref<256x16xf32, #tpu.memory_space<vmem>>) offsets(%arg16 : memref<256xi32, #tpu.memory_space<vmem>>) semaphore(%run_scoped3A : memref<!tpu.dma_semaphore, #tpu.memory_space<semaphore_mem>>)
            %dma_wait3A = arith.constant 0 : i32
            %dma_wait3A_177 = arith.constant 0 : i32
            %dma_wait3A_178 = tpu.memref_slice %arg9[%dma_wait3A, %dma_wait3A_177] : memref<87168x16xf32, #tpu.memory_space<vmem_shared>> -> memref<87168x16xf32, #tpu.memory_space<vmem_shared>>
            tpu.wait_indirect_dma semaphore(%run_scoped3A : memref<!tpu.dma_semaphore, #tpu.memory_space<semaphore_mem>>) src(%dma_wait3A_178 : memref<87168x16xf32, #tpu.memory_space<vmem_shared>>) dst(%arg14 : memref<256x16xf32, #tpu.memory_space<vmem>>)
            tpu.yield
          }) : () -> ()
          "tpu.region"() ({
            %run_scoped3A = tpu.sem_alloc : memref<!tpu.dma_semaphore, #tpu.memory_space<semaphore_mem>>
            %dma_start3A = arith.constant 0 : i32
            %dma_start3A_175 = arith.constant 0 : i32
            %dma_start3A_176 = tpu.memref_slice %arg6[%dma_start3A, %dma_start3A_175] : memref<819216x16xf32, #tpu.memory_space<hbm>> -> memref<819216x16xf32, #tpu.memory_space<hbm>>
            tpu.enqueue_indirect_dma source(%arg14 : memref<256x16xf32, #tpu.memory_space<vmem>>) target(%dma_start3A_176 : memref<819216x16xf32, #tpu.memory_space<hbm>>) offsets(%arg17 : memref<256xi32, #tpu.memory_space<vmem>>) semaphore(%run_scoped3A : memref<!tpu.dma_semaphore, #tpu.memory_space<semaphore_mem>>)
            %dma_wait3A = arith.constant 0 : i32
            %dma_wait3A_177 = arith.constant 0 : i32
            %dma_wait3A_178 = tpu.memref_slice %arg6[%dma_wait3A, %dma_wait3A_177] : memref<819216x16xf32, #tpu.memory_space<hbm>> -> memref<819216x16xf32, #tpu.memory_space<hbm>>
            tpu.wait_indirect_dma semaphore(%run_scoped3A : memref<!tpu.dma_semaphore, #tpu.memory_space<semaphore_mem>>) src(%arg14 : memref<256x16xf32, #tpu.memory_space<vmem>>) dst(%dma_wait3A_178 : memref<819216x16xf32, #tpu.memory_space<hbm>>)
            tpu.yield
          }) : () -> ()
          %while3A_174 = arith.constant 0 : i32
          scf.yield %while3A_174 : i32
        }
        %scan3A_164 = arith.constant 0 : i32
        scf.yield %scan3A_164 : i32
      }
      %scan3A_118 = arith.constant 10 : i32
      %barrier3A_119 = arith.constant 0 : index
      tpu.barrier barrier_id(%barrier3A_119)
      %lt3A = arith.constant 5 : i32
      %lt3A_120 = arith.cmpi slt, %scan3A_69, %lt3A : i32
      %convert_element_type3A = arith.extui %lt3A_120 : i1 to i32
      %cond3A = arith.constant 0 : i32
      %cond3A_121 = arith.cmpi ne, %convert_element_type3A, %cond3A : i32
      scf.if %cond3A_121 {
        %scan3A_124 = arith.constant 0 : i32
        %scan3A_125 = arith.constant 0 : i32
        %scan3A_126 = arith.constant 40 : i32
        %scan3A_127 = arith.addi %scan3A_125, %scan3A_126 : i32
        %scan3A_128 = arith.constant 1 : i32
        %scan3A_129 = scf.for %scan3A_146 = %scan3A_125 to %scan3A_127 step %scan3A_128 iter_args(%scan3A_147 = %scan3A_124) -> (i32)  : i32 {
          %mul3A_148 = arith.constant 5448 : i32
          %mul3A_149 = arith.muli %arg1, %mul3A_148 : i32
          %mul3A_150 = arith.constant 136 : i32
          %mul3A_151 = arith.muli %scan3A_146, %mul3A_150 : i32
          %add3A_152 = arith.addi %mul3A_149, %mul3A_151 : i32
          "tpu.region"() ({
            %run_scoped3A = tpu.sem_alloc : memref<!tpu.dma_semaphore, #tpu.memory_space<semaphore_mem>>
            %dma_start3A = arith.constant 0 : i32
            %dma_start3A_154 = tpu.memref_slice %arg9[%add3A_152, %dma_start3A] : memref<87168x16xf32, #tpu.memory_space<vmem_shared>> -> memref<136x16xf32, #tpu.memory_space<vmem_shared>>
            %dma_start3A_155 = arith.constant 0 : i32
            %dma_start3A_156 = tpu.memref_slice %arg9[%add3A_152, %dma_start3A_155] : memref<87168x16xf32, #tpu.memory_space<vmem_shared>> -> memref<136x16xf32, #tpu.memory_space<vmem_shared>>
            tpu.enqueue_dma source(%arg27 : memref<136x16xf32, #tpu.memory_space<vmem>>) target(%dma_start3A_156 : memref<136x16xf32, #tpu.memory_space<vmem_shared>>) target_semaphore(%run_scoped3A : memref<!tpu.dma_semaphore, #tpu.memory_space<semaphore_mem>>)
            %dma_wait3A = arith.constant 0 : i32
            %dma_wait3A_157 = tpu.memref_slice %arg9[%add3A_152, %dma_wait3A] : memref<87168x16xf32, #tpu.memory_space<vmem_shared>> -> memref<136x16xf32, #tpu.memory_space<vmem_shared>>
            %dma_wait3A_158 = arith.constant 0 : i32
            %dma_wait3A_159 = tpu.memref_slice %arg9[%add3A_152, %dma_wait3A_158] : memref<87168x16xf32, #tpu.memory_space<vmem_shared>> -> memref<136x16xf32, #tpu.memory_space<vmem_shared>>
            tpu.wait_dma2 semaphore(%run_scoped3A : memref<!tpu.dma_semaphore, #tpu.memory_space<semaphore_mem>>) src(%arg27 : memref<136x16xf32, #tpu.memory_space<vmem>>) dst(%dma_wait3A_159 : memref<136x16xf32, #tpu.memory_space<vmem_shared>>)
            tpu.yield
          }) : () -> ()
          %scan3A_153 = arith.constant 0 : i32
          scf.yield %scan3A_153 : i32
        }
        %scan3A_130 = arith.constant 40 : i32
        %mul3A_131 = arith.constant 5448 : i32
        %mul3A_132 = arith.muli %arg1, %mul3A_131 : i32
        %add3A_133 = arith.constant 5440 : i32
        %add3A_134 = arith.addi %mul3A_132, %add3A_133 : i32
        "tpu.region"() ({
          %run_scoped3A = tpu.sem_alloc : memref<!tpu.dma_semaphore, #tpu.memory_space<semaphore_mem>>
          %dma_start3A = arith.constant 0 : i32
          %dma_start3A_146 = arith.constant 0 : i32
          %dma_start3A_147 = tpu.memref_slice %arg27[%dma_start3A, %dma_start3A_146] : memref<136x16xf32, #tpu.memory_space<vmem>> -> memref<8x16xf32, #tpu.memory_space<vmem>>
          %dma_start3A_148 = arith.constant 0 : i32
          %dma_start3A_149 = tpu.memref_slice %arg9[%add3A_134, %dma_start3A_148] : memref<87168x16xf32, #tpu.memory_space<vmem_shared>> -> memref<8x16xf32, #tpu.memory_space<vmem_shared>>
          %dma_start3A_150 = arith.constant 0 : i32
          %dma_start3A_151 = tpu.memref_slice %arg9[%add3A_134, %dma_start3A_150] : memref<87168x16xf32, #tpu.memory_space<vmem_shared>> -> memref<8x16xf32, #tpu.memory_space<vmem_shared>>
          %dma_start3A_152 = arith.constant 0 : i32
          %dma_start3A_153 = arith.constant 0 : i32
          %dma_start3A_154 = tpu.memref_slice %arg27[%dma_start3A_152, %dma_start3A_153] : memref<136x16xf32, #tpu.memory_space<vmem>> -> memref<8x16xf32, #tpu.memory_space<vmem>>
          tpu.enqueue_dma source(%dma_start3A_154 : memref<8x16xf32, #tpu.memory_space<vmem>>) target(%dma_start3A_151 : memref<8x16xf32, #tpu.memory_space<vmem_shared>>) target_semaphore(%run_scoped3A : memref<!tpu.dma_semaphore, #tpu.memory_space<semaphore_mem>>)
          %dma_wait3A = arith.constant 0 : i32
          %dma_wait3A_155 = arith.constant 0 : i32
          %dma_wait3A_156 = tpu.memref_slice %arg27[%dma_wait3A, %dma_wait3A_155] : memref<136x16xf32, #tpu.memory_space<vmem>> -> memref<8x16xf32, #tpu.memory_space<vmem>>
          %dma_wait3A_157 = arith.constant 0 : i32
          %dma_wait3A_158 = tpu.memref_slice %arg9[%add3A_134, %dma_wait3A_157] : memref<87168x16xf32, #tpu.memory_space<vmem_shared>> -> memref<8x16xf32, #tpu.memory_space<vmem_shared>>
          %dma_wait3A_159 = arith.constant 0 : i32
          %dma_wait3A_160 = tpu.memref_slice %arg9[%add3A_134, %dma_wait3A_159] : memref<87168x16xf32, #tpu.memory_space<vmem_shared>> -> memref<8x16xf32, #tpu.memory_space<vmem_shared>>
          %dma_wait3A_161 = arith.constant 0 : i32
          %dma_wait3A_162 = arith.constant 0 : i32
          %dma_wait3A_163 = tpu.memref_slice %arg27[%dma_wait3A_161, %dma_wait3A_162] : memref<136x16xf32, #tpu.memory_space<vmem>> -> memref<8x16xf32, #tpu.memory_space<vmem>>
          tpu.wait_dma2 semaphore(%run_scoped3A : memref<!tpu.dma_semaphore, #tpu.memory_space<semaphore_mem>>) src(%dma_wait3A_163 : memref<8x16xf32, #tpu.memory_space<vmem>>) dst(%dma_wait3A_160 : memref<8x16xf32, #tpu.memory_space<vmem_shared>>)
          tpu.yield
        }) : () -> ()
        %scan3A_135 = arith.constant 0 : i32
        %scan3A_136 = arith.constant 0 : i32
        %scan3A_137 = arith.constant 8 : i32
        %scan3A_138 = arith.addi %scan3A_136, %scan3A_137 : i32
        %scan3A_139 = arith.constant 1 : i32
        %scan3A_140 = scf.for %scan3A_146 = %scan3A_136 to %scan3A_138 step %scan3A_139 iter_args(%scan3A_147 = %scan3A_135) -> (i32)  : i32 {
          %mul3A_148 = arith.constant 5448 : i32
          %mul3A_149 = arith.muli %arg1, %mul3A_148 : i32
          %mul3A_150 = arith.constant 608 : i32
          %mul3A_151 = arith.muli %scan3A_146, %mul3A_150 : i32
          %add3A_152 = arith.addi %mul3A_149, %mul3A_151 : i32
          "tpu.region"() ({
            %run_scoped3A = tpu.sem_alloc : memref<!tpu.dma_semaphore, #tpu.memory_space<semaphore_mem>>
            %dma_start3A = arith.constant 0 : i32
            %dma_start3A_154 = tpu.memref_slice %arg28[%dma_start3A] : memref<624xf32, #tpu.memory_space<vmem>> -> memref<608xf32, #tpu.memory_space<vmem>>
            %dma_start3A_155 = tpu.memref_slice %arg12[%add3A_152] : memref<87168xf32, #tpu.memory_space<vmem_shared>> -> memref<608xf32, #tpu.memory_space<vmem_shared>>
            %dma_start3A_156 = tpu.memref_slice %arg12[%add3A_152] : memref<87168xf32, #tpu.memory_space<vmem_shared>> -> memref<608xf32, #tpu.memory_space<vmem_shared>>
            %dma_start3A_157 = arith.constant 0 : i32
            %dma_start3A_158 = tpu.memref_slice %arg28[%dma_start3A_157] : memref<624xf32, #tpu.memory_space<vmem>> -> memref<608xf32, #tpu.memory_space<vmem>>
            tpu.enqueue_dma source(%dma_start3A_158 : memref<608xf32, #tpu.memory_space<vmem>>) target(%dma_start3A_156 : memref<608xf32, #tpu.memory_space<vmem_shared>>) target_semaphore(%run_scoped3A : memref<!tpu.dma_semaphore, #tpu.memory_space<semaphore_mem>>)
            %dma_wait3A = arith.constant 0 : i32
            %dma_wait3A_159 = tpu.memref_slice %arg28[%dma_wait3A] : memref<624xf32, #tpu.memory_space<vmem>> -> memref<608xf32, #tpu.memory_space<vmem>>
            %dma_wait3A_160 = tpu.memref_slice %arg12[%add3A_152] : memref<87168xf32, #tpu.memory_space<vmem_shared>> -> memref<608xf32, #tpu.memory_space<vmem_shared>>
            %dma_wait3A_161 = tpu.memref_slice %arg12[%add3A_152] : memref<87168xf32, #tpu.memory_space<vmem_shared>> -> memref<608xf32, #tpu.memory_space<vmem_shared>>
            %dma_wait3A_162 = arith.constant 0 : i32
            %dma_wait3A_163 = tpu.memref_slice %arg28[%dma_wait3A_162] : memref<624xf32, #tpu.memory_space<vmem>> -> memref<608xf32, #tpu.memory_space<vmem>>
            tpu.wait_dma2 semaphore(%run_scoped3A : memref<!tpu.dma_semaphore, #tpu.memory_space<semaphore_mem>>) src(%dma_wait3A_163 : memref<608xf32, #tpu.memory_space<vmem>>) dst(%dma_wait3A_161 : memref<608xf32, #tpu.memory_space<vmem_shared>>)
            tpu.yield
          }) : () -> ()
          %scan3A_153 = arith.constant 0 : i32
          scf.yield %scan3A_153 : i32
        }
        %scan3A_141 = arith.constant 8 : i32
        %mul3A_142 = arith.constant 5448 : i32
        %mul3A_143 = arith.muli %arg1, %mul3A_142 : i32
        %add3A_144 = arith.constant 4864 : i32
        %add3A_145 = arith.addi %mul3A_143, %add3A_144 : i32
        "tpu.region"() ({
          %run_scoped3A = tpu.sem_alloc : memref<!tpu.dma_semaphore, #tpu.memory_space<semaphore_mem>>
          %dma_start3A = arith.constant 0 : i32
          %dma_start3A_146 = tpu.memref_slice %arg28[%dma_start3A] : memref<624xf32, #tpu.memory_space<vmem>> -> memref<584xf32, #tpu.memory_space<vmem>>
          %dma_start3A_147 = tpu.memref_slice %arg12[%add3A_145] : memref<87168xf32, #tpu.memory_space<vmem_shared>> -> memref<584xf32, #tpu.memory_space<vmem_shared>>
          %dma_start3A_148 = tpu.memref_slice %arg12[%add3A_145] : memref<87168xf32, #tpu.memory_space<vmem_shared>> -> memref<584xf32, #tpu.memory_space<vmem_shared>>
          %dma_start3A_149 = arith.constant 0 : i32
          %dma_start3A_150 = tpu.memref_slice %arg28[%dma_start3A_149] : memref<624xf32, #tpu.memory_space<vmem>> -> memref<584xf32, #tpu.memory_space<vmem>>
          tpu.enqueue_dma source(%dma_start3A_150 : memref<584xf32, #tpu.memory_space<vmem>>) target(%dma_start3A_148 : memref<584xf32, #tpu.memory_space<vmem_shared>>) target_semaphore(%run_scoped3A : memref<!tpu.dma_semaphore, #tpu.memory_space<semaphore_mem>>)
          %dma_wait3A = arith.constant 0 : i32
          %dma_wait3A_151 = tpu.memref_slice %arg28[%dma_wait3A] : memref<624xf32, #tpu.memory_space<vmem>> -> memref<584xf32, #tpu.memory_space<vmem>>
          %dma_wait3A_152 = tpu.memref_slice %arg12[%add3A_145] : memref<87168xf32, #tpu.memory_space<vmem_shared>> -> memref<584xf32, #tpu.memory_space<vmem_shared>>
          %dma_wait3A_153 = tpu.memref_slice %arg12[%add3A_145] : memref<87168xf32, #tpu.memory_space<vmem_shared>> -> memref<584xf32, #tpu.memory_space<vmem_shared>>
          %dma_wait3A_154 = arith.constant 0 : i32
          %dma_wait3A_155 = tpu.memref_slice %arg28[%dma_wait3A_154] : memref<624xf32, #tpu.memory_space<vmem>> -> memref<584xf32, #tpu.memory_space<vmem>>
          tpu.wait_dma2 semaphore(%run_scoped3A : memref<!tpu.dma_semaphore, #tpu.memory_space<semaphore_mem>>) src(%dma_wait3A_155 : memref<584xf32, #tpu.memory_space<vmem>>) dst(%dma_wait3A_153 : memref<584xf32, #tpu.memory_space<vmem_shared>>)
          tpu.yield
        }) : () -> ()
      } else {
      }
      %barrier3A_122 = arith.constant 0 : index
      tpu.barrier barrier_id(%barrier3A_122)
      %scan3A_123 = arith.constant 0 : i32
      scf.yield %scan3A_123 : i32
    }
    %scan3A_68 = arith.constant 6 : i32
    return
  }
}

module attributes {stable_mosaic.version = 14 : i64} {
  func.func @_transform_body(%arg0: i32, %arg1: memref<8192x16xf32, #tpu.memory_space<vmem>>, %arg2: memref<8192x16xf32, #tpu.memory_space<vmem>>, %arg3: memref<16x16xf32, #tpu.memory_space<vmem>>, %arg4: memref<16x16xf32, #tpu.memory_space<vmem>>, %arg5: memref<8192x16xf32, #tpu.memory_space<vmem>>) attributes {dimension_semantics = [#tpu.dimension_semantics<arbitrary>], iteration_bounds = array<i64: 100>, scalar_prefetch = 0 : i64, scratch_operands = 0 : i64, tpu.core_type = #tpu.core_type<tc>, window_params = [{transform_indices = @transform_0, window_bounds = array<i64: 8192, 16>}, {transform_indices = @transform_1, window_bounds = array<i64: 8192, 16>}, {pipeline_mode = #tpu.pipeline_mode<synchronous>, transform_indices = @transform_2, window_bounds = array<i64: 16, 16>}, {pipeline_mode = #tpu.pipeline_mode<synchronous>, transform_indices = @transform_3, window_bounds = array<i64: 16, 16>}, {transform_indices = @transform_4, window_bounds = array<i64: 8192, 16>}]} {
    %get3A = arith.constant 0 : index
    %get3A_0 = arith.constant 0 : index
    %get3A_1 = vector.load %arg1[%get3A, %get3A_0] : memref<8192x16xf32, #tpu.memory_space<vmem>>, vector<8192x16xf32>
    %get3A_2 = arith.constant 0 : index
    %get3A_3 = arith.constant 0 : index
    %get3A_4 = vector.load %arg3[%get3A_2, %get3A_3] : memref<16x16xf32, #tpu.memory_space<vmem>>, vector<16x16xf32>
    %dot_general3A = arith.constant dense<0.000000e+00> : vector<8192x16xf32>
    %dot_general3A_5 = tpu.matmul %get3A_1, %get3A_4, %dot_general3A {dimension_numbers = #tpu.dot_dimension_numbers<[1], [0], [0], [1], [0, 0, 1, 1], [], []>, transpose_lhs_hint = false} : vector<8192x16xf32>, vector<16x16xf32>, vector<8192x16xf32> -> vector<8192x16xf32>
    %get3A_6 = arith.constant 0 : index
    %get3A_7 = arith.constant 0 : index
    %get3A_8 = vector.load %arg2[%get3A_6, %get3A_7] : memref<8192x16xf32, #tpu.memory_space<vmem>>, vector<8192x16xf32>
    %get3A_9 = arith.constant 0 : index
    %get3A_10 = arith.constant 0 : index
    %get3A_11 = vector.load %arg4[%get3A_9, %get3A_10] : memref<16x16xf32, #tpu.memory_space<vmem>>, vector<16x16xf32>
    %dot_general3A_12 = arith.constant dense<0.000000e+00> : vector<8192x16xf32>
    %dot_general3A_13 = tpu.matmul %get3A_8, %get3A_11, %dot_general3A_12 {dimension_numbers = #tpu.dot_dimension_numbers<[1], [0], [0], [1], [0, 0, 1, 1], [], []>, transpose_lhs_hint = false} : vector<8192x16xf32>, vector<16x16xf32>, vector<8192x16xf32> -> vector<8192x16xf32>
    %add3A = arith.addf %dot_general3A_5, %dot_general3A_13 : vector<8192x16xf32>
    %max3A = arith.constant 0.000000e+00 : f32
    %max3A_14 = vector.broadcast %max3A : f32 to vector<8192x16xf32>
    %max3A_15 = arith.maximumf %add3A, %max3A_14 : vector<8192x16xf32>
    %swap3A = arith.constant 0 : index
    %swap3A_16 = arith.constant 0 : index
    %swap3A_17 = vector.load %arg5[%swap3A, %swap3A_16] : memref<8192x16xf32, #tpu.memory_space<vmem>>, vector<8192x16xf32>
    tpu.vector_store %arg5[%swap3A, %swap3A_16], %max3A_15 {strides = array<i32>} : memref<8192x16xf32, #tpu.memory_space<vmem>>, vector<8192x16xf32>,
    return
  }
  func.func @transform_0(%arg0: i32) -> (i32, i32) {
    %c0_i32 = arith.constant 0 : i32
    %c0_i32_0 = arith.constant 0 : i32
    return %arg0, %c0_i32 : i32, i32
  }
  func.func @transform_1(%arg0: i32) -> (i32, i32) {
    %c0_i32 = arith.constant 0 : i32
    %c0_i32_0 = arith.constant 0 : i32
    return %arg0, %c0_i32 : i32, i32
  }
  func.func @transform_2(%arg0: i32) -> (i32, i32) {
    %c0_i32 = arith.constant 0 : i32
    %c0_i32_0 = arith.constant 0 : i32
    %c0_i32_1 = arith.constant 0 : i32
    return %c0_i32, %c0_i32_0 : i32, i32
  }
  func.func @transform_3(%arg0: i32) -> (i32, i32) {
    %c0_i32 = arith.constant 0 : i32
    %c0_i32_0 = arith.constant 0 : i32
    %c0_i32_1 = arith.constant 0 : i32
    return %c0_i32, %c0_i32_0 : i32, i32
  }
  func.func @transform_4(%arg0: i32) -> (i32, i32) {
    %c0_i32 = arith.constant 0 : i32
    %c0_i32_0 = arith.constant 0 : i32
    return %arg0, %c0_i32 : i32, i32
  }
}

</mosaic_0001>

<sc_bundles>
// kernel: kernel.4.cloned.1.call-start
scs
__scs_entry_jumppad:
0x0: {  	(pc) =	sbr.rel $0x88, $3  }
0x1: {  	(tag) =	ssettag $0x0;
	lr =	simm.s32 $0x1  }
0x2: {  	[smem:$0x3F9C] =	sst lr;
	_ =	strace $0xD0000000  }
0x3: {  	_ = 	snop  }
0x4: {  	_ = 	snop  }
0x5: {  	_ = 	snop  }
0x6: {  	_ = 	snop  }
0x7: {  	_ = 	snop  }
__scs_overlays_trampoline_lowered:
0x8: {  	[smem:$0x3FAB] =	sst s0  }
0x9: {  	[smem:$0x3FAC] =	sst s1  }
0xa: {  	[smem:$0x3FAD] =	sst s2  }
0xb: {  	[smem:$0x3FAE] =	sst s3  }
0xc: {  	[smem:$0x3FAF] =	sst s4  }
0xd: {  	[smem:$0x3FB0] =	sst s5  }
0xe: {  	[smem:$0x3FB1] =	sst s6  }
0xf: {  	[smem:$0x3FB2] =	sst s7  }
0x10: {  	[smem:$0x3FB3] =	sst s8  }
0x11: {  	[smem:$0x3FB4] =	sst s9;
	s0 =	simm.s32 @!p0 $0x0  }
0x12: {  	s1 =	sld [smem:$0x3F9A];
	s0 =	simm.s32 @p0 $0x1  }
0x13: {  	[smem:$0x3FB5] =	sst s0;
	s0 =	simm.s32 @!p1 $0x0  }
0x14: {  	s2 =	sld [smem:$0x3F99];
	s0 =	simm.s32 @p1 $0x1  }
0x15: {  	[smem:$0x3FB6] =	sst s0;
	s0 =	simm.s32 @!p2 $0x0  }
0x16: {  	s3 =	sld [smem:$0x3FDB];
	s0 =	simm.s32 @p2 $0x1  }
0x17: {  	s4 =	simm.s32 $0x1BF5;
	[smem:$0x3FB8] =	sst s0  }
0x18: {  	s0 =	sld [smem:$0x3F9B];
	_ =	swait.ge [sflag:s4], $0x0  }
0x19: {  	s7 =	sld [smem:$0x3F9C]  }
0x1a: {  	s8 =	sadd.s32 $0xFFFFE003, lr  }
0x1b: {  	s9 =	sadd.s32 $0xFFFFFEF7, lr;
	s5 =	simm.s32 $0xFFFFFFFF;
	p2 =	slt.u32 s8, $0xFFFFF086  }
0x1c: {  	p1 =	slt.u32 s9, $0xF7A;
	s5 =	simm.s32 @!p2 $0x0  }
0x1d: {  	s5 =	simm.s32 @p1 $0x1;
	p0 =	seq.s32 s7, s2  }
0x1e: {  	s7 =	smul.u32 @!p0 $0xF7A, s2;
	p2 =	seq.s32 @!p0 s5, $0x0  }
0x1f: {  	s9 =	smul.u32 $0xF7A, s1;
	s8 =	simm.s32 @!p0 $0x1BF5;
	p2 =	por !p2, p0  }
0x20: {  	[sflag:s8] =	ssyncset.s32 @!p0 $0xFFFFF086;
	s6 =	sadd.s32 @!p0 s3, s7;
	s7 =	simm.s32 @!p0 $0x108  }
0x21: {  	s3 =	sadd.s32 s3, s9;
	s6 =	sadd.s32 @!p0 $0x88, s6;
	s7 =	simm.s32 @p2 $0x1082  }
0x22: {  	[simem:s7], [sflag:s8] =	dma.local @!p0 [hbm:s6], $0xF7A  }
0x23: {  	s9 =	sor.u32 $0xD0000000, s2;
	s6 =	simm.s32 $0x108;
	_ =	swait.ge @!p0 [sflag:s8], $0x0  }
0x24: {  	s3 =	sadd.s32 $0x88, s3;
	s6 =	simm.s32 @!p1 $0x1082;
	[sflag:s4] =	ssyncset.s32 $0xFFFFF086  }
0x25: {  	[simem:s6], [sflag:s4] =	dma.local [hbm:s3], $0xF7A  }
0x26: {  	[smem:$0x3F9C] =	sst s1;
	(tag) =	ssettag s2;
	_ =	strace s9  }
0x27: {  	s1 =	sld [smem:$0x3FAC]  }
0x28: {  	s2 =	sld [smem:$0x3FAD]  }
0x29: {  	s4 =	sld [smem:$0x3FAF]  }
0x2a: {  	p0 =	seq.s32 s5, $0x0;
	s5 =	sld [smem:$0x3FB0]  }
0x2b: {  	s6 =	sld [smem:$0x3FB1]  }
0x2c: {  	s7 =	sld [smem:$0x3FB2]  }
0x2d: {  	s3 =	simm.s32 $0x108;
	s8 =	sld [smem:$0x3FB3]  }
0x2e: {  	s3 =	simm.s32 @!p0 $0x1082;
	s9 =	sld [smem:$0x3FB4]  }
0x2f: {  	lr =	sadd.s32 s0, s3;
	s0 =	sld [smem:$0x3FAB]  }
0x30: {  	s3 =	sld [smem:$0x3FAE]  }
0x31: {  	[smem:$0x3FB7] =	sst s10  }
0x32: {  	s10 =	sld [smem:$0x3FB5];
	_ =	sdelay $0x3  }
0x33: {  	p0 =	seq.s32 s10, $0x1;
	s10 =	sld [smem:$0x3FB7];
	_ =	sdelay $0x3  }
0x34: {  	[smem:$0x3FB7] =	sst s10  }
0x35: {  	s10 =	sld [smem:$0x3FB6];
	_ =	sdelay $0x3  }
0x36: {  	p1 =	seq.s32 s10, $0x1;
	s10 =	sld [smem:$0x3FB7];
	_ =	sdelay $0x3  }
0x37: {  	[smem:$0x3FB7] =	sst s10  }
0x38: {  	s10 =	sld [smem:$0x3FB8]  }
0x39: {  	_ = 	snop;
	(pc) =	sbr.ind lr, $3  }
0x3a: {  	_ = 	snop  }
0x3b: {  	_ = 	snop  }
0x3c: {  	p2 =	seq.s32 s10, $0x1;
	s10 =	sld [smem:$0x3FB7]  }
0x3d: {  	_ =	shalt  }
0x3e: {  	_ =	shalt  }
0x3f: {  	_ =	shalt  }
0x40: {  	_ =	shalt  }
0x41: {  	_ =	shalt  }
0x42: {  	_ =	shalt  }
0x43: {  	_ =	shalt  }
0x44: {  	_ =	shalt  }
0x45: {  	_ =	shalt  }
0x46: {  	_ =	shalt  }
0x47: {  	_ =	shalt  }
0x48: {  	_ =	shalt  }
0x49: {  	_ =	shalt  }
0x4a: {  	_ =	shalt  }
0x4b: {  	_ =	shalt  }
0x4c: {  	_ =	shalt  }
0x4d: {  	_ =	shalt  }
0x4e: {  	_ =	shalt  }
0x4f: {  	_ =	shalt  }
0x50: {  	_ =	shalt  }
0x51: {  	_ =	shalt  }
0x52: {  	_ =	shalt  }
0x53: {  	_ =	shalt  }
0x54: {  	_ =	shalt  }
0x55: {  	_ =	shalt  }
0x56: {  	_ =	shalt  }
0x57: {  	_ =	shalt  }
0x58: {  	_ =	shalt  }
0x59: {  	_ =	shalt  }
0x5a: {  	_ =	shalt  }
0x5b: {  	_ =	shalt  }
0x5c: {  	_ =	shalt  }
0x5d: {  	_ =	shalt  }
0x5e: {  	_ =	shalt  }
0x5f: {  	_ =	shalt  }
0x60: {  	_ =	shalt  }
0x61: {  	_ =	shalt  }
0x62: {  	_ =	shalt  }
0x63: {  	_ =	shalt  }
0x64: {  	_ =	shalt  }
0x65: {  	_ =	shalt  }
0x66: {  	_ =	shalt  }
0x67: {  	_ =	shalt  }
0x68: {  	_ =	shalt  }
0x69: {  	_ =	shalt  }
0x6a: {  	_ =	shalt  }
0x6b: {  	_ =	shalt  }
0x6c: {  	_ =	shalt  }
0x6d: {  	_ =	shalt  }
0x6e: {  	_ =	shalt  }
0x6f: {  	_ =	shalt  }
0x70: {  	_ =	shalt  }
0x71: {  	_ =	shalt  }
0x72: {  	_ =	shalt  }
0x73: {  	_ =	shalt  }
0x74: {  	_ =	shalt  }
0x75: {  	_ =	shalt  }
0x76: {  	_ =	shalt  }
0x77: {  	_ =	shalt  }
0x78: {  	_ =	shalt  }
0x79: {  	_ =	shalt  }
0x7a: {  	_ =	shalt  }
0x7b: {  	_ =	shalt  }
0x7c: {  	_ =	shalt  }
0x7d: {  	_ =	shalt  }
0x7e: {  	_ =	shalt  }
0x7f: {  	_ =	shalt  }
0x80: {  	_ =	shalt  }
0x81: {  	_ =	shalt  }
0x82: {  	_ =	shalt  }
0x83: {  	_ =	shalt  }
0x84: {  	_ =	shalt  }
0x85: {  	_ =	shalt  }
0x86: {  	_ =	shalt  }
0x87: {  	_ =	shalt  }
.Lfunc_end0:
.L_simem_size_0:
called_computation.1_lowered:
.L_overlay_start_0:
0x88: {  	s2 =	sld [smem:$0x3FD9]  }
0x89: {  	s3 =	sld [smem:$0x3FFE];
	_ =	sdelay $0x1  }
0x8a: {  	s1 =	srdreg.scid  }
0x8b: {  	s0 =	sand.u32 $0x1, s1  }
0x8c: {  	s17 =	sshll.u32 s0, $0xA;
	s2 =	sadd.s32 s3, s2  }
0x8d: {  	s2 =	sadd.s32 s2, s17  }
0x8e: {  	[smem:$0x3FC3] =	sst s2  }
0x8f: {  	_ = 	snop  }
0x90: {  	s2 =	sld [smem:$0x3FC9]  }
0x91: {  	s18 =	sld [smem:$0x3FD0];
	(tm) =	ssettm $0x1  }
0x92: {  	s4 =	sld [smem:$0x3FFB];
	_ =	sdelay $0x3  }
0x93: {  	_ =	strace s4  }
0x94: {  	s4 =	sld [smem:$0x3FFC];
	_ =	sdelay $0x3  }
0x95: {  	_ =	strace s4  }
0x96: {  	s4 =	sld [smem:$0x3FFD];
	_ =	sdelay $0x3  }
0x97: {  	_ =	strace s4  }
0x98: {  	_ =	strace $0x8FFFFFFF  }
0x99: {  	s19 =	sld [smem:$0x3FDB];
	_ =	sdelay $0x1  }
0x9a: {  	s5 =	simm.s32 $_scs_section_size  }
0x9b: {  	s6 =	simm.s32 $_size__tile_overlayer_lowered;
	s7 =	simm.s32 $_tile_overlayer_lowered  }
0x9c: {  	s22 =	simm.s32 $0x1BFF;
	s21 =	sshll.u32 s7, $0x1;
	s4 =	sadd.s32 s5, s19  }
0x9d: {  	s8 =	simm.s32 $0x0;
	s20 =	sshll.u32 s6, $0x1;
	s6 =	sadd.s32 s21, s4  }
0x9e: {  	[timem:s8], [sflag:s22] =	dma.local [hbm:s6], s20  }
0x9f: {  	_ =	swait.ge [sflag:s22], s20  }
0xa0: {  	s5 =	ssub.s32 $0x0, s20;
	[sflag:s22] =	ssyncset.done $0x0  }
0xa1: {  	[sflag:s22] =	ssyncadd.s32 s5;
	_ =	sdelay $0x1  }
0xa2: {  	s23 =	simm.s32 $0x1B8B  }
0xa3: {  	_ =	swait.ge [sflag:s23], $0x1  }
0xa4: {  	[sflag:s23] =	ssyncset.done $0x0  }
0xa5: {  	s25 =	simm.s32 $0x1B8E;
	s24 =	sld [smem:$0x3FFE];
	[sflag:s23] =	ssyncadd.s32 $0xFFFFFFFF  }
0xa6: {  	s26 =	simm.s32 $execute0_lowered;
	[smem:$0x3FD2] =	sst s25  }
0xa7: {  	s6 =	sshll.u32 s26, $0x1;
	_ =	strace $0x80000046;
	[dreg:$0x1] =	wrdreg $0xFFFFFFFF  }
0xa8: {  	s28 =	simm.s32 $_size_execute0_lowered;
	s4 =	sadd.s32 s4, s6;
	[dreg:$0x0] =	wrdreg $0x0  }
0xa9: {  	s6 =	sshll.u32 s28, $0x1;
	[dreg:$0x2] =	wrdreg s4  }
0xaa: {  	[dreg:$0x3] =	wrdreg s6  }
0xab: {  	[dreg:$0x4] =	wrdreg $0xC0  }
0xac: {  	_ =	task [dreg:s8], $0x5FFFF  }
0xad: {  	[dreg:$0x1] =	wrdreg $0xFFFFFFFF  }
0xae: {  	[dreg:$0x0] =	wrdreg $0x60  }
0xaf: {  	[dreg:$0x2] =	wrdreg s2  }
0xb0: {  	[dreg:$0x3] =	wrdreg s24  }
0xb1: {  	[dreg:$0x4] =	wrdreg s18  }
0xb2: {  	[dreg:$0x5] =	wrdreg $0x154800  }
0xb3: {  	[dreg:$0x6] =	wrdreg $0x0  }
0xb4: {  	[dreg:$0x7] =	wrdreg $0x164800  }
0xb5: {  	[dreg:$0x8] =	wrdreg $0x9  }
0xb6: {  	_ =	task.clear_ibuf [dreg:s8], $0x9FFFF;
	_ =	strace $0x90000046  }
0xb7: {  	s29 =	simm.s32 $0x9;
	_ =	strace $0x80000048  }
0xb8: {  	_ =	swait.ge [sflag:s29], $0x1  }
0xb9: {  	[sflag:s29] =	ssyncadd.s32 $0xFFFFFFFF  }
0xba: {  	_ =	strace $0x90000048  }
0xbb: {  	_ =	sfence  }
0xbc: {  	s30 =	sld [smem:$0x0];
	_ =	sdelay $0x2  }
0xbd: {  	s31 =	sshll.u32 s1, $0xD;
	s1 =	sshrl.u32 s1, $0x2  }
0xbe: {  	s3 =	sand.u32 $0x4000, s31;
	s1 =	sadd.s32 s1, s30  }
0xbf: {  	s0 =	sor.u32 s3, s0;
	s1 =	sshll.u32 s1, $0x11  }
0xc0: {  	s0 =	sor.u32 s1, s0  }
0xc1: {  	s0 =	sadd.s32 $0x8F2B, s0  }
0xc2: {  	[sflag:s0] =	ssyncadd.remote.s32 $0x1  }
0xc3: {  	_ =	sfence.sel $0xFFFF  }
0xc4: {  	[dreg:$0x0] =	wrdreg $0xFFFFFFFF;
	(pc) =	sbr.abs _section_cstart, $3  }
0xc5: {  	[dreg:$0x1] =	wrdreg $0xFFFFFFFF  }
0xc6: {  	_ =	task.clear_ibuf [dreg:s8], $0x2FFFF;
	_ =	strace $0x9FFFFFFF  }
0xc7: {  	(tm) =	ssettm $0x7FFFFFFF  }
tec
execute0_lowered:
.L_overlay_start_1:
0x0: {  	(tag) =	ssettag $0x1  }
0x1: {  	s0 =	rddreg [dreg:$0x0]  }
0x2: {  	s6 =	rddreg [dreg:$0x1]  }
0x3: {  	s8 =	rddreg [dreg:$0x2]  }
0x4: {  	s1 =	rddreg [dreg:$0x3]  }
0x5: {  	s2 =	rddreg [dreg:$0x4]  }
0x6: {  	s3 =	rddreg [dreg:$0x5];
	s4 =	simm.s32 $0x0  }
0x7: {  	s9 =	srdreg.scid;
	s20 =	stileid.u32;
	s28 =	simm.s32 $0x1B6D8  }
0x8: {  	s29 =	simm.s32 $0x2;
	s31 =	simm.s32 $0x18BD8;
	[smem:$0x7FF] =	sst s4  }
0x9: {  	s5 =	sadd.s32 $0x1A200, s6;
	s7 =	sadd.s32 $0x1200, s6;
	s19 =	sadd.s32 $0x10FC000, s6  }
0xa: {  	s18 =	sand.u32 $0x1, s9;
	s10 =	sadd.s32 $0x163E00, s6;
	s12 =	smul.u32 $0xC80, s20  }
0xb: {  	s11 =	sadd.s32 $0x33200, s6;
	s14 =	sshll.u32 s20, $0x5;
	s15 =	smul.u32 $0x55200, s20  }
0xc: {  	s17 =	smul.u32 $0x19000, s20;
	_ =	strace $0x80000047;
	[dreg:$0x7] =	wrdreg s7  }
0xd: {  	s23 =	sshll.u32 s20, $0xC;
	[dreg:$0x8] =	wrdreg s19;
	s13 =	smul.u32 $0x640, s18  }
0xe: {  	s9 =	ssub.s32 $0x2, s18;
	s0 =	sadd.s32 s0, s14;
	s14 =	smul.u32 $0x1548, s20  }
0xf: {  	s22 =	sshll.u32 s18, $0x4;
	[dreg:$0x9] =	wrdreg s18;
	s24 =	smul.u32 $0xC800, s18  }
0x10: {  	[dreg:$0xa] =	wrdreg s0;
	s0 =	sadd.s32 s23, s1;
	s8 =	sadd.s32 s17, s8  }
0x11: {  	s15 =	sshrl.u32 s15, $0x2;
	[dreg:$0xb] =	wrdreg s0;
	s0 =	sadd.s32 s24, s8  }
0x12: {  	s16 =	sadd.s32 s15, s2;
	s18 =	sadd.s32 s14, s3;
	[dreg:$0xe] =	wrdreg s0  }
0x13: {  	s21 =	sshrl.u32 s9, $0x1;
	s25 =	sadd.s32 $0x15400, s16;
	[dreg:$0xd] =	wrdreg s18  }
0x14: {  	v0 =	vimm.s32 $0xEDCBA987;
	v1 =	vimm.f32 $1.000000000e+00;
	s26 =	sadd.s32 $0x1500, s14;
	s7 =	sadd.s32 $0x1300, s18;
	[dreg:$0xc] =	wrdreg s25  }
0x15: {  	v3 =	vimm.s32 $0x65432100;
	v5 =	vimm.s32 $0xDCBA9876;
	v6 =	vimm.s32 $0x54321000;
	s6 =	ssub.s32 s9, s21;
	s15 =	sadd.s32 s26, s3;
	[dreg:$0xf] =	wrdreg s7  }
0x16: {  	v7 =	vimm.s32 $0xBA987654;
	v8 =	vimm.s32 $0xE40000;
	v9 =	vimm.s32 $0x32100000;
	s9 =	sor.u32 s20, s22;
	s17 =	smax.u32 s6, $0x1;
	[dreg:$0x12] =	wrdreg s15  }
0x17: {  	vm0 =	vmmov $0x3;
	vm1 =	vmmov $0xf;
	vm2 =	vcmask $0x3F30;
	s13 =	sadd.s32 s13, s12;
	s20 =	sadd.s32 $0x260, s18;
	[dreg:$0x13] =	wrdreg s17  }
0x18: {  	v10 =	vimm.s32 $0x8;
	v11 =	vimm.s32 $0xB;
	v2 =	vunpack.c.l.s4.s8 v0;
	s30 =	sshll.u32 s26, $0x4;
	s21 =	sadd.s32 $0x4C0, s18;
	[dreg:$0x14] =	wrdreg s20  }
0x19: {  	v0 =	vimm.f32 $0.0e+00;
	v3 =	vunpack.c.l.s4.s8 v3;
	v5 =	vunpack.c.l.s4.s8 v5;
	s8 =	smul.u32 $0x6, s9;
	s22 =	sadd.s32 $0x720, s18;
	[dreg:$0x15] =	wrdreg s21  }
0x1a: {  	v6 =	vunpack.c.l.s4.s8 v6;
	v7 =	vunpack.c.l.s4.s8 v7;
	v8 =	vunpack.c.l.s2.s4 v8;
	s19 =	sshll.u32 s13, $0x1;
	s23 =	sadd.s32 $0x980, s18;
	[dreg:$0x16] =	wrdreg s22  }
0x1b: {  	v9 =	vunpack.c.l.s4.s8 v9;
	v4 =	vunpack.c.0.s8.s32 v2;
	v5 =	vunpack.c.0.s8.s32 v5;
	s24 =	sadd.s32 $0xBE0, s18;
	s26 =	sadd.s32 $0xE40, s18;
	[dreg:$0x17] =	wrdreg s23  }
0x1c: {  	v2 =	vimm.s32 $0x0;
	v3 =	vunpack.c.0.s8.s32 v3;
	v6 =	vunpack.c.0.s8.s32 v6;
	s6 =	simm.s32 $0x0;
	s9 =	sadd.s32 s30, s2;
	[dreg:$0x18] =	wrdreg s24  }
0x1d: {  	v7 =	vunpack.c.0.s8.s32 v7;
	v8 =	vunpack.c.l.s4.s8 v8;
	v5 =	vand.u32 $0xF, v5;
	s7 =	smov.u32 s5;
	s25 =	sadd.s32 s19, s5;
	[dreg:$0x19] =	wrdreg s26  }
.Ltmp0:
0x1e: {  	v4 =	vand.u32 $0xF, v4;
	v5 =	vcombine.low v6, v5;
	v6 =	vunpack.c.0.s8.s32 v9;
	s30 =	sadd.s32 $0x10A0, s18;
	s5 =	simm.s32 $0x18CD8;
	(pc) =	sbr.rel .LBB2_1-.Ltmp0, $4  }
0x1f: {  	v7 =	vand.u32 $0xF, v7;
	v8 =	vunpack.c.0.s8.s32 v8;
	v9 =	vimm.s32 $0x7060504;
	s15 =	simm.s32 $0x3;
	s24 =	simm.s32 $0x100;
	s19 =	simm.s32 $0x18AD8  }
0x20: {  	v3 =	vcombine.low v3, v4;
	s17 =	simm.s32 $0x1EF98;
	s21 =	simm.s32 $0x1;
	[dreg:$0x10] =	wrdreg s8;
	v6 =	vcombine.low v6, v7;
	v7 =	vunpack.c.0.s8.s32 v9  }
0x21: {  	v4 =	vlaneseq.u32;
	s18 =	simm.s32 $0x1DB38;
	s23 =	simm.s32 $0x1A0D8;
	[dreg:$0x11] =	wrdreg s9;
	v8 =	vand.u32 $0x3, v8;
	v9 =	vimm.s32 $0xF  }
0x22: {  	s26 =	simm.s32 $0x1B5D8;
	[dreg:$0x1a] =	wrdreg s30;
	s9 =	simm.s32 $0x17AD8;
	v7 =	vsel vm2, v7, v8;
	vm2 =	vmmov $0xff;
	v8 =	vimm.s32 $0x7  }
.LBB2_35:
0x23: {  	s6 =	rddreg [dreg:$0x1b]  }
0x24: {  	s0 =	rddreg [dreg:$0x13];
	s6 =	sadd.s32 $0x1, s6  }
0x25: {  	p0 =	sne.s32 s6, s0  }
.Ltmp1:
0x26: {  	_ = 	snop;
	(pc) =	sbr.rel @!p0 .LBB2_36-.Ltmp1, $3  }
0x27: {  	_ =	sdelay $0x1  }
0x28: {  	[bflag:$0x0] =	sbarrier.arrive $0xFFFF  }
0x29: {  	s5 =	simm.s32 $0x18CD8  }
.LBB2_1:
0x2a: {  	[dreg:$0x1b] =	wrdreg s6;
	s0 =	simm.s32 $0x40;
	s6 =	simm.s32 $0x0  }
.LBB2_2:
0x2b: {  	p0 =	sne.s32 s0, $0x21C0;
	[tilespmem:s6+$0x1EF98] =	vst v0;
	s6 =	smov.u32 s0;
	s0 =	sadd.s32 $0x40, s0  }
.Ltmp2:
0x2c: {  	(pc) =	sbr.rel @p0 .LBB2_2-.Ltmp2, $2  }
0x2d: {  	_ =	sdelay $0x2  }
0x2e: {  	s6 =	sshra.s32 s6, $0x2  }
0x2f: {  	[tilespmem:s6+$0x1EF98] =	vst v0  }
0x30: {  	[tilespmem:$0x1F818] =	vst v0  }
0x31: {  	[tilespmem:$0x1F828] =	vst v0  }
0x32: {  	[tilespmem:$0x1F838] =	vst v0  }
0x33: {  	[tilespmem:$0x1F848] =	vst v0  }
0x34: {  	[tilespmem:$0x1F858] =	vst v0  }
0x35: {  	[tilespmem:$0x1F868] =	vst v0  }
0x36: {  	[tilespmem:$0x1F878] =	vst v0  }
0x37: {  	[tilespmem:$0x1F888] =	vst v0  }
0x38: {  	[tilespmem:$0x1F898] =	vst v0  }
0x39: {  	[tilespmem:$0x1F8A8] =	vst v0  }
0x3a: {  	[tilespmem:$0x1F8B8] =	vst v0  }
0x3b: {  	[tilespmem:$0x1F8C8] =	vst v0  }
0x3c: {  	[tilespmem:$0x1F8D8] =	vst v0  }
0x3d: {  	[tilespmem:$0x1F8E8] =	vst v0  }
0x3e: {  	[tilespmem:$0x1F8F8] =	vst v0  }
0x3f: {  	[tilespmem:$0x1F908] =	vst v0  }
0x40: {  	[tilespmem:$0x1F918] =	vst v0  }
0x41: {  	[tilespmem:$0x1F928] =	vst v0  }
0x42: {  	[tilespmem:$0x1F938] =	vst v0  }
0x43: {  	[tilespmem:$0x1F948] =	vst v0  }
0x44: {  	[tilespmem:$0x1F958] =	vst v0  }
0x45: {  	[tilespmem:$0x1F968] =	vst v0  }
0x46: {  	[tilespmem:$0x1F978] =	vst v0  }
0x47: {  	[tilespmem:$0x1F988] =	vst v0  }
0x48: {  	[tilespmem:$0x1F998] =	vst v0  }
0x49: {  	[tilespmem:$0x1F9A8] =	vst v0  }
0x4a: {  	[tilespmem:$0x1F9B8] =	vst v0  }
0x4b: {  	[tilespmem:$0x1F9C8] =	vst v0  }
0x4c: {  	[tilespmem:$0x1F9D8] =	vst v0  }
0x4d: {  	[tilespmem:$0x1F9E8] =	vst v0  }
0x4e: {  	[tilespmem:$0x1F9F8] =	vst v0  }
0x4f: {  	[tilespmem:$0x1FA08] =	vst v0  }
0x50: {  	[tilespmem:$0x1FA18] =	vst v0  }
0x51: {  	[tilespmem:$0x1FA28] =	vst v0  }
0x52: {  	[tilespmem:$0x1FA38] =	vst v0  }
0x53: {  	[tilespmem:$0x1FA48] =	vst v0  }
0x54: {  	[tilespmem:$0x1FA58] =	vst v0  }
0x55: {  	[tilespmem:$0x1FA68] =	vst v0  }
0x56: {  	[tilespmem:$0x1FA78] =	vst v0  }
0x57: {  	[tilespmem:$0x1A0D8] =	vst v1  }
0x58: {  	[tilespmem:$0x1A0E8] =	vst v1  }
0x59: {  	[tilespmem:$0x1A0F8] =	vst v1  }
0x5a: {  	[tilespmem:$0x1A108] =	vst v1  }
0x5b: {  	[tilespmem:$0x1A118] =	vst v1  }
0x5c: {  	[tilespmem:$0x1A128] =	vst v1  }
0x5d: {  	[tilespmem:$0x1A138] =	vst v1  }
0x5e: {  	[tilespmem:$0x1A148] =	vst v1  }
0x5f: {  	[tilespmem:$0x1A158] =	vst v1  }
0x60: {  	[tilespmem:$0x1A168] =	vst v1  }
0x61: {  	[tilespmem:$0x1A178] =	vst v1  }
0x62: {  	[tilespmem:$0x1A188] =	vst v1  }
0x63: {  	[tilespmem:$0x1A198] =	vst v1  }
0x64: {  	[tilespmem:$0x1A1A8] =	vst v1  }
0x65: {  	[tilespmem:$0x1A1B8] =	vst v1  }
0x66: {  	s0 =	sadd.s32 $0x0, s25;
	[tilespmem:$0x1A1C8] =	vst v1  }
0x67: {  	[tilespmem:s5], [sflag:$0x3] =	stream.linear.gather [hbm4b:s0+s4], $0x100, $0x38;
	[tilespmem:$0x1FA88] =	vst v63  }
0x68: {  	_ =	swait.ge [sflag:s15], $0x100  }
0x69: {  	[sflag:s15] =	ssyncset.done $0x0  }
0x6a: {  	[sflag:s15] =	ssyncadd.s32 $0xFFFFFF00  }
0x6b: {  	v15 =	vld [tilespmem:$0x18D68]  }
0x6c: {  	s13 =	rddreg [dreg:$0xe];
	v14 =	vld [tilespmem:$0x18DC8]  }
0x6d: {  	s6 =	simm.s32 $0x20;
	s8 =	sadd.s32 $0x200, s13;
	v13 =	vld [tilespmem:$0x18D88]  }
0x6e: {  	s20 =	simm.s32 $0x40;
	s5 =	rddreg [dreg:$0x8];
	v12 =	vld [tilespmem:$0x18D18];
	s0 =	smov.u32 s8  }
.LBB2_4:
0x6f: {  	p0 =	sne.s32 s20, $0xC60  }
0x70: {  	s8 =	sadd.s32 $0x200, s8;
	v16 =	vld [tilespmem:$0x18D48];
	s22 =	smov.u32 s20;
	s20 =	sadd.s32 $0x20, s20  }
0x71: {  	v17 =	vld [tilespmem:$0x18D38]  }
0x72: {  	v15 =	vadd.s32 $0x186A0, v15;
	v18 =	vld [tilespmem:$0x18DB8];
	v14 =	vadd.s32 $0x186A0, v14  }
0x73: {  	v19 =	vld [tilespmem:$0x18D28];
	[tilespmem:$0x18B68] =	vst v15;
	v13 =	vadd.s32 $0x186A0, v13  }
0x74: {  	v15 =	vld [tilespmem:$0x18CF8];
	v12 =	vadd.s32 $0x186A0, v12;
	[tilespmem:$0x18BC8] =	vst v14  }
0x75: {  	v14 =	vadd.s32 $0x186A0, v16;
	v16 =	vld [tilespmem:$0x18D58];
	[tilespmem:$0x18B88] =	vst v13  }
0x76: {  	v13 =	vld [tilespmem:$0x18CE8];
	v17 =	vadd.s32 $0x186A0, v17;
	[tilespmem:$0x18B48] =	vst v14  }
0x77: {  	v14 =	vld [tilespmem:$0x18D08];
	[tilespmem:$0x18B38] =	vst v17;
	v17 =	vadd.s32 $0x186A0, v18  }
0x78: {  	v18 =	vld [tilespmem:$0x18CD8];
	v19 =	vadd.s32 $0x186A0, v19;
	[tilespmem:$0x18BB8] =	vst v17  }
0x79: {  	v15 =	vadd.s32 $0x186A0, v15;
	[tilespmem:$0x18B28] =	vst v19;
	v17 =	vld [tilespmem:$0x18D78]  }
0x7a: {  	[tilespmem:$0x18AF8] =	vst v15;
	v15 =	vadd.s32 $0x186A0, v16;
	v16 =	vld [tilespmem:$0x18DA8]  }
0x7b: {  	v13 =	vadd.s32 $0x186A0, v13;
	[tilespmem:$0x18B58] =	vst v15;
	v15 =	vld [tilespmem:$0x18D98]  }
0x7c: {  	[tilespmem:$0x18AE8] =	vst v13;
	v13 =	vadd.s32 $0x186A0, v14  }
0x7d: {  	v14 =	vadd.s32 $0x186A0, v18;
	[tilespmem:$0x18B08] =	vst v13  }
0x7e: {  	[tilespmem:$0x18B18] =	vst v12;
	v12 =	vadd.s32 $0x186A0, v17  }
0x7f: {  	[tilespmem:$0x18B78] =	vst v12;
	v12 =	vadd.s32 $0x186A0, v16  }
0x80: {  	[tilespmem:$0x18AD8] =	vst v14;
	v13 =	vadd.s32 $0x186A0, v15  }
0x81: {  	[tilespmem:$0x18B98] =	vst v13  }
0x82: {  	[tilespmem:$0x18BA8] =	vst v12  }
0x83: {  	[tilespmem:s9], [sflag:$0x3] =	stream.indirect.gather [hbm4b:s5+s24], $0x10, s19, s24, $0xb8;
	[tilespmem:$0x1FA88] =	vst v63  }
0x84: {  	_ =	swait.ge [sflag:s15], $0x1000  }
0x85: {  	[sflag:s15] =	ssyncset.done $0x0  }
0x86: {  	[sflag:s15] =	ssyncadd.s32 $0xFFFFF000  }
0x87: {  	[hbm4b:s13+s4] =	stream.linear.scatter [tilespmem:s9], [sflag:$0x3], $0x1000, $0x38;
	[tilespmem:$0x1FA88] =	vst v63  }
0x88: {  	s13 =	smov.u32 s0;
	s0 =	smov.u32 s8;
	_ =	swait.ge [sflag:s15], $0x1000  }
0x89: {  	s30 =	sadd.s32 s6, s25;
	[sflag:s15] =	ssyncset.done $0x0  }
0x8a: {  	s6 =	smov.u32 s22;
	s22 =	simm.s32 $0x18CD8;
	[sflag:s15] =	ssyncadd.s32 $0xFFFFF000  }
0x8b: {  	[tilespmem:s22], [sflag:$0x3] =	stream.linear.gather [hbm4b:s30+s4], $0x100, $0x38;
	[tilespmem:$0x1FA88] =	vst v63  }
0x8c: {  	_ =	swait.ge [sflag:s15], $0x100  }
0x8d: {  	[sflag:s15] =	ssyncset.done $0x0  }
.Ltmp3:
0x8e: {  	[sflag:s15] =	ssyncadd.s32 $0xFFFFFF00;
	(pc) =	sbr.rel @p0 .LBB2_4-.Ltmp3, $4  }
0x8f: {  	v15 =	vld [tilespmem:$0x18D68]  }
0x90: {  	v14 =	vld [tilespmem:$0x18DC8]  }
0x91: {  	v13 =	vld [tilespmem:$0x18D88]  }
0x92: {  	v12 =	vld [tilespmem:$0x18D18]  }
0x93: {  	v16 =	vld [tilespmem:$0x18D48]  }
0x94: {  	v17 =	vld [tilespmem:$0x18D38];
	v15 =	vadd.s32 $0x186A0, v15  }
0x95: {  	v18 =	vld [tilespmem:$0x18DB8];
	v14 =	vadd.s32 $0x186A0, v14;
	[tilespmem:$0x18B68] =	vst v15  }
0x96: {  	v19 =	vld [tilespmem:$0x18D28];
	v13 =	vadd.s32 $0x186A0, v13;
	[tilespmem:$0x18BC8] =	vst v14  }
0x97: {  	v21 =	vld [tilespmem:$0x18CF8];
	[tilespmem:$0x18B88] =	vst v13;
	v12 =	vadd.s32 $0x186A0, v12  }
0x98: {  	v23 =	vld [tilespmem:$0x18D58];
	v22 =	vadd.s32 $0x186A0, v16;
	[tilespmem:$0x18B18] =	vst v12  }
0x99: {  	v24 =	vld [tilespmem:$0x18CE8];
	v17 =	vadd.s32 $0x186A0, v17;
	[tilespmem:$0x18B48] =	vst v22  }
0x9a: {  	v25 =	vld [tilespmem:$0x18D08];
	v26 =	vadd.s32 $0x186A0, v18;
	[tilespmem:$0x18B38] =	vst v17  }
0x9b: {  	v28 =	vld [tilespmem:$0x18D78];
	v27 =	vadd.s32 $0x186A0, v19;
	[tilespmem:$0x18BB8] =	vst v26  }
0x9c: {  	v29 =	vld [tilespmem:$0x18CD8];
	v15 =	vadd.s32 $0x186A0, v21;
	[tilespmem:$0x18B28] =	vst v27  }
0x9d: {  	v31 =	vld [tilespmem:$0x18D98];
	v30 =	vadd.s32 $0x186A0, v23;
	[tilespmem:$0x18AF8] =	vst v15  }
0x9e: {  	v32 =	vld [tilespmem:$0x18DA8];
	v13 =	vadd.s32 $0x186A0, v24;
	[tilespmem:$0x18B58] =	vst v30  }
0x9f: {  	v33 =	vadd.s32 $0x186A0, v25;
	[tilespmem:$0x18AE8] =	vst v13  }
0xa0: {  	v34 =	vadd.s32 $0x186A0, v28;
	[tilespmem:$0x18B08] =	vst v33  }
0xa1: {  	v35 =	vadd.s32 $0x186A0, v29;
	[tilespmem:$0x18B78] =	vst v34  }
0xa2: {  	v36 =	vadd.s32 $0x186A0, v31;
	[tilespmem:$0x18AD8] =	vst v35  }
0xa3: {  	v37 =	vadd.s32 $0x186A0, v32;
	[tilespmem:$0x18B98] =	vst v36  }
0xa4: {  	[tilespmem:$0x18BA8] =	vst v37  }
0xa5: {  	[tilespmem:s9], [sflag:$0x3] =	stream.indirect.gather [hbm4b:s5+s24], $0x10, s19, s24, $0xb8;
	[tilespmem:$0x1FA88] =	vst v63  }
0xa6: {  	_ =	swait.ge [sflag:s15], $0x1000  }
0xa7: {  	[sflag:s15] =	ssyncset.done $0x0  }
0xa8: {  	[sflag:s15] =	ssyncadd.s32 $0xFFFFF000  }
0xa9: {  	[hbm4b:s13+s4] =	stream.linear.scatter [tilespmem:s9], [sflag:$0x3], $0x1000, $0x38;
	[tilespmem:$0x1FA88] =	vst v63  }
0xaa: {  	_ =	swait.ge [sflag:s15], $0x1000  }
0xab: {  	[sflag:s15] =	ssyncset.done $0x0  }
0xac: {  	s6 =	sadd.s32 s6, s25;
	[sflag:s15] =	ssyncadd.s32 $0xFFFFF000  }
0xad: {  	[tilespmem:s22], [sflag:$0x3] =	stream.linear.gather [hbm4b:s6+s4], $0x100, $0x38;
	[tilespmem:$0x1FA88] =	vst v63  }
0xae: {  	_ =	swait.ge [sflag:s15], $0x100  }
0xaf: {  	[sflag:s15] =	ssyncset.done $0x0  }
0xb0: {  	[sflag:s15] =	ssyncadd.s32 $0xFFFFFF00  }
0xb1: {  	v38 =	vld [tilespmem:$0x18D68]  }
0xb2: {  	v39 =	vld [tilespmem:$0x18DC8]  }
0xb3: {  	v40 =	vld [tilespmem:$0x18D88]  }
0xb4: {  	v41 =	vld [tilespmem:$0x18D48]  }
0xb5: {  	v42 =	vld [tilespmem:$0x18D38]  }
0xb6: {  	v43 =	vld [tilespmem:$0x18DB8];
	v12 =	vadd.s32 $0x186A0, v38  }
0xb7: {  	v44 =	vld [tilespmem:$0x18D28];
	v13 =	vadd.s32 $0x186A0, v39;
	[tilespmem:$0x18B68] =	vst v12  }
0xb8: {  	v46 =	vld [tilespmem:$0x18CF8];
	v45 =	vadd.s32 $0x186A0, v40;
	[tilespmem:$0x18BC8] =	vst v13  }
0xb9: {  	v48 =	vld [tilespmem:$0x18D58];
	v47 =	vadd.s32 $0x186A0, v41;
	[tilespmem:$0x18B88] =	vst v45  }
0xba: {  	v50 =	vld [tilespmem:$0x18D08];
	v16 =	vadd.s32 $0x186A0, v42;
	[tilespmem:$0x18B48] =	vst v47  }
0xbb: {  	v52 =	vld [tilespmem:$0x18D18];
	v51 =	vadd.s32 $0x186A0, v43;
	[tilespmem:$0x18B38] =	vst v16  }
0xbc: {  	v53 =	vld [tilespmem:$0x18D78];
	v18 =	vadd.s32 $0x186A0, v44;
	[tilespmem:$0x18BB8] =	vst v51  }
0xbd: {  	v54 =	vld [tilespmem:$0x18CD8];
	v14 =	vadd.s32 $0x186A0, v46;
	[tilespmem:$0x18B28] =	vst v18  }
0xbe: {  	v56 =	vld [tilespmem:$0x18D98];
	v55 =	vadd.s32 $0x186A0, v48;
	[tilespmem:$0x18AF8] =	vst v14  }
0xbf: {  	v57 =	vld [tilespmem:$0x18DA8];
	v58 =	vadd.s32 $0x186A0, v50;
	[tilespmem:$0x18B58] =	vst v55  }
0xc0: {  	v49 =	vld [tilespmem:$0x18CE8];
	v59 =	vadd.s32 $0x186A0, v52;
	[tilespmem:$0x18B08] =	vst v58  }
0xc1: {  	v60 =	vadd.s32 $0x186A0, v53;
	[tilespmem:$0x18B18] =	vst v59  }
0xc2: {  	v61 =	vadd.s32 $0x186A0, v54;
	[tilespmem:$0x18B78] =	vst v60  }
0xc3: {  	v62 =	vadd.s32 $0x186A0, v56;
	[tilespmem:$0x18AD8] =	vst v61  }
0xc4: {  	v63 =	vadd.s32 $0x186A0, v57;
	[tilespmem:$0x18B98] =	vst v62  }
0xc5: {  	v12 =	vadd.s32 $0x186A0, v49;
	[tilespmem:$0x18BA8] =	vst v63  }
0xc6: {  	[tilespmem:$0x18AE8] =	vst v12  }
0xc7: {  	[tilespmem:s9], [sflag:$0x3] =	stream.indirect.gather [hbm4b:s5+s24], $0x10, s19, s24, $0xb8;
	[tilespmem:$0x1FA88] =	vst v63  }
0xc8: {  	_ =	swait.ge [sflag:s15], $0x1000  }
0xc9: {  	[sflag:s15] =	ssyncset.done $0x0  }
0xca: {  	[sflag:s15] =	ssyncadd.s32 $0xFFFFF000  }
0xcb: {  	[hbm4b:s0+s4] =	stream.linear.scatter [tilespmem:s9], [sflag:$0x3], $0x1000, $0x38;
	[tilespmem:$0x1FA88] =	vst v63  }
0xcc: {  	_ =	swait.ge [sflag:s15], $0x1000  }
0xcd: {  	[sflag:s15] =	ssyncset.done $0x0  }
0xce: {  	s13 =	simm.s32 $0x0;
	s20 =	rddreg [dreg:$0xa];
	[sflag:s15] =	ssyncadd.s32 $0xFFFFF000  }
0xcf: {  	[tilespmem:s19], [sflag:$0x3] =	stream.linear.gather [hbm4b:s20+s13], $0x100, $0x38;
	[tilespmem:$0x1FA88] =	vst v63  }
0xd0: {  	_ =	swait.ge [sflag:s15], $0x100  }
0xd1: {  	[sflag:s15] =	ssyncset.done $0x0  }
0xd2: {  	[sflag:s15] =	ssyncadd.s32 $0xFFFFFF00  }
0xd3: {  	[tilespmem:s9], [sflag:$0x3] =	stream.indirect.gather [hbm4b:s5+s24], $0x10, s19, s24, $0xb8;
	[tilespmem:$0x1FA88] =	vst v63  }
0xd4: {  	_ =	swait.ge [sflag:s15], $0x1000  }
0xd5: {  	[sflag:s15] =	ssyncset.done $0x0  }
0xd6: {  	s22 =	rddreg [dreg:$0xb];
	[sflag:s15] =	ssyncadd.s32 $0xFFFFF000  }
0xd7: {  	[spmem:s22] =	stream.linear.scatter [tilespmem:s9], [sflag:$0x3], $0x1000, $0x38;
	[tilespmem:$0x1FA88] =	vst v63  }
0xd8: {  	_ =	swait.ge [sflag:s15], $0x1000  }
0xd9: {  	[sflag:s15] =	ssyncset.done $0x0  }
0xda: {  	s30 =	sadd.s32 $0x0, s16;
	[sflag:s15] =	ssyncadd.s32 $0xFFFFF000  }
0xdb: {  	[spmem:s30] =	stream.linear.scatter [tilespmem:s17], [sflag:$0x3], $0x880, $0x38;
	[tilespmem:$0x1FA88] =	vst v63  }
0xdc: {  	s0 =	simm.s32 $0x2200;
	_ =	swait.ge [sflag:s15], $0x880  }
.LBB2_6:
0xdd: {  	s6 =	sshra.s32 s0, $0x2;
	[sflag:s15] =	ssyncset.done $0x0;
	p0 =	sne.s32 s0, $0x52E00  }
.Ltmp4:
0xde: {  	s6 =	sadd.s32 s6, s16;
	[sflag:s15] =	ssyncadd.s32 $0xFFFFF780;
	(pc) =	sbr.rel @p0 .LBB2_6-.Ltmp4, $3  }
0xdf: {  	[spmem:s6] =	stream.linear.scatter [tilespmem:s17], [sflag:$0x3], $0x880, $0x38;
	[tilespmem:$0x1FA88] =	vst v63  }
0xe0: {  	s0 =	sadd.s32 $0x2200, s0;
	_ =	sdelay $0x1  }
0xe1: {  	_ =	swait.ge [sflag:s15], $0x880  }
0xe2: {  	[sflag:s15] =	ssyncset.done $0x0  }
0xe3: {  	s0 =	rddreg [dreg:$0xc];
	[sflag:s15] =	ssyncadd.s32 $0xFFFFF780  }
0xe4: {  	[spmem:s0] =	stream.linear.scatter [tilespmem:s17], [sflag:$0x3], $0x80, $0x38;
	[tilespmem:$0x1FA88] =	vst v63  }
0xe5: {  	_ =	swait.ge [sflag:s15], $0x80  }
0xe6: {  	[sflag:s15] =	ssyncset.done $0x0  }
0xe7: {  	s5 =	simm.s32 $0x1F818;
	s20 =	rddreg [dreg:$0xd];
	[sflag:s15] =	ssyncadd.s32 $0xFFFFFF80  }
0xe8: {  	[spmem:s20] =	stream.linear.scatter [tilespmem:s5], [sflag:$0x3], $0x260, $0x38;
	[tilespmem:$0x1FA88] =	vst v63  }
0xe9: {  	_ =	swait.ge [sflag:s15], $0x260  }
0xea: {  	[sflag:s15] =	ssyncset.done $0x0  }
0xeb: {  	s22 =	rddreg [dreg:$0x14];
	[sflag:s15] =	ssyncadd.s32 $0xFFFFFDA0  }
0xec: {  	[spmem:s22] =	stream.linear.scatter [tilespmem:s5], [sflag:$0x3], $0x260, $0x38;
	[tilespmem:$0x1FA88] =	vst v63  }
0xed: {  	_ =	swait.ge [sflag:s15], $0x260  }
0xee: {  	[sflag:s15] =	ssyncset.done $0x0  }
0xef: {  	s30 =	rddreg [dreg:$0x15];
	[sflag:s15] =	ssyncadd.s32 $0xFFFFFDA0  }
0xf0: {  	[spmem:s30] =	stream.linear.scatter [tilespmem:s5], [sflag:$0x3], $0x260, $0x38;
	[tilespmem:$0x1FA88] =	vst v63  }
0xf1: {  	_ =	swait.ge [sflag:s15], $0x260  }
0xf2: {  	[sflag:s15] =	ssyncset.done $0x0  }
0xf3: {  	s6 =	rddreg [dreg:$0x16];
	[sflag:s15] =	ssyncadd.s32 $0xFFFFFDA0  }
0xf4: {  	[spmem:s6] =	stream.linear.scatter [tilespmem:s5], [sflag:$0x3], $0x260, $0x38;
	[tilespmem:$0x1FA88] =	vst v63  }
0xf5: {  	_ =	swait.ge [sflag:s15], $0x260  }
0xf6: {  	[sflag:s15] =	ssyncset.done $0x0  }
0xf7: {  	s8 =	rddreg [dreg:$0x17];
	[sflag:s15] =	ssyncadd.s32 $0xFFFFFDA0  }
0xf8: {  	[spmem:s8] =	stream.linear.scatter [tilespmem:s5], [sflag:$0x3], $0x260, $0x38;
	[tilespmem:$0x1FA88] =	vst v63  }
0xf9: {  	_ =	swait.ge [sflag:s15], $0x260  }
0xfa: {  	[sflag:s15] =	ssyncset.done $0x0  }
0xfb: {  	s13 =	rddreg [dreg:$0x18];
	[sflag:s15] =	ssyncadd.s32 $0xFFFFFDA0  }
0xfc: {  	[spmem:s13] =	stream.linear.scatter [tilespmem:s5], [sflag:$0x3], $0x260, $0x38;
	[tilespmem:$0x1FA88] =	vst v63  }
0xfd: {  	_ =	swait.ge [sflag:s15], $0x260  }
0xfe: {  	[sflag:s15] =	ssyncset.done $0x0  }
0xff: {  	s20 =	rddreg [dreg:$0x19];
	[sflag:s15] =	ssyncadd.s32 $0xFFFFFDA0  }
0x100: {  	[spmem:s20] =	stream.linear.scatter [tilespmem:s5], [sflag:$0x3], $0x260, $0x38;
	[tilespmem:$0x1FA88] =	vst v63  }
0x101: {  	_ =	swait.ge [sflag:s15], $0x260  }
0x102: {  	[sflag:s15] =	ssyncset.done $0x0  }
0x103: {  	s22 =	rddreg [dreg:$0x1a];
	[sflag:s15] =	ssyncadd.s32 $0xFFFFFDA0  }
0x104: {  	[spmem:s22] =	stream.linear.scatter [tilespmem:s5], [sflag:$0x3], $0x260, $0x38;
	[tilespmem:$0x1FA88] =	vst v63  }
0x105: {  	_ =	swait.ge [sflag:s15], $0x260  }
0x106: {  	[sflag:s15] =	ssyncset.done $0x0  }
0x107: {  	s30 =	rddreg [dreg:$0xf];
	[sflag:s15] =	ssyncadd.s32 $0xFFFFFDA0  }
0x108: {  	[spmem:s30] =	stream.linear.scatter [tilespmem:s5], [sflag:$0x3], $0x248, $0x38;
	[tilespmem:$0x1FA88] =	vst v63  }
0x109: {  	_ =	swait.ge [sflag:s15], $0x248  }
0x10a: {  	[sflag:s15] =	ssyncset.done $0x0  }
0x10b: {  	[sflag:s15] =	ssyncadd.s32 $0xFFFFFDB8  }
0x10c: {  	s6 =	simm.s32 $0x0;
	[bflag:$0x0] =	sbarrier.arrive $0xFFFF  }
.LBB2_8:
0x10d: {  	s0 =	sshll.u32 s6, $0x1;
	s5 =	rddreg [dreg:$0x9]  }
.Ltmp5:
0x10e: {  	s0 =	sor.u32 s5, s0;
	(pc) =	sbr.rel .LBB2_9-.Ltmp5, $4  }
0x10f: {  	s0 =	smul.u32 $0x15400, s0  }
0x110: {  	s22 =	rddreg [dreg:$0x10]  }
0x111: {  	s30 =	sadd.s32 s22, s6;
	s8 =	sadd.s32 $0x15400, s0  }
0x112: {  	[dreg:$0x1c] =	wrdreg s6;
	s22 =	simm.s32 $0x0;
	s6 =	smul.u32 $0xCB20, s30;
	v12 =	vmov s0;
	v13 =	vmov s8  }
.LBB2_17:
0x113: {  	s22 =	sadd.s32 $0x1, s22  }
0x114: {  	p0 =	sne.s32 s22, $0xA  }
.Ltmp6:
0x115: {  	_ = 	snop;
	(pc) =	sbr.rel @!p0 .LBB2_18-.Ltmp6, $4  }
0x116: {  	_ = 	snop  }
0x117: {  	_ =	swait.ge [sflag:s29], $0x1450  }
0x118: {  	[sflag:s29] =	ssyncset.done $0x0  }
0x119: {  	[sflag:s29] =	ssyncadd.s32 $0xFFFFEBB0  }
.LBB2_9:
0x11a: {  	s0 =	smul.u32 $0x140, s22;
	_ =	sdelay $0x1  }
0x11b: {  	s0 =	sadd.s32 s12, s0  }
0x11c: {  	s8 =	sshll.u32 s0, $0x1  }
0x11d: {  	s20 =	simm.s32 $0x0;
	s0 =	simm.s32 $0x18CD8;
	s13 =	sadd.s32 s7, s8  }
0x11e: {  	[tilespmem:s0], [sflag:$0x3] =	stream.linear.gather [hbm4b:s13+s20], $0x1400, $0x38;
	[tilespmem:$0x1FA88] =	vst v63  }
0x11f: {  	_ =	swait.ge [sflag:s15], $0x1400  }
0x120: {  	[sflag:s15] =	ssyncset.done $0x0;
	s5 =	rddreg [dreg:$0x7]  }
0x121: {  	s13 =	simm.s32 $0x1A1D8;
	[sflag:s15] =	ssyncadd.s32 $0xFFFFEC00;
	s8 =	sadd.s32 s5, s8  }
0x122: {  	[tilespmem:s13], [sflag:$0x3] =	stream.linear.gather [hbm4b:s8+s20], $0x1400, $0x38;
	[tilespmem:$0x1FA88] =	vst v63  }
0x123: {  	_ =	swait.ge [sflag:s15], $0x1400  }
0x124: {  	[sflag:s15] =	ssyncset.done $0x0  }
0x125: {  	[sflag:s15] =	ssyncadd.s32 $0xFFFFEC00  }
0x126: {  	v14 =	vld [tilespmem:s0+$0x0];
	_ =	sdelay $0x4  }
0x127: {  	vm3 =	vge.s32 v14, v12;
	vm4 =	vlt.s32 v14, v13  }
0x128: {  	vm3 =	vmand vm3, vm4  }
0x129: {  	v15 =	vsel vm3, $0x1, v2  }
0x12a: {  	v16 =	vperm.xlane v15, v3  }
0x12b: {  	vm3 =	veq.s32 v4, $0x0  }
0x12c: {  	v16 =	vsel vm3, $0x0, v16  }
0x12d: {  	v15 =	vadd.s32 v15, v16  }
0x12e: {  	v16 =	vperm.xlane v15, v5;
	_ =	sdelay $0x1  }
0x12f: {  	v16 =	vsel vm0, $0x0, v16  }
0x130: {  	v15 =	vadd.s32 v16, v15  }
0x131: {  	v16 =	vperm.xlane v15, v6;
	_ =	sdelay $0x1  }
0x132: {  	v16 =	vsel vm1, $0x0, v16  }
0x133: {  	v15 =	vadd.s32 v16, v15  }
0x134: {  	v16 =	vperm.xlane v15, v7;
	_ =	sdelay $0x1  }
0x135: {  	v16 =	vsel vm2, $0x0, v16  }
0x136: {  	v15 =	vadd.s32 v16, v15  }
0x137: {  	v16 =	vperm.xlane v15, v8;
	_ =	sdelay $0x1  }
0x138: {  	vm4 =	vgt.s32 v16, v4  }
0x139: {  	v16 =	vsel vm4, $0x3, v11  }
0x13a: {  	v17 =	vperm.xlane v15, v16;
	_ =	sdelay $0x1  }
0x13b: {  	(v2sf) =	vpush v15, $0xF;
	v18 =	vsel vm4, $0x7, v9;
	vm5 =	vgt.s32 v17, v4  }
0x13c: {  	v17 =	vsel vm4, $0x0, v10;
	v18 =	vsel vm5, v16, v18;
	v16 =	vadd.s32 $0x1, v16  }
0x13d: {  	v16 =	vsel vm5, v17, v16;
	v17 =	vadd.s32 $0xFFFFFFFF, v18  }
0x13e: {  	v17 =	vadd.s32 v17, v16  }
0x13f: {  	v17 =	vshrl.u32 v17, $0x1  }
0x140: {  	v19 =	vperm.xlane v15, v17;
	_ =	sdelay $0x1  }
0x141: {  	vm4 =	vgt.s32 v19, v4  }
0x142: {  	v18 =	vsel vm4, v17, v18;
	v17 =	vadd.s32 $0x1, v17  }
0x143: {  	v16 =	vsel vm4, v16, v17;
	v17 =	vadd.s32 $0xFFFFFFFF, v18  }
0x144: {  	v18 =	vxor.u32 v17, v16  }
0x145: {  	v19 =	vld [tilespmem:s13+$0x0];
	v17 =	vor.u32 v17, v16;
	v18 =	vshrl.u32 v18, $0x1  }
0x146: {  	v17 =	vsub.s32 v17, v18  }
0x147: {  	v14 =	vsub.s32 v14, v12;
	v15 =	vperm.xlane v15, v17  }
0x148: {  	v18 =	vshll.u32 v14, $0xC;
	v14 =	vshll.u32 v14, $0xD  }
0x149: {  	v14 =	vadd.s32 s20, v14;
	vm4 =	vgt.s32 v15, v4;
	v15 =	vadd.s32 $0x1, v17  }
0x14a: {  	s30 =	spop (v2sf);
	v14 =	vadd.s32 v4, v14;
	v15 =	vsel vm4, v16, v15;
	v16 =	vor.u32 v18, v19  }
0x14b: {  	s8 =	simm.s32 $0x10;
	s30 =	sadd.s32 $0x0, s30;
	v16 =	vperm.xlane v16, v15;
	v15 =	vperm.xlane v14, v15  }
.LBB2_10:
0x14c: {  	_ = 	snop  }
0x14d: {  	p0 =	sne.s32 s8, $0x13F0;
	s0 =	sadd.s32 $0x10, s0;
	s13 =	sadd.s32 $0x10, s13;
	[tilespmem:s20+$0x1C6D8] =	vst v16  }
0x14e: {  	s5 =	smov.u32 s8;
	s8 =	sadd.s32 $0x10, s8;
	[tilespmem:s20+$0x1DB38] =	vst v15;
	s20 =	smov.u32 s30  }
0x14f: {  	v14 =	vld [tilespmem:s0+$0x0];
	_ =	sdelay $0x4  }
0x150: {  	vm4 =	vge.s32 v14, v12;
	vm5 =	vlt.s32 v14, v13;
	v14 =	vsub.s32 v14, v12  }
0x151: {  	vm4 =	vmand vm4, vm5;
	v15 =	vshll.u32 v14, $0xC;
	v14 =	vshll.u32 v14, $0xD  }
0x152: {  	v16 =	vsel vm4, $0x1, v2;
	v14 =	vadd.s32 s5, v14  }
0x153: {  	v17 =	vperm.xlane v16, v3;
	_ =	sdelay $0x1  }
0x154: {  	v17 =	vsel vm3, $0x0, v17  }
0x155: {  	v16 =	vadd.s32 v16, v17  }
0x156: {  	v17 =	vperm.xlane v16, v5;
	_ =	sdelay $0x1  }
0x157: {  	v17 =	vsel vm0, $0x0, v17  }
0x158: {  	v16 =	vadd.s32 v17, v16  }
0x159: {  	v17 =	vperm.xlane v16, v6;
	_ =	sdelay $0x1  }
0x15a: {  	v17 =	vsel vm1, $0x0, v17  }
0x15b: {  	v16 =	vadd.s32 v17, v16  }
0x15c: {  	v17 =	vperm.xlane v16, v7;
	_ =	sdelay $0x1  }
0x15d: {  	v17 =	vsel vm2, $0x0, v17  }
0x15e: {  	v16 =	vadd.s32 v17, v16  }
0x15f: {  	v17 =	vperm.xlane v16, v8;
	(v2sf) =	vpush v16, $0xF;
	_ =	sdelay $0x1  }
0x160: {  	vm4 =	vgt.s32 v17, v4  }
0x161: {  	v17 =	vsel vm4, $0x3, v11  }
0x162: {  	v18 =	vperm.xlane v16, v17;
	_ =	sdelay $0x1  }
0x163: {  	v19 =	vsel vm4, $0x7, v9;
	vm5 =	vgt.s32 v18, v4  }
0x164: {  	v18 =	vsel vm4, $0x0, v10;
	v19 =	vsel vm5, v17, v19;
	v17 =	vadd.s32 $0x1, v17  }
0x165: {  	v17 =	vsel vm5, v18, v17;
	v18 =	vadd.s32 $0xFFFFFFFF, v19  }
0x166: {  	v18 =	vadd.s32 v18, v17  }
0x167: {  	v18 =	vshrl.u32 v18, $0x1  }
0x168: {  	v20 =	vperm.xlane v16, v18;
	_ =	sdelay $0x1  }
0x169: {  	vm4 =	vgt.s32 v20, v4  }
0x16a: {  	v19 =	vsel vm4, v18, v19;
	v18 =	vadd.s32 $0x1, v18  }
0x16b: {  	v17 =	vsel vm4, v17, v18;
	v18 =	vadd.s32 $0xFFFFFFFF, v19;
	s5 =	spop (v2sf)  }
0x16c: {  	v19 =	vor.u32 v18, v17;
	v18 =	vxor.u32 v18, v17;
	s30 =	sadd.s32 s30, s5  }
0x16d: {  	v18 =	vshrl.u32 v18, $0x1;
	v20 =	vld [tilespmem:s13+$0x0]  }
0x16e: {  	v18 =	vsub.s32 v19, v18  }
.Ltmp7:
0x16f: {  	v16 =	vperm.xlane v16, v18;
	(pc) =	sbr.rel @p0 .LBB2_10-.Ltmp7, $4  }
0x170: {  	_ = 	snop  }
0x171: {  	vm4 =	vgt.s32 v16, v4;
	v16 =	vadd.s32 $0x1, v18  }
0x172: {  	v14 =	vadd.s32 v4, v14;
	v17 =	vsel vm4, v17, v16;
	v15 =	vor.u32 v15, v20  }
0x173: {  	v16 =	vperm.xlane v15, v17;
	v15 =	vperm.xlane v14, v17  }
0x174: {  	s0 =	sadd.s32 $0xFF, s30  }
0x175: {  	s13 =	sshll.u32 s30, $0x2;
	s5 =	sshra.s32 s0, $0x1F;
	s8 =	sand.u32 $0xFF, s0  }
0x176: {  	p0 =	slt.s32 s0, $0x1;
	s5 =	sshrl.u32 s5, $0x18;
	p1 =	sne.s32 s8, $0x0  }
0x177: {  	s0 =	sadd.s32 s5, s0;
	p0 =	por !p0, !p1;
	s5 =	sshra.s32 s13, $0x2  }
0x178: {  	s8 =	simm.s32 $0x1;
	p0 =	por !p0, !p0;
	s13 =	sadd.s32 $0x1C6D8, s5  }
0x179: {  	s0 =	sshra.s32 s0, $0x8;
	v14 =	vmov s13;
	s8 =	simm.s32 @!p0 $0x0  }
0x17a: {  	s5 =	sadd.s32 $0x1DB38, s5;
	s0 =	ssub.s32 s0, s8  }
0x17b: {  	[tilespmem:s20+$0x1DB38] =	vst v15;
	v15 =	vmov s5;
	s8 =	sshll.u32 s0, $0x8  }
0x17c: {  	p0 =	sge.s32 s30, s8  }
0x17d: {  	[tilespmem:s20+$0x1C6D8] =	vst v16;
	s20 =	simm.s32 @!p0 $0x0;
	v16 =	vimm.s32 @!p0 $0x15400000  }
0x17e: {  	[smem:s22] =	sst s30;
	s13 =	simm.s32 $0x40;
	[tilespmem:v14+s20+$0x0 ss:$0x1] =	vst.idx.msk @!p0 $0xffff, v16;
	v16 =	vimm.s32 @!p0 $0x2A800000  }
.LBB2_12:
0x17f: {  	s5 =	smov.u32 s13;
	s13 =	sadd.s32 $0x40, s13  }
0x180: {  	[tilespmem:v15+s20+$0x0 ss:$0x1] =	vst.idx.msk @!p0 $0xffff, v16;
	s30 =	sadd.s32 $0x10, s30;
	p1 =	sne.s32 s13, $0x400  }
.Ltmp8:
0x181: {  	(pc) =	sbr.rel @p1 .LBB2_12-.Ltmp8, $4  }
0x182: {  	_ = 	snop  }
0x183: {  	p0 =	sge.s32 s30, s8  }
0x184: {  	s20 =	sshra.s32 @!p0 s5, $0x2;
	v16 =	vimm.s32 @!p0 $0x15400000  }
0x185: {  	[tilespmem:v14+s20+$0x0 ss:$0x1] =	vst.idx.msk @!p0 $0xffff, v16;
	v16 =	vimm.s32 @!p0 $0x2A800000  }
0x186: {  	_ =	sdelay $0x3  }
0x187: {  	s5 =	smul.u32 $0x1450, s22;
	[tilespmem:v15+s20+$0x0 ss:$0x1] =	vst.idx.msk @!p0 $0xffff, v16;
	p0 =	slt.s32 s0, $0x1  }
.Ltmp9:
0x188: {  	_ = 	snop;
	(pc) =	sbr.rel @p0 .LBB2_17-.Ltmp9, $4  }
0x189: {  	s5 =	sadd.s32 s6, s5  }
0x18a: {  	s5 =	sshrl.u32 s5, $0x3  }
0x18b: {  	s8 =	simm.s32 $0x0;
	s13 =	simm.s32 $0x1C6D8;
	s5 =	sadd.s32 s11, s5  }
0x18c: {  	[hbm4b:s5+s8] =	stream.linear.scatter [tilespmem:s18], [sflag:$0x2], $0x1450, $0x38;
	[tilespmem:$0x1FA88] =	vst v63  }
.LBB2_14:
0x18d: {  	v14 =	vmov s13;
	_ =	sdelay $0x3  }
0x18e: {  	s20 =	simm.s32 $0x0;
	s30 =	simm.s32 $0x40  }
.LBB2_15:
0x18f: {  	p0 =	sne.s32 s30, $0x3C0;
	v15 =	vld.idx.msk [tilespmem:v14+s20+$0x0 ss:$0x1], $0xffff;
	_ =	sdelay $0x3  }
.Ltmp10:
0x190: {  	(pc) =	sbr.rel @p0 .LBB2_15-.Ltmp10, $4  }
0x191: {  	_ = 	snop  }
0x192: {  	v16 =	vshra.s32 v15, $0xC;
	v15 =	vand.u32 $0xFFF, v15  }
0x193: {  	[tilespmem:s20+$0x18AD8] =	vst v16  }
0x194: {  	[tilespmem:s20+$0x1B5D8] =	vst v15;
	s20 =	sshra.s32 s30, $0x2;
	s30 =	sadd.s32 $0x40, s30  }
0x195: {  	_ =	sdelay $0x3  }
0x196: {  	v14 =	vld.idx.msk [tilespmem:v14+s20+$0x0 ss:$0x1], $0xffff;
	_ =	sdelay $0x4  }
0x197: {  	v15 =	vshra.s32 v14, $0xC  }
0x198: {  	v14 =	vand.u32 $0xFFF, v14;
	[tilespmem:s20+$0x18AD8] =	vst v15  }
0x199: {  	[tilespmem:s20+$0x1B5D8] =	vst v14  }
0x19a: {  	[spmem:s3] =	stream.indirect.scatter.add.f32 [tilespmem:s23], [sflag:$0x1], $0x1, s19, s24, $0xb8;
	[tilespmem:$0x1FA88] =	vst v63  }
0x19b: {  	_ = 	snop  }
0x19c: {  	[tilespmem:s28], [sflag:$0x3] =	stream.indirect.gather [spmem:s1], $0x10, s26, s24, $0xb8;
	[tilespmem:$0x1FA88] =	vst v63  }
0x19d: {  	_ =	swait.ge [sflag:s15], $0x1000  }
0x19e: {  	[sflag:s15] =	ssyncset.done $0x0  }
0x19f: {  	s8 =	sadd.s32 $0x1, s8;
	[sflag:s15] =	ssyncadd.s32 $0xFFFFF000  }
0x1a0: {  	[spmem:s2] =	stream.indirect.scatter.add.f32 [tilespmem:s28], [sflag:$0x3], $0x10, s19, s24, $0xb8;
	[tilespmem:$0x1FA88] =	vst v63  }
0x1a1: {  	p0 =	sne.s32 s8, s0;
	_ =	swait.ge [sflag:s15], $0x1000  }
.Ltmp11:
0x1a2: {  	[sflag:s15] =	ssyncset.done $0x0;
	(pc) =	sbr.rel @p0 .LBB2_14-.Ltmp11, $4  }
.Ltmp12:
0x1a3: {  	[sflag:s15] =	ssyncadd.s32 $0xFFFFF000;
	(pc) =	sbr.rel @!p0 .LBB2_17-.Ltmp12, $4  }
0x1a4: {  	_ =	swait.ge [sflag:s21], $0x100  }
0x1a5: {  	[sflag:s21] =	ssyncset.done $0x0  }
0x1a6: {  	s13 =	sadd.s32 $0x100, s13;
	[sflag:s21] =	ssyncadd.s32 $0xFFFFFF00  }
0x1a7: {  	_ = 	snop  }
.LBB2_18:
0x1a8: {  	[bflag:$0x0] =	sbarrier.arrive $0xFFFF;
	s22 =	simm.s32 $0x0;
	s30 =	simm.s32 $0x179C8  }
.LBB2_19:
0x1a9: {  	s0 =	sshll.u32 s22, $0x8  }
0x1aa: {  	s0 =	sadd.s32 s14, s0  }
0x1ab: {  	s5 =	sshll.u32 s0, $0x4  }
0x1ac: {  	s5 =	sand.u32 $0x3FFFFFF0, s5  }
0x1ad: {  	s20 =	sadd.s32 s5, s2  }
0x1ae: {  	[tilespmem:s9], [sflag:$0x3] =	stream.linear.gather [spmem:s20], $0x1000, $0x38;
	[tilespmem:$0x1FA88] =	vst v63  }
0x1af: {  	_ =	swait.ge [sflag:s15], $0x1000  }
0x1b0: {  	[sflag:s15] =	ssyncset.done $0x0  }
0x1b1: {  	s0 =	sadd.s32 s0, s3;
	[sflag:s15] =	ssyncadd.s32 $0xFFFFF000  }
0x1b2: {  	[tilespmem:s30], [sflag:$0x3] =	stream.linear.gather [spmem:s0], $0x100, $0x38;
	[tilespmem:$0x1FA88] =	vst v63  }
0x1b3: {  	_ =	swait.ge [sflag:s15], $0x100  }
0x1b4: {  	[sflag:s15] =	ssyncset.done $0x0  }
0x1b5: {  	s13 =	simm.s32 $0x0;
	[sflag:s15] =	ssyncadd.s32 $0xFFFFFF00  }
0x1b6: {  	v12 =	vld [tilespmem:s13+$0x179C8];
	_ =	sdelay $0x4  }
0x1b7: {  	v12 =	vmax.f32 v12, $1.000000000e+00  }
0x1b8: {  	(erf) = vrcp.f32 v12;
	_ =	sdelay $0x8  }
0x1b9: {  	s0 =	simm.s32 $0x17B58;
	v15 =	vpop (erf)  }
0x1ba: {  	v40 =	vld [tilespmem:s0+$0xFFFFFF80];
	v17 =	vbroadcast v15, $0x0  }
0x1bb: {  	v13 =	vld [tilespmem:s0+$0xFFFFFF90];
	v18 =	vbroadcast v15, $0x1;
	v21 =	vbroadcast v15, $0x2  }
0x1bc: {  	v14 =	vld [tilespmem:s0+$0xFFFFFFA0];
	v41 =	vbroadcast v15, $0x3;
	v43 =	vbroadcast v15, $0x4  }
0x1bd: {  	v16 =	vld [tilespmem:s0+$0xFFFFFFB0];
	v44 =	vbroadcast v15, $0x5;
	v23 =	vbroadcast v15, $0x6  }
0x1be: {  	v20 =	vld [tilespmem:s0+$0xFFFFFFD0];
	v47 =	vbroadcast v15, $0x7;
	v50 =	vbroadcast v15, $0x8  }
0x1bf: {  	v42 =	vld [tilespmem:s0+$0xFFFFFFE0];
	v51 =	vbroadcast v15, $0x9;
	v12 =	vmul.f32 v17, v40  }
0x1c0: {  	v46 =	vld [tilespmem:s0+$0x10];
	v54 =	vbroadcast v15, $0xA;
	v13 =	vmul.f32 v18, v13  }
0x1c1: {  	v57 =	vld [tilespmem:s0+$0x60];
	v55 =	vbroadcast v15, $0xB;
	v14 =	vmul.f32 v14, v21;
	[tilespmem:s0+$0xFFFFFF80] =	vst v12  }
0x1c2: {  	v58 =	vld [tilespmem:s0+$0x70];
	v59 =	vbroadcast v15, $0xC;
	v16 =	vmul.f32 v16, v41;
	[tilespmem:s0+$0xFFFFFF90] =	vst v13  }
0x1c3: {  	v19 =	vld [tilespmem:s0+$0xFFFFFFC0];
	v60 =	vbroadcast v15, $0xD;
	v17 =	vmul.f32 v20, v44;
	[tilespmem:s0+$0xFFFFFFA0] =	vst v14  }
0x1c4: {  	v22 =	vld [tilespmem:s0+$0xFFFFFFF0];
	v61 =	vbroadcast v15, $0xE;
	v18 =	vmul.f32 v42, v23;
	[tilespmem:s0+$0xFFFFFFB0] =	vst v16  }
0x1c5: {  	v48 =	vld [tilespmem:s0+$0x20];
	v15 =	vbroadcast v15, $0xF;
	v56 =	vmul.f32 v46, v51;
	[tilespmem:s0+$0xFFFFFFD0] =	vst v17  }
0x1c6: {  	v49 =	vld [tilespmem:s0+$0x30];
	v62 =	vmul.f32 v57, v61;
	[tilespmem:s0+$0xFFFFFFE0] =	vst v18  }
0x1c7: {  	v45 =	vld [tilespmem:s0+$0x0];
	v63 =	vmul.f32 v58, v15;
	[tilespmem:s0+$0x10] =	vst v56  }
0x1c8: {  	v53 =	vld [tilespmem:s0+$0x50];
	v12 =	vmul.f32 v19, v43;
	[tilespmem:s0+$0x60] =	vst v62  }
0x1c9: {  	v52 =	vld [tilespmem:s0+$0x40];
	v14 =	vmul.f32 v22, v47;
	[tilespmem:s0+$0x70] =	vst v63  }
0x1ca: {  	v19 =	vmul.f32 v48, v54;
	[tilespmem:s0+$0xFFFFFFC0] =	vst v12  }
0x1cb: {  	v13 =	vmul.f32 v49, v55;
	[tilespmem:s0+$0xFFFFFFF0] =	vst v14  }
0x1cc: {  	v12 =	vmul.f32 v45, v50;
	[tilespmem:s0+$0x20] =	vst v19  }
0x1cd: {  	v16 =	vmul.f32 v53, v60;
	[tilespmem:s0+$0x30] =	vst v13  }
0x1ce: {  	[tilespmem:s0+$0x0] =	vst v12;
	v12 =	vmul.f32 v52, v59  }
0x1cf: {  	[tilespmem:s0+$0x50] =	vst v16  }
0x1d0: {  	s8 =	simm.s32 $0x80;
	s13 =	simm.s32 $0x10;
	[tilespmem:s0+$0x40] =	vst v12  }
.LBB2_20:
0x1d1: {  	p0 =	sne.s32 s8, $0x3C0;
	v12 =	vld [tilespmem:s13+$0x179C8];
	_ =	sdelay $0x4  }
0x1d2: {  	v12 =	vmax.f32 v12, $1.000000000e+00  }
0x1d3: {  	(erf) = vrcp.f32 v12;
	_ =	sdelay $0x3  }
0x1d4: {  	s0 =	sadd.s32 $0x100, s0  }
0x1d5: {  	v12 =	vld [tilespmem:s0+$0xFFFFFFB0]  }
0x1d6: {  	v13 =	vld [tilespmem:s0+$0xFFFFFF90]  }
0x1d7: {  	v14 =	vld [tilespmem:s0+$0xFFFFFF80]  }
0x1d8: {  	v15 =	vld [tilespmem:s0+$0xFFFFFFA0]  }
0x1d9: {  	v16 =	vld [tilespmem:s0+$0xFFFFFFF0];
	v17 =	vpop (erf)  }
0x1da: {  	v18 =	vbroadcast v17, $0x0;
	v19 =	vbroadcast v17, $0x1;
	v20 =	vld [tilespmem:s0+$0xFFFFFFD0]  }
0x1db: {  	v21 =	vbroadcast v17, $0x2;
	v22 =	vbroadcast v17, $0x3;
	v23 =	vld [tilespmem:s0+$0xFFFFFFC0]  }
0x1dc: {  	v14 =	vmul.f32 v18, v14;
	v13 =	vmul.f32 v19, v13;
	v18 =	vld [tilespmem:s0+$0xFFFFFFE0]  }
0x1dd: {  	v12 =	vmul.f32 v12, v22;
	v15 =	vmul.f32 v15, v21;
	v19 =	vld [tilespmem:s0+$0x30]  }
0x1de: {  	v21 =	vbroadcast v17, $0x5;
	[tilespmem:s0+$0xFFFFFF80] =	vst v14;
	v14 =	vbroadcast v17, $0x4;
	v22 =	vld [tilespmem:s0+$0x10]  }
0x1df: {  	v24 =	vbroadcast v17, $0x7;
	[tilespmem:s0+$0xFFFFFF90] =	vst v13;
	v13 =	vbroadcast v17, $0x6;
	v25 =	vld [tilespmem:s0+$0x0]  }
0x1e0: {  	[tilespmem:s0+$0xFFFFFFA0] =	vst v15;
	v14 =	vmul.f32 v23, v14;
	v15 =	vmul.f32 v20, v21;
	v20 =	vld [tilespmem:s0+$0x20]  }
0x1e1: {  	[tilespmem:s0+$0xFFFFFFB0] =	vst v12;
	v12 =	vmul.f32 v18, v13;
	v13 =	vmul.f32 v16, v24;
	v16 =	vld [tilespmem:s0+$0x70]  }
0x1e2: {  	v18 =	vbroadcast v17, $0x9;
	[tilespmem:s0+$0xFFFFFFC0] =	vst v14;
	v14 =	vbroadcast v17, $0x8;
	v21 =	vld [tilespmem:s0+$0x50]  }
0x1e3: {  	v23 =	vbroadcast v17, $0xB;
	[tilespmem:s0+$0xFFFFFFD0] =	vst v15;
	v15 =	vbroadcast v17, $0xA;
	v24 =	vld [tilespmem:s0+$0x40]  }
0x1e4: {  	[tilespmem:s0+$0xFFFFFFE0] =	vst v12;
	v12 =	vmul.f32 v25, v14;
	v14 =	vmul.f32 v22, v18;
	v18 =	vld [tilespmem:s0+$0x60]  }
0x1e5: {  	[tilespmem:s0+$0xFFFFFFF0] =	vst v13;
	v13 =	vmul.f32 v20, v15;
	v15 =	vmul.f32 v19, v23  }
0x1e6: {  	v19 =	vbroadcast v17, $0xD;
	[tilespmem:s0+$0x0] =	vst v12;
	v12 =	vbroadcast v17, $0xC  }
0x1e7: {  	[tilespmem:s0+$0x10] =	vst v14;
	v14 =	vbroadcast v17, $0xE;
	v17 =	vbroadcast v17, $0xF  }
0x1e8: {  	[tilespmem:s0+$0x20] =	vst v13;
	v12 =	vmul.f32 v24, v12;
	v13 =	vmul.f32 v21, v19  }
.Ltmp13:
0x1e9: {  	[tilespmem:s0+$0x30] =	vst v15;
	v14 =	vmul.f32 v18, v14;
	v15 =	vmul.f32 v16, v17;
	(pc) =	sbr.rel @p0 .LBB2_20-.Ltmp13, $4  }
0x1ea: {  	[tilespmem:s0+$0x40] =	vst v12  }
0x1eb: {  	[tilespmem:s0+$0x50] =	vst v13  }
0x1ec: {  	[tilespmem:s0+$0x60] =	vst v14  }
0x1ed: {  	s13 =	sshra.s32 s8, $0x2;
	s8 =	sadd.s32 $0x40, s8;
	[tilespmem:s0+$0x70] =	vst v15  }
0x1ee: {  	v12 =	vld [tilespmem:s13+$0x179C8];
	_ =	sdelay $0x4  }
0x1ef: {  	v12 =	vmax.f32 v12, $1.000000000e+00  }
0x1f0: {  	(erf) = vrcp.f32 v12;
	_ =	sdelay $0x8  }
0x1f1: {  	s0 =	sadd.s32 $0x100, s0;
	v15 =	vpop (erf)  }
0x1f2: {  	v40 =	vld [tilespmem:s0+$0xFFFFFF80];
	v17 =	vbroadcast v15, $0x0  }
0x1f3: {  	v13 =	vld [tilespmem:s0+$0xFFFFFF90];
	v18 =	vbroadcast v15, $0x1;
	v21 =	vbroadcast v15, $0x2  }
0x1f4: {  	v14 =	vld [tilespmem:s0+$0xFFFFFFA0];
	v41 =	vbroadcast v15, $0x3;
	v43 =	vbroadcast v15, $0x4  }
0x1f5: {  	v16 =	vld [tilespmem:s0+$0xFFFFFFB0];
	v44 =	vbroadcast v15, $0x5;
	v23 =	vbroadcast v15, $0x6  }
0x1f6: {  	v20 =	vld [tilespmem:s0+$0xFFFFFFD0];
	v47 =	vbroadcast v15, $0x7;
	v50 =	vbroadcast v15, $0x8  }
0x1f7: {  	v42 =	vld [tilespmem:s0+$0xFFFFFFE0];
	v51 =	vbroadcast v15, $0x9;
	v12 =	vmul.f32 v17, v40  }
0x1f8: {  	v46 =	vld [tilespmem:s0+$0x10];
	v54 =	vbroadcast v15, $0xA;
	v13 =	vmul.f32 v18, v13  }
0x1f9: {  	v57 =	vld [tilespmem:s0+$0x60];
	v55 =	vbroadcast v15, $0xB;
	v14 =	vmul.f32 v14, v21;
	[tilespmem:s0+$0xFFFFFF80] =	vst v12  }
0x1fa: {  	v58 =	vld [tilespmem:s0+$0x70];
	v59 =	vbroadcast v15, $0xC;
	v16 =	vmul.f32 v16, v41;
	[tilespmem:s0+$0xFFFFFF90] =	vst v13  }
0x1fb: {  	v19 =	vld [tilespmem:s0+$0xFFFFFFC0];
	v60 =	vbroadcast v15, $0xD;
	v17 =	vmul.f32 v20, v44;
	[tilespmem:s0+$0xFFFFFFA0] =	vst v14  }
0x1fc: {  	v22 =	vld [tilespmem:s0+$0xFFFFFFF0];
	v61 =	vbroadcast v15, $0xE;
	v18 =	vmul.f32 v42, v23;
	[tilespmem:s0+$0xFFFFFFB0] =	vst v16  }
0x1fd: {  	v48 =	vld [tilespmem:s0+$0x20];
	v15 =	vbroadcast v15, $0xF;
	v56 =	vmul.f32 v46, v51;
	[tilespmem:s0+$0xFFFFFFD0] =	vst v17  }
0x1fe: {  	v49 =	vld [tilespmem:s0+$0x30];
	v62 =	vmul.f32 v57, v61;
	[tilespmem:s0+$0xFFFFFFE0] =	vst v18  }
0x1ff: {  	v45 =	vld [tilespmem:s0+$0x0];
	v63 =	vmul.f32 v58, v15;
	[tilespmem:s0+$0x10] =	vst v56  }
0x200: {  	v53 =	vld [tilespmem:s0+$0x50];
	v12 =	vmul.f32 v19, v43;
	[tilespmem:s0+$0x60] =	vst v62  }
0x201: {  	v52 =	vld [tilespmem:s0+$0x40];
	v14 =	vmul.f32 v22, v47;
	[tilespmem:s0+$0x70] =	vst v63  }
0x202: {  	v19 =	vmul.f32 v48, v54;
	[tilespmem:s0+$0xFFFFFFC0] =	vst v12  }
0x203: {  	v13 =	vmul.f32 v49, v55;
	[tilespmem:s0+$0xFFFFFFF0] =	vst v14  }
0x204: {  	v12 =	vmul.f32 v45, v50;
	[tilespmem:s0+$0x20] =	vst v19  }
0x205: {  	v16 =	vmul.f32 v53, v60;
	[tilespmem:s0+$0x30] =	vst v13  }
0x206: {  	s22 =	sadd.s32 $0x1, s22;
	[tilespmem:s0+$0x0] =	vst v12;
	v12 =	vmul.f32 v52, v59  }
0x207: {  	p0 =	sne.s32 s22, $0x15;
	[tilespmem:s0+$0x50] =	vst v16  }
.Ltmp14:
0x208: {  	[tilespmem:s0+$0x40] =	vst v12;
	(pc) =	sbr.rel @p0 .LBB2_19-.Ltmp14, $4  }
0x209: {  	[spmem:s20] =	stream.linear.scatter [tilespmem:s9], [sflag:$0x3], $0x1000, $0x38;
	[tilespmem:$0x1FA88] =	vst v63  }
0x20a: {  	_ =	swait.ge [sflag:s15], $0x1000  }
0x20b: {  	[sflag:s15] =	ssyncset.done $0x0  }
0x20c: {  	[sflag:s15] =	ssyncadd.s32 $0xFFFFF000  }
0x20d: {  	s0 =	rddreg [dreg:$0x11]  }
0x20e: {  	[tilespmem:s9], [sflag:$0x3] =	stream.linear.gather [spmem:s0], $0x480, $0x38;
	[tilespmem:$0x1FA88] =	vst v63  }
0x20f: {  	_ =	swait.ge [sflag:s15], $0x480  }
0x210: {  	[sflag:s15] =	ssyncset.done $0x0  }
0x211: {  	s22 =	rddreg [dreg:$0x12];
	[sflag:s15] =	ssyncadd.s32 $0xFFFFFB80  }
0x212: {  	[tilespmem:s30], [sflag:$0x3] =	stream.linear.gather [spmem:s22], $0x48, $0x38;
	[tilespmem:$0x1FA88] =	vst v63  }
0x213: {  	_ =	swait.ge [sflag:s15], $0x48  }
0x214: {  	[sflag:s15] =	ssyncset.done $0x0  }
0x215: {  	s30 =	simm.s32 $0x0;
	[sflag:s15] =	ssyncadd.s32 $0xFFFFFFB8  }
0x216: {  	v12 =	vld [tilespmem:s30+$0x179C8];
	_ =	sdelay $0x4  }
0x217: {  	v12 =	vmax.f32 v12, $1.000000000e+00  }
0x218: {  	(erf) = vrcp.f32 v12;
	_ =	sdelay $0x8  }
0x219: {  	s0 =	simm.s32 $0x17B58;
	v15 =	vpop (erf)  }
0x21a: {  	v40 =	vld [tilespmem:s0+$0xFFFFFF80];
	v17 =	vbroadcast v15, $0x0  }
0x21b: {  	v13 =	vld [tilespmem:s0+$0xFFFFFF90];
	v18 =	vbroadcast v15, $0x1;
	v21 =	vbroadcast v15, $0x2  }
0x21c: {  	v14 =	vld [tilespmem:s0+$0xFFFFFFA0];
	v41 =	vbroadcast v15, $0x3;
	v43 =	vbroadcast v15, $0x4  }
0x21d: {  	v16 =	vld [tilespmem:s0+$0xFFFFFFB0];
	v44 =	vbroadcast v15, $0x5;
	v23 =	vbroadcast v15, $0x6  }
0x21e: {  	v20 =	vld [tilespmem:s0+$0xFFFFFFD0];
	v47 =	vbroadcast v15, $0x7;
	v50 =	vbroadcast v15, $0x8  }
0x21f: {  	v42 =	vld [tilespmem:s0+$0xFFFFFFE0];
	v51 =	vbroadcast v15, $0x9;
	v12 =	vmul.f32 v17, v40  }
0x220: {  	v46 =	vld [tilespmem:s0+$0x10];
	v54 =	vbroadcast v15, $0xA;
	v13 =	vmul.f32 v18, v13  }
0x221: {  	v57 =	vld [tilespmem:s0+$0x60];
	v55 =	vbroadcast v15, $0xB;
	v14 =	vmul.f32 v14, v21;
	[tilespmem:s0+$0xFFFFFF80] =	vst v12  }
0x222: {  	v58 =	vld [tilespmem:s0+$0x70];
	v59 =	vbroadcast v15, $0xC;
	v16 =	vmul.f32 v16, v41;
	[tilespmem:s0+$0xFFFFFF90] =	vst v13  }
0x223: {  	v19 =	vld [tilespmem:s0+$0xFFFFFFC0];
	v60 =	vbroadcast v15, $0xD;
	v17 =	vmul.f32 v20, v44;
	[tilespmem:s0+$0xFFFFFFA0] =	vst v14  }
0x224: {  	v22 =	vld [tilespmem:s0+$0xFFFFFFF0];
	v61 =	vbroadcast v15, $0xE;
	v18 =	vmul.f32 v42, v23;
	[tilespmem:s0+$0xFFFFFFB0] =	vst v16  }
0x225: {  	v48 =	vld [tilespmem:s0+$0x20];
	v15 =	vbroadcast v15, $0xF;
	v56 =	vmul.f32 v46, v51;
	[tilespmem:s0+$0xFFFFFFD0] =	vst v17  }
0x226: {  	v49 =	vld [tilespmem:s0+$0x30];
	v62 =	vmul.f32 v57, v61;
	[tilespmem:s0+$0xFFFFFFE0] =	vst v18  }
0x227: {  	v45 =	vld [tilespmem:s0+$0x0];
	v63 =	vmul.f32 v58, v15;
	[tilespmem:s0+$0x10] =	vst v56  }
0x228: {  	v53 =	vld [tilespmem:s0+$0x50];
	v12 =	vmul.f32 v19, v43;
	[tilespmem:s0+$0x60] =	vst v62  }
0x229: {  	v52 =	vld [tilespmem:s0+$0x40];
	v14 =	vmul.f32 v22, v47;
	[tilespmem:s0+$0x70] =	vst v63  }
0x22a: {  	v19 =	vmul.f32 v48, v54;
	[tilespmem:s0+$0xFFFFFFC0] =	vst v12  }
0x22b: {  	v13 =	vmul.f32 v49, v55;
	[tilespmem:s0+$0xFFFFFFF0] =	vst v14  }
0x22c: {  	v12 =	vmul.f32 v45, v50;
	[tilespmem:s0+$0x20] =	vst v19  }
0x22d: {  	v16 =	vmul.f32 v53, v60;
	[tilespmem:s0+$0x30] =	vst v13  }
0x22e: {  	[tilespmem:s0+$0x0] =	vst v12;
	v12 =	vmul.f32 v52, v59  }
0x22f: {  	[tilespmem:s0+$0x50] =	vst v16  }
0x230: {  	s13 =	simm.s32 $0x10;
	s8 =	simm.s32 $0x80;
	[tilespmem:s0+$0x40] =	vst v12  }
.LBB2_23:
0x231: {  	p0 =	sne.s32 s8, $0x100;
	v12 =	vld [tilespmem:s13+$0x179C8];
	_ =	sdelay $0x4  }
0x232: {  	v12 =	vmax.f32 v12, $1.000000000e+00  }
0x233: {  	(erf) = vrcp.f32 v12;
	_ =	sdelay $0x3  }
0x234: {  	s0 =	sadd.s32 $0x100, s0  }
0x235: {  	v12 =	vld [tilespmem:s0+$0xFFFFFFB0]  }
0x236: {  	v13 =	vld [tilespmem:s0+$0xFFFFFF90]  }
0x237: {  	v14 =	vld [tilespmem:s0+$0xFFFFFF80]  }
0x238: {  	v15 =	vld [tilespmem:s0+$0xFFFFFFA0]  }
0x239: {  	v16 =	vld [tilespmem:s0+$0xFFFFFFF0];
	v17 =	vpop (erf)  }
0x23a: {  	v18 =	vbroadcast v17, $0x0;
	v19 =	vbroadcast v17, $0x1;
	v20 =	vld [tilespmem:s0+$0xFFFFFFD0]  }
0x23b: {  	v21 =	vbroadcast v17, $0x2;
	v22 =	vbroadcast v17, $0x3;
	v23 =	vld [tilespmem:s0+$0xFFFFFFC0]  }
0x23c: {  	v14 =	vmul.f32 v18, v14;
	v13 =	vmul.f32 v19, v13;
	v18 =	vld [tilespmem:s0+$0xFFFFFFE0]  }
0x23d: {  	v12 =	vmul.f32 v12, v22;
	v15 =	vmul.f32 v15, v21;
	v19 =	vld [tilespmem:s0+$0x30]  }
0x23e: {  	v21 =	vbroadcast v17, $0x5;
	[tilespmem:s0+$0xFFFFFF80] =	vst v14;
	v14 =	vbroadcast v17, $0x4;
	v22 =	vld [tilespmem:s0+$0x10]  }
0x23f: {  	v24 =	vbroadcast v17, $0x7;
	[tilespmem:s0+$0xFFFFFF90] =	vst v13;
	v13 =	vbroadcast v17, $0x6;
	v25 =	vld [tilespmem:s0+$0x0]  }
0x240: {  	[tilespmem:s0+$0xFFFFFFA0] =	vst v15;
	v14 =	vmul.f32 v23, v14;
	v15 =	vmul.f32 v20, v21;
	v20 =	vld [tilespmem:s0+$0x20]  }
0x241: {  	[tilespmem:s0+$0xFFFFFFB0] =	vst v12;
	v12 =	vmul.f32 v18, v13;
	v13 =	vmul.f32 v16, v24;
	v16 =	vld [tilespmem:s0+$0x70]  }
0x242: {  	v18 =	vbroadcast v17, $0x9;
	[tilespmem:s0+$0xFFFFFFC0] =	vst v14;
	v14 =	vbroadcast v17, $0x8;
	v21 =	vld [tilespmem:s0+$0x50]  }
0x243: {  	v23 =	vbroadcast v17, $0xB;
	[tilespmem:s0+$0xFFFFFFD0] =	vst v15;
	v15 =	vbroadcast v17, $0xA;
	v24 =	vld [tilespmem:s0+$0x40]  }
0x244: {  	[tilespmem:s0+$0xFFFFFFE0] =	vst v12;
	v12 =	vmul.f32 v25, v14;
	v14 =	vmul.f32 v22, v18;
	v18 =	vld [tilespmem:s0+$0x60]  }
0x245: {  	[tilespmem:s0+$0xFFFFFFF0] =	vst v13;
	v13 =	vmul.f32 v20, v15;
	v15 =	vmul.f32 v19, v23  }
0x246: {  	v19 =	vbroadcast v17, $0xD;
	[tilespmem:s0+$0x0] =	vst v12;
	v12 =	vbroadcast v17, $0xC  }
0x247: {  	[tilespmem:s0+$0x10] =	vst v14;
	v14 =	vbroadcast v17, $0xE;
	v17 =	vbroadcast v17, $0xF  }
0x248: {  	[tilespmem:s0+$0x20] =	vst v13;
	v12 =	vmul.f32 v24, v12;
	v13 =	vmul.f32 v21, v19  }
.Ltmp15:
0x249: {  	[tilespmem:s0+$0x30] =	vst v15;
	v14 =	vmul.f32 v18, v14;
	v15 =	vmul.f32 v16, v17;
	(pc) =	sbr.rel @p0 .LBB2_23-.Ltmp15, $4  }
0x24a: {  	[tilespmem:s0+$0x40] =	vst v12  }
0x24b: {  	[tilespmem:s0+$0x50] =	vst v13  }
0x24c: {  	[tilespmem:s0+$0x60] =	vst v14  }
0x24d: {  	s13 =	sshra.s32 s8, $0x2;
	s8 =	sadd.s32 $0x40, s8;
	[tilespmem:s0+$0x70] =	vst v15  }
0x24e: {  	v12 =	vld [tilespmem:s13+$0x179C8];
	_ =	sdelay $0x4  }
0x24f: {  	v12 =	vmax.f32 v12, $1.000000000e+00  }
0x250: {  	(erf) = vrcp.f32 v12;
	_ =	sdelay $0x8  }
0x251: {  	s0 =	sadd.s32 $0x100, s0;
	v15 =	vpop (erf)  }
0x252: {  	v40 =	vld [tilespmem:s0+$0xFFFFFF80];
	v17 =	vbroadcast v15, $0x0  }
0x253: {  	v13 =	vld [tilespmem:s0+$0xFFFFFF90];
	v18 =	vbroadcast v15, $0x1;
	v21 =	vbroadcast v15, $0x2  }
0x254: {  	v14 =	vld [tilespmem:s0+$0xFFFFFFA0];
	v41 =	vbroadcast v15, $0x3;
	v43 =	vbroadcast v15, $0x4  }
0x255: {  	v16 =	vld [tilespmem:s0+$0xFFFFFFB0];
	v44 =	vbroadcast v15, $0x5;
	v23 =	vbroadcast v15, $0x6  }
0x256: {  	v20 =	vld [tilespmem:s0+$0xFFFFFFD0];
	v47 =	vbroadcast v15, $0x7;
	v50 =	vbroadcast v15, $0x8  }
0x257: {  	v42 =	vld [tilespmem:s0+$0xFFFFFFE0];
	v51 =	vbroadcast v15, $0x9;
	v12 =	vmul.f32 v17, v40  }
0x258: {  	v46 =	vld [tilespmem:s0+$0x10];
	v54 =	vbroadcast v15, $0xA;
	v13 =	vmul.f32 v18, v13  }
0x259: {  	v57 =	vld [tilespmem:s0+$0x60];
	v55 =	vbroadcast v15, $0xB;
	v14 =	vmul.f32 v14, v21;
	[tilespmem:s0+$0xFFFFFF80] =	vst v12  }
0x25a: {  	v58 =	vld [tilespmem:s0+$0x70];
	v59 =	vbroadcast v15, $0xC;
	v16 =	vmul.f32 v16, v41;
	[tilespmem:s0+$0xFFFFFF90] =	vst v13  }
0x25b: {  	v19 =	vld [tilespmem:s0+$0xFFFFFFC0];
	v60 =	vbroadcast v15, $0xD;
	v17 =	vmul.f32 v20, v44;
	[tilespmem:s0+$0xFFFFFFA0] =	vst v14  }
0x25c: {  	v22 =	vld [tilespmem:s0+$0xFFFFFFF0];
	v61 =	vbroadcast v15, $0xE;
	v18 =	vmul.f32 v42, v23;
	[tilespmem:s0+$0xFFFFFFB0] =	vst v16  }
0x25d: {  	v48 =	vld [tilespmem:s0+$0x20];
	v15 =	vbroadcast v15, $0xF;
	v56 =	vmul.f32 v46, v51;
	[tilespmem:s0+$0xFFFFFFD0] =	vst v17  }
0x25e: {  	v49 =	vld [tilespmem:s0+$0x30];
	v62 =	vmul.f32 v57, v61;
	[tilespmem:s0+$0xFFFFFFE0] =	vst v18  }
0x25f: {  	v45 =	vld [tilespmem:s0+$0x0];
	v63 =	vmul.f32 v58, v15;
	[tilespmem:s0+$0x10] =	vst v56  }
0x260: {  	v53 =	vld [tilespmem:s0+$0x50];
	v12 =	vmul.f32 v19, v43;
	[tilespmem:s0+$0x60] =	vst v62  }
0x261: {  	v52 =	vld [tilespmem:s0+$0x40];
	v14 =	vmul.f32 v22, v47;
	[tilespmem:s0+$0x70] =	vst v63  }
0x262: {  	v19 =	vmul.f32 v48, v54;
	[tilespmem:s0+$0xFFFFFFC0] =	vst v12  }
0x263: {  	v13 =	vmul.f32 v49, v55;
	[tilespmem:s0+$0xFFFFFFF0] =	vst v14  }
0x264: {  	v12 =	vmul.f32 v45, v50;
	[tilespmem:s0+$0x20] =	vst v19  }
0x265: {  	v16 =	vmul.f32 v53, v60;
	[tilespmem:s0+$0x30] =	vst v13  }
0x266: {  	[tilespmem:s0+$0x0] =	vst v12;
	v12 =	vmul.f32 v52, v59  }
0x267: {  	[tilespmem:s0+$0x50] =	vst v16  }
0x268: {  	s30 =	rddreg [dreg:$0x11];
	[tilespmem:s0+$0x40] =	vst v12  }
0x269: {  	[spmem:s30] =	stream.linear.scatter [tilespmem:s9], [sflag:$0x3], $0x480, $0x38;
	[tilespmem:$0x1FA88] =	vst v63  }
.Ltmp16:
0x26a: {  	_ =	swait.ge [sflag:s15], $0x480;
	(pc) =	sbr.rel .LBB2_25-.Ltmp16, $4  }
0x26b: {  	[sflag:s15] =	ssyncset.done $0x0  }
0x26c: {  	[sflag:s15] =	ssyncadd.s32 $0xFFFFFB80  }
0x26d: {  	[bflag:$0x0] =	sbarrier.arrive $0xFFFF  }
0x26e: {  	s0 =	simm.s32 $0x0  }
.LBB2_30:
0x26f: {  	s0 =	sadd.s32 $0x1, s0  }
0x270: {  	p0 =	sne.s32 s0, $0xA  }
.Ltmp17:
0x271: {  	_ = 	snop;
	(pc) =	sbr.rel @!p0 .LBB2_31-.Ltmp17, $1  }
0x272: {  	_ =	sdelay $0x3  }
.LBB2_25:
0x273: {  	s5 =	smul.u32 $0x1450, s0;
	s8 =	sld [smem:s0+$0x0]  }
0x274: {  	_ = 	snop  }
0x275: {  	s5 =	sadd.s32 s6, s5  }
0x276: {  	s5 =	sshrl.u32 s5, $0x3;
	s22 =	sadd.s32 $0xFF, s8  }
0x277: {  	s5 =	sadd.s32 s11, s5;
	s8 =	sand.u32 $0xFF, s22  }
0x278: {  	[tilespmem:s18], [sflag:$0x3] =	stream.linear.gather [hbm4b:s5+s4], $0x1450, $0x38;
	[tilespmem:$0x1FA88] =	vst v63  }
0x279: {  	s30 =	sshra.s32 s22, $0x1F;
	p1 =	slt.s32 s22, $0x1;
	p0 =	sne.s32 s8, $0x0  }
0x27a: {  	s8 =	sshrl.u32 s30, $0x18;
	p0 =	por !p1, !p0  }
0x27b: {  	s5 =	sadd.s32 s8, s22;
	s8 =	simm.s32 $0x1;
	p0 =	por !p0, !p0  }
0x27c: {  	s5 =	sshra.s32 s5, $0x8;
	s8 =	simm.s32 @!p0 $0x0  }
0x27d: {  	s8 =	ssub.s32 s5, s8  }
0x27e: {  	p0 =	slt.s32 s8, $0x1  }
.Ltmp18:
0x27f: {  	_ = 	snop;
	(pc) =	sbr.rel @p0 .LBB2_30-.Ltmp18, $4  }
0x280: {  	_ = 	snop  }
0x281: {  	_ =	swait.ge [sflag:s15], $0x1450  }
0x282: {  	[sflag:s15] =	ssyncset.done $0x0  }
0x283: {  	[sflag:s15] =	ssyncadd.s32 $0xFFFFEBB0  }
0x284: {  	s5 =	smul.u32 $0x140, s0;
	_ =	sdelay $0x1  }
0x285: {  	s5 =	sadd.s32 s12, s5  }
0x286: {  	s5 =	sshll.u32 s5, $0x4  }
0x287: {  	s13 =	simm.s32 $0x0;
	s20 =	simm.s32 $0x1DB38;
	v12 =	vmov s5  }
.LBB2_27:
0x288: {  	v13 =	vmov s20;
	_ =	sdelay $0x3  }
0x289: {  	s22 =	simm.s32 $0x0;
	s30 =	simm.s32 $0x40  }
.LBB2_28:
0x28a: {  	p0 =	sne.s32 s30, $0x3C0;
	v14 =	vld.idx.msk [tilespmem:v13+s22+$0x0 ss:$0x1], $0xffff;
	_ =	sdelay $0x4  }
.Ltmp19:
0x28b: {  	(pc) =	sbr.rel @p0 .LBB2_28-.Ltmp19, $4  }
0x28c: {  	v15 =	vshra.s32 v14, $0xD;
	v16 =	vand.u32 $0x1FFF, v14  }
0x28d: {  	vm3 =	vgt.s32 v14, $0x2A7FFFFF;
	v14 =	vadd.s32 v12, v16;
	[tilespmem:s22+$0x18AD8] =	vst v15  }
0x28e: {  	v14 =	vsel vm3, $0xC8000, v14  }
0x28f: {  	[tilespmem:s22+$0x18BD8] =	vst v14;
	s22 =	sshra.s32 s30, $0x2;
	s30 =	sadd.s32 $0x40, s30  }
0x290: {  	_ =	sdelay $0x3  }
0x291: {  	v13 =	vld.idx.msk [tilespmem:v13+s22+$0x0 ss:$0x1], $0xffff;
	_ =	sdelay $0x4  }
0x292: {  	v14 =	vand.u32 $0x1FFF, v13  }
0x293: {  	v15 =	vshra.s32 v13, $0xD;
	vm3 =	vgt.s32 v13, $0x2A7FFFFF;
	v13 =	vadd.s32 v12, v14  }
0x294: {  	[tilespmem:s22+$0x18AD8] =	vst v15;
	v13 =	vsel vm3, $0xC8000, v13  }
0x295: {  	[tilespmem:s22+$0x18BD8] =	vst v13  }
0x296: {  	[tilespmem:s9], [sflag:$0x3] =	stream.indirect.gather [spmem:s2], $0x10, s19, s24, $0xb8;
	[tilespmem:$0x1FA88] =	vst v63  }
0x297: {  	_ =	swait.ge [sflag:s15], $0x1000  }
0x298: {  	s13 =	sadd.s32 $0x1, s13;
	[sflag:s15] =	ssyncset.done $0x0  }
0x299: {  	p0 =	sne.s32 s13, s8;
	[sflag:s15] =	ssyncadd.s32 $0xFFFFF000  }
0x29a: {  	[hbm4b:s10+s24] =	stream.indirect.scatter [tilespmem:s9], [sflag:$0x3], $0x10, s31, s24, $0xb8;
	[tilespmem:$0x1FA88] =	vst v63  }
.Ltmp20:
0x29b: {  	_ = 	snop;
	(pc) =	sbr.rel @p0 .LBB2_27-.Ltmp20, $4  }
.Ltmp21:
0x29c: {  	_ = 	snop;
	(pc) =	sbr.rel @!p0 .LBB2_30-.Ltmp21, $4  }
0x29d: {  	_ =	swait.ge [sflag:s15], $0x1000  }
0x29e: {  	[sflag:s15] =	ssyncset.done $0x0  }
0x29f: {  	s20 =	sadd.s32 $0x100, s20;
	[sflag:s15] =	ssyncadd.s32 $0xFFFFF000  }
0x2a0: {  	_ = 	snop  }
.LBB2_31:
0x2a1: {  	s6 =	rddreg [dreg:$0x1c]  }
0x2a2: {  	p0 =	seq.s32 s6, $0x5  }
.Ltmp22:
0x2a3: {  	_ = 	snop;
	(pc) =	sbr.rel @p0 .LBB2_35-.Ltmp22, $3  }
0x2a4: {  	_ =	sdelay $0x1  }
0x2a5: {  	[bflag:$0x0] =	sbarrier.arrive $0xFFFF  }
0x2a6: {  	s0 =	simm.s32 $0x0  }
0x2a7: {  	s5 =	sshra.s32 s0, $0x2  }
0x2a8: {  	s5 =	sadd.s32 s5, s16  }
0x2a9: {  	[spmem:s5] =	stream.linear.scatter [tilespmem:s17], [sflag:$0x3], $0x880, $0x38;
	[tilespmem:$0x1FA88] =	vst v63  }
0x2aa: {  	s0 =	sadd.s32 $0x2200, s0;
	_ =	swait.ge [sflag:s15], $0x880  }
.LBB2_33:
0x2ab: {  	s5 =	sshra.s32 s0, $0x2;
	[sflag:s15] =	ssyncset.done $0x0;
	p0 =	sne.s32 s0, $0x52E00  }
.Ltmp23:
0x2ac: {  	s5 =	sadd.s32 s5, s16;
	[sflag:s15] =	ssyncadd.s32 $0xFFFFF780;
	(pc) =	sbr.rel @p0 .LBB2_33-.Ltmp23, $3  }
0x2ad: {  	[spmem:s5] =	stream.linear.scatter [tilespmem:s17], [sflag:$0x3], $0x880, $0x38;
	[tilespmem:$0x1FA88] =	vst v63  }
0x2ae: {  	s0 =	sadd.s32 $0x2200, s0;
	_ =	sdelay $0x1  }
0x2af: {  	_ =	swait.ge [sflag:s15], $0x880  }
0x2b0: {  	[sflag:s15] =	ssyncset.done $0x0  }
0x2b1: {  	s0 =	rddreg [dreg:$0xc];
	[sflag:s15] =	ssyncadd.s32 $0xFFFFF780  }
0x2b2: {  	[spmem:s0] =	stream.linear.scatter [tilespmem:s17], [sflag:$0x3], $0x80, $0x38;
	[tilespmem:$0x1FA88] =	vst v63  }
0x2b3: {  	_ =	swait.ge [sflag:s15], $0x80  }
0x2b4: {  	[sflag:s15] =	ssyncset.done $0x0  }
0x2b5: {  	s5 =	simm.s32 $0x1F818;
	s13 =	rddreg [dreg:$0xd];
	[sflag:s15] =	ssyncadd.s32 $0xFFFFFF80  }
0x2b6: {  	[spmem:s13] =	stream.linear.scatter [tilespmem:s5], [sflag:$0x3], $0x260, $0x38;
	[tilespmem:$0x1FA88] =	vst v63  }
0x2b7: {  	_ =	swait.ge [sflag:s15], $0x260  }
0x2b8: {  	[sflag:s15] =	ssyncset.done $0x0  }
0x2b9: {  	s20 =	rddreg [dreg:$0x14];
	[sflag:s15] =	ssyncadd.s32 $0xFFFFFDA0  }
0x2ba: {  	[spmem:s20] =	stream.linear.scatter [tilespmem:s5], [sflag:$0x3], $0x260, $0x38;
	[tilespmem:$0x1FA88] =	vst v63  }
0x2bb: {  	_ =	swait.ge [sflag:s15], $0x260  }
0x2bc: {  	[sflag:s15] =	ssyncset.done $0x0  }
0x2bd: {  	s22 =	rddreg [dreg:$0x15];
	[sflag:s15] =	ssyncadd.s32 $0xFFFFFDA0  }
0x2be: {  	[spmem:s22] =	stream.linear.scatter [tilespmem:s5], [sflag:$0x3], $0x260, $0x38;
	[tilespmem:$0x1FA88] =	vst v63  }
0x2bf: {  	_ =	swait.ge [sflag:s15], $0x260  }
0x2c0: {  	[sflag:s15] =	ssyncset.done $0x0  }
0x2c1: {  	s30 =	rddreg [dreg:$0x16];
	[sflag:s15] =	ssyncadd.s32 $0xFFFFFDA0  }
0x2c2: {  	[spmem:s30] =	stream.linear.scatter [tilespmem:s5], [sflag:$0x3], $0x260, $0x38;
	[tilespmem:$0x1FA88] =	vst v63  }
0x2c3: {  	_ =	swait.ge [sflag:s15], $0x260  }
0x2c4: {  	[sflag:s15] =	ssyncset.done $0x0  }
0x2c5: {  	s8 =	rddreg [dreg:$0x17];
	[sflag:s15] =	ssyncadd.s32 $0xFFFFFDA0  }
0x2c6: {  	[spmem:s8] =	stream.linear.scatter [tilespmem:s5], [sflag:$0x3], $0x260, $0x38;
	[tilespmem:$0x1FA88] =	vst v63  }
0x2c7: {  	_ =	swait.ge [sflag:s15], $0x260  }
0x2c8: {  	[sflag:s15] =	ssyncset.done $0x0  }
0x2c9: {  	s13 =	rddreg [dreg:$0x18];
	[sflag:s15] =	ssyncadd.s32 $0xFFFFFDA0  }
0x2ca: {  	[spmem:s13] =	stream.linear.scatter [tilespmem:s5], [sflag:$0x3], $0x260, $0x38;
	[tilespmem:$0x1FA88] =	vst v63  }
0x2cb: {  	_ =	swait.ge [sflag:s15], $0x260  }
0x2cc: {  	[sflag:s15] =	ssyncset.done $0x0  }
0x2cd: {  	s20 =	rddreg [dreg:$0x19];
	[sflag:s15] =	ssyncadd.s32 $0xFFFFFDA0  }
0x2ce: {  	[spmem:s20] =	stream.linear.scatter [tilespmem:s5], [sflag:$0x3], $0x260, $0x38;
	[tilespmem:$0x1FA88] =	vst v63  }
0x2cf: {  	_ =	swait.ge [sflag:s15], $0x260  }
0x2d0: {  	[sflag:s15] =	ssyncset.done $0x0  }
0x2d1: {  	s22 =	rddreg [dreg:$0x1a];
	[sflag:s15] =	ssyncadd.s32 $0xFFFFFDA0  }
0x2d2: {  	[spmem:s22] =	stream.linear.scatter [tilespmem:s5], [sflag:$0x3], $0x260, $0x38;
	[tilespmem:$0x1FA88] =	vst v63  }
0x2d3: {  	_ =	swait.ge [sflag:s15], $0x260  }
0x2d4: {  	[sflag:s15] =	ssyncset.done $0x0  }
0x2d5: {  	s30 =	rddreg [dreg:$0xf];
	[sflag:s15] =	ssyncadd.s32 $0xFFFFFDA0  }
0x2d6: {  	[spmem:s30] =	stream.linear.scatter [tilespmem:s5], [sflag:$0x3], $0x248, $0x38;
	[tilespmem:$0x1FA88] =	vst v63  }
.Ltmp24:
0x2d7: {  	_ =	swait.ge [sflag:s15], $0x248;
	(pc) =	sbr.rel .LBB2_8-.Ltmp24, $4  }
0x2d8: {  	[sflag:s15] =	ssyncset.done $0x0  }
0x2d9: {  	[sflag:s15] =	ssyncadd.s32 $0xFFFFFDB8  }
0x2da: {  	[bflag:$0x0] =	sbarrier.arrive $0xFFFF  }
0x2db: {  	s6 =	sadd.s32 $0x1, s6  }
.LBB2_36:
0x2dc: {  	_ =	sfence.sel $0x180000  }
0x2dd: {  	[bflag:$0x0] =	sbarrier.arrive $0xFFFF  }
0x2de: {  	_ =	strace $0x90000047  }
0x2df: {  	s0 =	stileid.u32;
	[bflag:$0x2] =	sbarrier.arrive $0xFFFF  }
0x2e0: {  	p0 =	sne.s32 s0, $0x0;
	s0 =	rddreg [dreg:$0x6]  }
0x2e1: {  	s0 =	sadd.s32 @!p0 $0x100000, s0  }
0x2e2: {  	[sflag:s0] =	ssyncadd.tile.s32 @!p0 $0x1;
	_ =	shalt  }
.Lfunc_end2:
_tile_overlayer_lowered:
.L_overlay_start_2:
0x2e3: {  	(tag) =	ssettag $0x2  }
0x2e4: {  	s0 =	rddreg [dreg:$0x0];
	s2 =	stileid.u32  }
0x2e5: {  	s1 =	rddreg [dreg:$0x1];
	p0 =	sne.s32 s2, $0x0  }
0x2e6: {  	s3 =	rddreg [dreg:$0x2];
	[bflag:$0x3] =	sbarrier.arrive $0xFFFF;
	s2 =	simm.s32 @!p0 $0x1C03  }
0x2e7: {  	[timem:s3], [sflag:s2] =	dma.local @!p0 [hbm:s0], s1  }
0x2e8: {  	s0 =	simm.s32 @!p0 $0x3  }
0x2e9: {  	_ =	swait.ge @!p0 [sflag:s0], s1  }
0x2ea: {  	s1 =	ssub.s32 @!p0 $0x0, s1;
	[sflag:s0] =	ssyncset.done @!p0 $0x0  }
0x2eb: {  	[sflag:s0] =	ssyncadd.s32 @!p0 s1  }
0x2ec: {  	[bflag:$0x3] =	sbarrier.arrive $0xFFFF  }
0x2ed: {  	_ =	shalt  }

// kernel: sparse-core-data-format-call.cloned.1.call-start
scs
called_computation_lowered:
.L_overlay_start_0:
0x0: {  	s2 =	sld [smem:$0x3FD9]  }
0x1: {  	s3 =	sld [smem:$0x3FFE];
	_ =	sdelay $0x1  }
0x2: {  	s1 =	srdreg.scid  }
0x3: {  	s0 =	sand.u32 $0x1, s1  }
0x4: {  	s18 =	sshll.u32 s0, $0xA;
	s2 =	sadd.s32 s3, s2  }
0x5: {  	s2 =	sadd.s32 s2, s18  }
0x6: {  	[smem:$0x3FC3] =	sst s2  }
0x7: {  	_ = 	snop  }
0x8: {  	s2 =	sld [smem:$0x3FD0];
	(tm) =	ssettm $0x1  }
0x9: {  	s19 =	sld [smem:$0x3FFB];
	_ =	sdelay $0x3  }
0xa: {  	_ =	strace s19  }
0xb: {  	s3 =	sld [smem:$0x3FFC];
	_ =	sdelay $0x3  }
0xc: {  	_ =	strace s3  }
0xd: {  	s3 =	sld [smem:$0x3FFD];
	_ =	sdelay $0x3  }
0xe: {  	_ =	strace s3  }
0xf: {  	_ =	strace $0x8FFFFFFF  }
0x10: {  	s20 =	sld [smem:$0x3FDB];
	_ =	sdelay $0x1  }
0x11: {  	s4 =	simm.s32 $_scs_section_size  }
0x12: {  	s5 =	simm.s32 $_size__tile_overlayer_lowered;
	s6 =	simm.s32 $_tile_overlayer_lowered  }
0x13: {  	s23 =	simm.s32 $0x1BFF;
	s22 =	sshll.u32 s6, $0x1;
	s3 =	sadd.s32 s4, s20  }
0x14: {  	s7 =	simm.s32 $0x0;
	s21 =	sshll.u32 s5, $0x1;
	s5 =	sadd.s32 s22, s3  }
0x15: {  	[timem:s7], [sflag:s23] =	dma.local [hbm:s5], s21  }
0x16: {  	_ =	swait.ge [sflag:s23], s21  }
0x17: {  	s4 =	ssub.s32 $0x0, s21;
	[sflag:s23] =	ssyncset.done $0x0  }
0x18: {  	[sflag:s23] =	ssyncadd.s32 s4;
	_ =	sdelay $0x1  }
0x19: {  	s24 =	simm.s32 $0x1B8B  }
0x1a: {  	_ =	swait.ge [sflag:s24], $0x1  }
0x1b: {  	[sflag:s24] =	ssyncset.done $0x0  }
0x1c: {  	s26 =	simm.s32 $0x1B8E;
	s25 =	sld [smem:$0x3FFE];
	[sflag:s24] =	ssyncadd.s32 $0xFFFFFFFF  }
0x1d: {  	s27 =	simm.s32 $execute0_lowered;
	[smem:$0x3FD2] =	sst s26  }
0x1e: {  	s5 =	sshll.u32 s27, $0x1;
	_ =	strace $0x80000049;
	[dreg:$0x1] =	wrdreg $0xFFFFFFFF  }
0x1f: {  	s28 =	simm.s32 $_size_execute0_lowered;
	s3 =	sadd.s32 s3, s5;
	[dreg:$0x0] =	wrdreg $0x0  }
0x20: {  	s5 =	sshll.u32 s28, $0x1;
	[dreg:$0x2] =	wrdreg s3  }
0x21: {  	[dreg:$0x3] =	wrdreg s5  }
0x22: {  	[dreg:$0x4] =	wrdreg $0xC0  }
0x23: {  	_ =	task [dreg:s7], $0x5FFFF  }
0x24: {  	[dreg:$0x1] =	wrdreg $0xFFFFFFFF  }
0x25: {  	[dreg:$0x0] =	wrdreg $0x60  }
0x26: {  	[dreg:$0x2] =	wrdreg s25  }
0x27: {  	[dreg:$0x3] =	wrdreg s2  }
0x28: {  	[dreg:$0x4] =	wrdreg $0x9  }
0x29: {  	_ =	task.clear_ibuf [dreg:s7], $0x5FFFF;
	_ =	strace $0x90000049  }
0x2a: {  	s29 =	simm.s32 $0x9;
	_ =	strace $0x8000004B  }
0x2b: {  	_ =	swait.ge [sflag:s29], $0x1  }
0x2c: {  	[sflag:s29] =	ssyncadd.s32 $0xFFFFFFFF  }
0x2d: {  	_ =	strace $0x9000004B  }
0x2e: {  	_ =	sfence  }
0x2f: {  	s30 =	sld [smem:$0x0];
	_ =	sdelay $0x2  }
0x30: {  	s31 =	sshll.u32 s1, $0xD;
	s1 =	sshrl.u32 s1, $0x2  }
0x31: {  	s3 =	sand.u32 $0x4000, s31;
	s1 =	sadd.s32 s1, s30  }
0x32: {  	s0 =	sor.u32 s3, s0;
	s1 =	sshll.u32 s1, $0x11  }
0x33: {  	s0 =	sor.u32 s1, s0  }
0x34: {  	s0 =	sadd.s32 $0x8F2B, s0  }
0x35: {  	[sflag:s0] =	ssyncadd.remote.s32 $0x1  }
0x36: {  	_ =	sfence.sel $0xFFFF  }
0x37: {  	[dreg:$0x0] =	wrdreg $0xFFFFFFFF;
	(pc) =	sbr.abs _section_cstart, $3  }
0x38: {  	[dreg:$0x1] =	wrdreg $0xFFFFFFFF  }
0x39: {  	_ =	task.clear_ibuf [dreg:s7], $0x2FFFF;
	_ =	strace $0x9FFFFFFF  }
0x3a: {  	(tm) =	ssettm $0x7FFFFFFF  }
0x3b: {  	_ =	shalt  }
tec
execute0_lowered:
.L_overlay_start_1:
0x0: {  	(tag) =	ssettag $0x1  }
0x1: {  	s0 =	srdreg.scid  }
0x2: {  	s1 =	sshll.u32 s0, $0x4  }
0x3: {  	s0 =	stileid.u32;
	s1 =	sand.u32 $0x10, s1  }
0x4: {  	s1 =	sor.u32 s0, s1  }
0x5: {  	s6 =	rddreg [dreg:$0x0];
	s4 =	simm.s32 $0x1;
	s2 =	sshll.u32 s1, $0x7  }
0x6: {  	s7 =	simm.s32 $0x2;
	s12 =	simm.s32 $0x0;
	s1 =	ssub.s32 $0x1000, s2  }
0x7: {  	s8 =	simm.s32 $0x8000;
	s13 =	simm.s32 $0x0;
	s3 =	sand.u32 $0xF80, s1  }
0x8: {  	s9 =	simm.s32 $0x0;
	s5 =	sshrl.u32 s1, $0xC;
	p0 =	sne.s32 s3, $0x0  }
.Ltmp0:
0x9: {  	s1 =	rddreg [dreg:$0x2];
	s4 =	simm.s32 @!p0 $0x0;
	(pc) =	sbr.rel .LBB1_1-.Ltmp0, $4  }
0xa: {  	s11 =	simm.s32 $0x0;
	s3 =	rddreg [dreg:$0x1];
	s5 =	sadd.s32 s4, s5  }
0xb: {  	_ =	strace $0x8000004A;
	s4 =	simm.s32 $0x1;
	s5 =	smul.u32 $0xC8, s5  }
0xc: {  	s6 =	sadd.s32 $0x1BF4200, s6;
	s10 =	smov.u32 s2;
	[sflag:s4] =	ssyncpa.u1 $0x0  }
0xd: {  	p0 =	por $0x0, $0x0;
	[sflag:s7] =	ssyncpa.u1 $0x0;
	s7 =	sor.u32 $0x1, s5  }
.LBB1_4:
0xe: {  	s16 =	sshll.u32 s13, $0x3;
	s17 =	sand.u32 $0x78, s13  }
0xf: {  	s30 =	sand.u32 $0x1E00, s13;
	s12 =	sshll.u32 s12, $0xD;
	s16 =	sand.u32 $0xC00, s16  }
0x10: {  	s31 =	sand.u32 $0x7, s13;
	s16 =	sor.u32 s17, s16;
	s17 =	sadd.s32 s3, s30  }
0x11: {  	s13 =	sshll.u32 s31, $0x12;
	s16 =	sshrl.u32 s16, $0x3;
	s12 =	sadd.s32 s12, s17  }
0x12: {  	[tilespmem:s15+$0x0 ss:$0x81] =	vst.msk $0xffff, v1;
	s13 =	sor.u32 $0x400, s13;
	s12 =	sadd.s32 s16, s12  }
0x13: {  	[hbm4b:s12+s13] =	stream.strided.scatter [tilespmem:s14], [sflag:$0x2], $0x800, s8, s13, $0x20;
	[tilespmem:$0x2020] =	vst v63  }
.LBB1_5:
0x14: {  	s14 =	sadd.s32 $0x1, s9  }
0x15: {  	s12 =	sadd.s32 $0x1000, s10;
	s16 =	smov.u32 s10;
	p2 =	sgt.s32 s14, $0xC7  }
0x16: {  	s16 =	smov.u32 @p2 s12  }
0x17: {  	s14 =	simm.s32 @p2 $0x0;
	p2 =	sgt.s32 s16, $0xFFF  }
0x18: {  	s16 =	smov.u32 @p2 s2;
	p2 =	sne.s32 s11, s7  }
.Ltmp1:
0x19: {  	p1 =	slt.u32 s11, $0x2;
	(pc) =	sbr.rel @!p2 .LBB1_6-.Ltmp1, $4  }
0x1a: {  	s15 =	simm.s32 @!p1 $0x2  }
0x1b: {  	s13 =	smov.u32 s10;
	p0 =	por !p0, !p0;
	_ =	swait.ge @!p1 [sflag:s15], $0x800  }
0x1c: {  	s12 =	smov.u32 s9;
	[sflag:s15] =	ssyncset.done @!p1 $0x0;
	s9 =	smov.u32 s14  }
0x1d: {  	s11 =	sadd.s32 $0x1, s11;
	[sflag:s15] =	ssyncadd.s32 @!p1 $0xFFFFF800;
	s10 =	smov.u32 s16  }
.LBB1_1:
0x1e: {  	p1 =	sge.u32 s11, s5  }
0x1f: {  	s14 =	sand.u32 @!p1 $0x1FFFFFF, s9  }
0x20: {  	s15 =	smulhi.u32 @!p1 $0x147AE15, s14;
	_ =	sdelay $0x1  }
0x21: {  	s15 =	smul.u32 @!p1 $0xC8, s15  }
0x22: {  	s16 =	sxor.u32 @!p1 $0xFFFFFFFF, s11;
	s17 =	smul.u32 @!p1 $0xC80, s10  }
0x23: {  	s31 =	sadd.s32 $0xFFFFFFFF, s11;
	s16 =	sshll.u32 @!p1 s16, $0xB;
	s14 =	ssub.s32 @!p1 s14, s15  }
0x24: {  	s15 =	sand.u32 @!p1 $0x800, s16;
	s16 =	sadd.s32 @!p1 s6, s17;
	s14 =	sshll.u32 @!p1 s14, $0x4  }
0x25: {  	s17 =	simm.s32 @!p1 $0x6400;
	s14 =	sadd.s32 @!p1 s14, s16;
	s16 =	simm.s32 @!p1 $0x10  }
0x26: {  	[tilespmem:s15], [sflag:$0x1] =	stream.strided.gather @!p1 [hbm4b:s14+s16], $0x800, s17, s16, $0x38;
	[tilespmem:$0x2020] =	vst v63  }
0x27: {  	p1 =	sge.u32 s31, s5  }
.Ltmp2:
0x28: {  	_ = 	snop;
	(pc) =	sbr.rel @p1 .LBB1_5-.Ltmp2, $1  }
0x29: {  	_ =	sdelay $0x3  }
0x2a: {  	s14 =	simm.s32 $0x1  }
0x2b: {  	s14 =	simm.s32 @!p0 $0x0  }
0x2c: {  	s15 =	sshll.u32 s14, $0xB  }
0x2d: {  	v0 =	vmov s15;
	_ =	sdelay $0x1  }
0x2e: {  	_ =	swait.ge [sflag:s4], $0x800  }
0x2f: {  	s31 =	sand.u32 $0x1, s11;
	[sflag:s4] =	ssyncset.done $0x0  }
0x30: {  	s17 =	simm.s32 $0x0;
	s14 =	smul.u32 $0x2040, s14;
	[sflag:s4] =	ssyncadd.s32 $0xFFFFF800  }
0x31: {  	s15 =	smul.u32 $0x2040, s31;
	v1 =	vld.idx.msk [tilespmem:v0+s17+$0x0 ss:$0x1], $0xffff;
	_ =	sdelay $0x1  }
0x32: {  	s14 =	sshrl.u32 s14, $0x2;
	s16 =	sshrl.u32 s15, $0x2  }
0x33: {  	s15 =	sor.u32 $0x1000, s14;
	s14 =	sor.u32 $0x1000, s16;
	s16 =	simm.s32 $0x40  }
.LBB1_3:
0x34: {  	s17 =	sshra.s32 s16, $0x2;
	p1 =	sne.s32 s16, $0x1FC0;
	s16 =	sadd.s32 $0x40, s16  }
.Ltmp3:
0x35: {  	[tilespmem:s15+$0x0 ss:$0x81] =	vst.msk $0xffff, v1;
	v1 =	vld.idx.msk [tilespmem:v0+s17+$0x0 ss:$0x1], $0xffff;
	(pc) =	sbr.rel @p1 .LBB1_3-.Ltmp3, $2  }
0x36: {  	_ =	sdelay $0x2  }
0x37: {  	s15 =	sadd.s32 $0x1, s15  }
.Ltmp4:
0x38: {  	_ = 	snop;
	(pc) =	sbr.rel .LBB1_4-.Ltmp4, $1  }
0x39: {  	_ =	sdelay $0x3  }
.LBB1_6:
0x3a: {  	_ =	sfence.sel $0x180000  }
0x3b: {  	s2 =	simm.s32 $0x1;
	[bflag:$0x0] =	sbarrier.arrive $0xFFFF  }
0x3c: {  	s31 =	simm.s32 $0x2;
	[sflag:s2] =	ssyncpa.u1 $0x1  }
0x3d: {  	[sflag:s31] =	ssyncpa.u1 $0x1  }
0x3e: {  	p0 =	sne.s32 s0, $0x0;
	_ =	strace $0x9000004A  }
0x3f: {  	s0 =	sadd.s32 @!p0 $0x100000, s1;
	[bflag:$0x2] =	sbarrier.arrive $0xFFFF  }
0x40: {  	[sflag:s0] =	ssyncadd.tile.s32 @!p0 $0x1;
	_ =	shalt  }
.Lfunc_end1:
_tile_overlayer_lowered:
.L_overlay_start_2:
0x41: {  	(tag) =	ssettag $0x2  }
0x42: {  	s0 =	rddreg [dreg:$0x0];
	s2 =	stileid.u32  }
0x43: {  	s1 =	rddreg [dreg:$0x1];
	p0 =	sne.s32 s2, $0x0  }
0x44: {  	s3 =	rddreg [dreg:$0x2];
	[bflag:$0x3] =	sbarrier.arrive $0xFFFF;
	s2 =	simm.s32 @!p0 $0x1C01  }
0x45: {  	[timem:s3], [sflag:s2] =	dma.local @!p0 [hbm:s0], s1  }
0x46: {  	s0 =	simm.s32 @!p0 $0x1  }
0x47: {  	_ =	swait.ge @!p0 [sflag:s0], s1  }
0x48: {  	s1 =	ssub.s32 @!p0 $0x0, s1;
	[sflag:s0] =	ssyncset.done @!p0 $0x0  }
0x49: {  	[sflag:s0] =	ssyncadd.s32 @!p0 s1  }
0x4a: {  	[bflag:$0x3] =	sbarrier.arrive $0xFFFF  }
0x4b: {  	_ =	shalt  }

</sc_bundles>
